<compile_context>
chip_gen: v7x
topology: tpu7x:2x2x1
jax: 0.10.2.dev20260603
libtpu: 0.0.44.dev20260713+nightly
codegen_flags: <defaults>
</compile_context>

<pallas_src>
import functools

import jax
import jax.numpy as jnp
from jax import lax
from jax.experimental import pallas as pl
from jax.experimental.pallas import tpu as pltpu
from jax.experimental.pallas import tpu_sc as plsc

BATCH = 4096
MAXLEN = 200
VOCAB_ROWS = 1000000
EMBED = 64
LABELS = 100
LANES = 16
NC = 2
NS = 16
NW = NC * NS
B_PER_W = BATCH // NW
CHUNKS = ((0, 128), (128, 72))

NBUF = 4
UNROLL = 8
NCH = EMBED // LANES


def _pool_body(x_hbm, table_hbm, out_hbm, idx_v, rows_v, pooled_v, sems):
    w = lax.axis_index("s") * NC + lax.axis_index("c")
    base = w * B_PER_W
    pltpu.sync_copy(x_hbm.at[pl.ds(base, B_PER_W)], idx_v)

    def fire(b, k):
        for off, n in CHUNKS:
            pltpu.async_copy(
                table_hbm.at[idx_v.at[b, pl.ds(off, n)]],
                rows_v.at[k].at[pl.ds(off, n)],
                sems.at[k],
            )

    def drain(k):
        pltpu.make_async_copy(
            table_hbm.at[pl.ds(0, MAXLEN)], rows_v.at[k], sems.at[k]
        ).wait()

    def reduce_row(b, k):
        rv = rows_v.at[k]
        zero = jnp.zeros((LANES,), jnp.float32)

        def step(t, accs):
            accs = list(accs)
            for j in range(UNROLL):
                r = t * UNROLL + j
                for c in range(NCH):
                    a = c + NCH * (j % 2)
                    accs[a] = accs[a] + rv[r, pl.ds(c * LANES, LANES)]
            return tuple(accs)

        accs = lax.fori_loop(0, MAXLEN // UNROLL, step, (zero,) * (2 * NCH))
        scale = jnp.float32(1.0 / MAXLEN)
        for c in range(NCH):
            pooled_v[b, pl.ds(c * LANES, LANES)] = (accs[c] + accs[c + NCH]) * scale

    for k in range(NBUF):
        fire(k, k)

    def group(g, carry):
        for k in range(NBUF):
            b = g * NBUF + k
            drain(k)

            @pl.when(g < B_PER_W // NBUF - 1)
            def _():
                fire(b + NBUF, k)

            reduce_row(b, k)
        return carry

    lax.fori_loop(0, B_PER_W // NBUF, group, 0)
    pltpu.sync_copy(pooled_v, out_hbm.at[pl.ds(base, B_PER_W)])


_pool_kernel = functools.partial(
    pl.kernel,
    out_type=jax.ShapeDtypeStruct((BATCH, EMBED), jnp.float32),
    mesh=plsc.VectorSubcoreMesh(core_axis_name="c", subcore_axis_name="s"),
    scratch_types=[
        pltpu.VMEM((B_PER_W, MAXLEN), jnp.int32),
        pltpu.VMEM((NBUF, MAXLEN, EMBED), jnp.float32),
        pltpu.VMEM((B_PER_W, EMBED), jnp.float32),
        pltpu.SemaphoreType.DMA((NBUF,)),
    ],
    compiler_params=pltpu.CompilerParams(use_tc_tiling_on_sc=False),
)(_pool_body)


LPAD = 128
BM = 512


def _fc_body(p_ref, w_ref, b_ref, o_ref):
    o_ref[...] = (
        jnp.dot(p_ref[...], w_ref[...], preferred_element_type=jnp.float32)
        + b_ref[0:1, :]
    )


@jax.jit
def kernel(x, table, W, b):
    x = x.astype(jnp.int32)
    pooled = _pool_kernel(x, table)

    wp = jnp.zeros((EMBED, LPAD), jnp.float32).at[:, :LABELS].set(W.T)
    bp = jnp.zeros((8, LPAD), jnp.float32).at[:, :LABELS].set(b[None, :])
    out = pl.pallas_call(
        _fc_body,
        grid=(BATCH // BM,),
        in_specs=[
            pl.BlockSpec((BM, EMBED), lambda i: (i, 0)),
            pl.BlockSpec((EMBED, LPAD), lambda i: (0, 0)),
            pl.BlockSpec((8, LPAD), lambda i: (0, 0)),
        ],
        out_specs=pl.BlockSpec((BM, LPAD), lambda i: (i, 0)),
        out_shape=jax.ShapeDtypeStruct((BATCH, LPAD), jnp.float32),
    )(pooled, wp, bp)
    return out[:, :LABELS]

# --- scband reference (transcript-rebuilt; emitter-appended) ---
"""Pipeline reference for scband-fast-text-74217034875642 (READ-ONLY COPY).

The authoritative reference and input builder live on the scoring server;
editing this copy changes nothing except your own understanding.
"""

import jax, jax.numpy as jnp
import numpy as np

VOCAB = 1000000
EMBED = 64
MAXLEN = 200
LABELS = 100
BATCH = 4096


def setup_inputs(seed: int = 0) -> dict:
    key = jax.random.key(seed)
    k1, k2, k3 = jax.random.split(key, 3)
    x = jax.random.randint(k1, (BATCH, MAXLEN), 0, VOCAB, dtype=jnp.int64 if jax.config.jax_enable_x64 else jnp.int32)
    table = jax.random.normal(k2, (VOCAB, EMBED), dtype=jnp.float32)
    W = jax.random.normal(k3, (LABELS, EMBED), dtype=jnp.float32) * 0.05
    b = jnp.zeros((LABELS,), dtype=jnp.float32)
    return {"x": x, "table": table, "W": W, "b": b}


def reference(x, table, W, b):
    # embedding lookup: [B, L] -> [B, L, D]
    emb = jnp.take(table, x, axis=0)
    # permute to [B, D, L] then AvgPool1d(kernel=L) then squeeze == mean over L
    pooled = jnp.mean(emb, axis=1)  # [B, D]
    # fc: [B, D] @ [D, LABELS] + b
    out = pooled @ W.T + b
    return out

if __name__ == "__main__":
    import jax
    _d = setup_inputs()
    print(jax.jit(kernel)(*tuple(_d.values())))

</pallas_src>

<mosaic_0001>
#map = affine_map<(d0, d1) -> (0, 0)>
module attributes {stable_mosaic.version = 14 : i64} {
  func.func @_pool_body(%arg0: i32, %arg1: i32, %arg2: memref<4096x200xi32, #tpu.memory_space<hbm>>, %arg3: memref<1000000x64xf32, #tpu.memory_space<hbm>>, %arg4: memref<4096x64xf32, #tpu.memory_space<hbm>>, %arg5: memref<128x200xi32, #tpu.memory_space<vmem>>, %arg6: memref<4x200x64xf32, #tpu.memory_space<vmem>>, %arg7: memref<128x64xf32, #tpu.memory_space<vmem>>, %arg8: memref<4x!tpu.dma_semaphore, #tpu.memory_space<semaphore_mem>>) attributes {dimension_semantics = [#tpu.dimension_semantics<core_parallel>, #tpu.dimension_semantics<subcore_parallel>], iteration_bounds = array<i64: 2, 16>, scalar_prefetch = 0 : i64, scratch_operands = 4 : i64, tpu.core_type = #tpu.core_type<sc_vector_subcore>, window_params = [{transform_indices = #map}, {transform_indices = #map}, {transform_indices = #map}]} {
    %mul3A = arith.constant 2 : i32
    %mul3A_0 = arith.muli %arg1, %mul3A : i32
    %add3A = arith.addi %mul3A_0, %arg0 : i32
    %mul3A_1 = arith.constant 128 : i32
    %mul3A_2 = arith.muli %add3A, %mul3A_1 : i32
    "tpu.region"() ({
      %run_scoped3A = tpu.sem_alloc : memref<!tpu.dma_semaphore, #tpu.memory_space<semaphore_mem>>
      %dma_start3A_151 = arith.constant 0 : i32
      %dma_start3A_152 = tpu.memref_slice %arg2[%mul3A_2, %dma_start3A_151] : memref<4096x200xi32, #tpu.memory_space<hbm>> -> memref<128x200xi32, #tpu.memory_space<hbm>>
      %dma_start3A_153 = arith.constant 0 : i32
      %dma_start3A_154 = tpu.memref_slice %arg2[%mul3A_2, %dma_start3A_153] : memref<4096x200xi32, #tpu.memory_space<hbm>> -> memref<128x200xi32, #tpu.memory_space<hbm>>
      tpu.enqueue_dma source(%dma_start3A_154 : memref<128x200xi32, #tpu.memory_space<hbm>>) target(%arg5 : memref<128x200xi32, #tpu.memory_space<vmem>>) target_semaphore(%run_scoped3A : memref<!tpu.dma_semaphore, #tpu.memory_space<semaphore_mem>>)
      %dma_wait3A = arith.constant 0 : i32
      %dma_wait3A_155 = tpu.memref_slice %arg2[%mul3A_2, %dma_wait3A] : memref<4096x200xi32, #tpu.memory_space<hbm>> -> memref<128x200xi32, #tpu.memory_space<hbm>>
      %dma_wait3A_156 = arith.constant 0 : i32
      %dma_wait3A_157 = tpu.memref_slice %arg2[%mul3A_2, %dma_wait3A_156] : memref<4096x200xi32, #tpu.memory_space<hbm>> -> memref<128x200xi32, #tpu.memory_space<hbm>>
      tpu.wait_dma2 semaphore(%run_scoped3A : memref<!tpu.dma_semaphore, #tpu.memory_space<semaphore_mem>>) src(%dma_wait3A_157 : memref<128x200xi32, #tpu.memory_space<hbm>>) dst(%arg5 : memref<128x200xi32, #tpu.memory_space<vmem>>)
      tpu.yield
    }) : () -> ()
    %dma_start3A = arith.constant 0 : i32
    %dma_start3A_3 = arith.constant 0 : i32
    %dma_start3A_4 = arith.constant 0 : i32
    %dma_start3A_5 = arith.constant 0 : i32
    %dma_start3A_6 = arith.constant 0 : i32
    %dma_start3A_7 = tpu.memref_slice %arg6[%dma_start3A_3, %dma_start3A_5, %dma_start3A_6] : memref<4x200x64xf32, #tpu.memory_space<vmem>> -> memref<1x200x64xf32, #tpu.memory_space<vmem>>
    %dma_start3A_8 = tpu.memref_squeeze %dma_start3A_7 : memref<1x200x64xf32, #tpu.memory_space<vmem>> -> memref<200x64xf32, #tpu.memory_space<vmem>>
    %dma_start3A_9 = arith.constant 0 : i32
    %dma_start3A_10 = arith.constant 0 : i32
    %dma_start3A_11 = tpu.memref_slice %dma_start3A_8[%dma_start3A_9, %dma_start3A_10] : memref<200x64xf32, #tpu.memory_space<vmem>> -> memref<128x64xf32, #tpu.memory_space<vmem>>
    %dma_start3A_12 = arith.constant 0 : i32
    %dma_start3A_13 = tpu.memref_slice %arg5[%dma_start3A, %dma_start3A_12] : memref<128x200xi32, #tpu.memory_space<vmem>> -> memref<1x128xi32, #tpu.memory_space<vmem>>
    %dma_start3A_14 = tpu.memref_squeeze %dma_start3A_13 : memref<1x128xi32, #tpu.memory_space<vmem>> -> memref<128xi32, #tpu.memory_space<vmem>>
    %dma_start3A_15 = arith.constant 0 : i32
    %dma_start3A_16 = arith.constant 0 : i32
    %dma_start3A_17 = tpu.memref_slice %arg3[%dma_start3A_15, %dma_start3A_16] : memref<1000000x64xf32, #tpu.memory_space<hbm>> -> memref<1000000x64xf32, #tpu.memory_space<hbm>>
    %dma_start3A_18 = tpu.memref_slice %arg8[%dma_start3A_4] : memref<4x!tpu.dma_semaphore, #tpu.memory_space<semaphore_mem>> -> memref<1x!tpu.dma_semaphore, #tpu.memory_space<semaphore_mem>>
    %dma_start3A_19 = tpu.memref_squeeze %dma_start3A_18 : memref<1x!tpu.dma_semaphore, #tpu.memory_space<semaphore_mem>> -> memref<!tpu.dma_semaphore, #tpu.memory_space<semaphore_mem>>
    tpu.enqueue_indirect_dma source(%dma_start3A_17 : memref<1000000x64xf32, #tpu.memory_space<hbm>>) target(%dma_start3A_11 : memref<128x64xf32, #tpu.memory_space<vmem>>) offsets(%dma_start3A_14 : memref<128xi32, #tpu.memory_space<vmem>>) semaphore(%dma_start3A_19 : memref<!tpu.dma_semaphore, #tpu.memory_space<semaphore_mem>>)
    %dma_start3A_20 = arith.constant 0 : i32
    %dma_start3A_21 = arith.constant 0 : i32
    %dma_start3A_22 = arith.constant 0 : i32
    %dma_start3A_23 = arith.constant 0 : i32
    %dma_start3A_24 = arith.constant 0 : i32
    %dma_start3A_25 = tpu.memref_slice %arg6[%dma_start3A_21, %dma_start3A_23, %dma_start3A_24] : memref<4x200x64xf32, #tpu.memory_space<vmem>> -> memref<1x200x64xf32, #tpu.memory_space<vmem>>
    %dma_start3A_26 = tpu.memref_squeeze %dma_start3A_25 : memref<1x200x64xf32, #tpu.memory_space<vmem>> -> memref<200x64xf32, #tpu.memory_space<vmem>>
    %dma_start3A_27 = arith.constant 128 : i32
    %dma_start3A_28 = arith.constant 0 : i32
    %dma_start3A_29 = tpu.memref_slice %dma_start3A_26[%dma_start3A_27, %dma_start3A_28] : memref<200x64xf32, #tpu.memory_space<vmem>> -> memref<72x64xf32, #tpu.memory_space<vmem>>
    %dma_start3A_30 = arith.constant 128 : i32
    %dma_start3A_31 = tpu.memref_slice %arg5[%dma_start3A_20, %dma_start3A_30] : memref<128x200xi32, #tpu.memory_space<vmem>> -> memref<1x72xi32, #tpu.memory_space<vmem>>
    %dma_start3A_32 = tpu.memref_squeeze %dma_start3A_31 : memref<1x72xi32, #tpu.memory_space<vmem>> -> memref<72xi32, #tpu.memory_space<vmem>>
    %dma_start3A_33 = arith.constant 0 : i32
    %dma_start3A_34 = arith.constant 0 : i32
    %dma_start3A_35 = tpu.memref_slice %arg3[%dma_start3A_33, %dma_start3A_34] : memref<1000000x64xf32, #tpu.memory_space<hbm>> -> memref<1000000x64xf32, #tpu.memory_space<hbm>>
    %dma_start3A_36 = tpu.memref_slice %arg8[%dma_start3A_22] : memref<4x!tpu.dma_semaphore, #tpu.memory_space<semaphore_mem>> -> memref<1x!tpu.dma_semaphore, #tpu.memory_space<semaphore_mem>>
    %dma_start3A_37 = tpu.memref_squeeze %dma_start3A_36 : memref<1x!tpu.dma_semaphore, #tpu.memory_space<semaphore_mem>> -> memref<!tpu.dma_semaphore, #tpu.memory_space<semaphore_mem>>
    tpu.enqueue_indirect_dma source(%dma_start3A_35 : memref<1000000x64xf32, #tpu.memory_space<hbm>>) target(%dma_start3A_29 : memref<72x64xf32, #tpu.memory_space<vmem>>) offsets(%dma_start3A_32 : memref<72xi32, #tpu.memory_space<vmem>>) semaphore(%dma_start3A_37 : memref<!tpu.dma_semaphore, #tpu.memory_space<semaphore_mem>>)
    %dma_start3A_38 = arith.constant 1 : i32
    %dma_start3A_39 = arith.constant 1 : i32
    %dma_start3A_40 = arith.constant 1 : i32
    %dma_start3A_41 = arith.constant 0 : i32
    %dma_start3A_42 = arith.constant 0 : i32
    %dma_start3A_43 = tpu.memref_slice %arg6[%dma_start3A_39, %dma_start3A_41, %dma_start3A_42] : memref<4x200x64xf32, #tpu.memory_space<vmem>> -> memref<1x200x64xf32, #tpu.memory_space<vmem>>
    %dma_start3A_44 = tpu.memref_squeeze %dma_start3A_43 : memref<1x200x64xf32, #tpu.memory_space<vmem>> -> memref<200x64xf32, #tpu.memory_space<vmem>>
    %dma_start3A_45 = arith.constant 0 : i32
    %dma_start3A_46 = arith.constant 0 : i32
    %dma_start3A_47 = tpu.memref_slice %dma_start3A_44[%dma_start3A_45, %dma_start3A_46] : memref<200x64xf32, #tpu.memory_space<vmem>> -> memref<128x64xf32, #tpu.memory_space<vmem>>
    %dma_start3A_48 = arith.constant 0 : i32
    %dma_start3A_49 = tpu.memref_slice %arg5[%dma_start3A_38, %dma_start3A_48] : memref<128x200xi32, #tpu.memory_space<vmem>> -> memref<1x128xi32, #tpu.memory_space<vmem>>
    %dma_start3A_50 = tpu.memref_squeeze %dma_start3A_49 : memref<1x128xi32, #tpu.memory_space<vmem>> -> memref<128xi32, #tpu.memory_space<vmem>>
    %dma_start3A_51 = arith.constant 0 : i32
    %dma_start3A_52 = arith.constant 0 : i32
    %dma_start3A_53 = tpu.memref_slice %arg3[%dma_start3A_51, %dma_start3A_52] : memref<1000000x64xf32, #tpu.memory_space<hbm>> -> memref<1000000x64xf32, #tpu.memory_space<hbm>>
    %dma_start3A_54 = tpu.memref_slice %arg8[%dma_start3A_40] : memref<4x!tpu.dma_semaphore, #tpu.memory_space<semaphore_mem>> -> memref<1x!tpu.dma_semaphore, #tpu.memory_space<semaphore_mem>>
    %dma_start3A_55 = tpu.memref_squeeze %dma_start3A_54 : memref<1x!tpu.dma_semaphore, #tpu.memory_space<semaphore_mem>> -> memref<!tpu.dma_semaphore, #tpu.memory_space<semaphore_mem>>
    tpu.enqueue_indirect_dma source(%dma_start3A_53 : memref<1000000x64xf32, #tpu.memory_space<hbm>>) target(%dma_start3A_47 : memref<128x64xf32, #tpu.memory_space<vmem>>) offsets(%dma_start3A_50 : memref<128xi32, #tpu.memory_space<vmem>>) semaphore(%dma_start3A_55 : memref<!tpu.dma_semaphore, #tpu.memory_space<semaphore_mem>>)
    %dma_start3A_56 = arith.constant 1 : i32
    %dma_start3A_57 = arith.constant 1 : i32
    %dma_start3A_58 = arith.constant 1 : i32
    %dma_start3A_59 = arith.constant 0 : i32
    %dma_start3A_60 = arith.constant 0 : i32
    %dma_start3A_61 = tpu.memref_slice %arg6[%dma_start3A_57, %dma_start3A_59, %dma_start3A_60] : memref<4x200x64xf32, #tpu.memory_space<vmem>> -> memref<1x200x64xf32, #tpu.memory_space<vmem>>
    %dma_start3A_62 = tpu.memref_squeeze %dma_start3A_61 : memref<1x200x64xf32, #tpu.memory_space<vmem>> -> memref<200x64xf32, #tpu.memory_space<vmem>>
    %dma_start3A_63 = arith.constant 128 : i32
    %dma_start3A_64 = arith.constant 0 : i32
    %dma_start3A_65 = tpu.memref_slice %dma_start3A_62[%dma_start3A_63, %dma_start3A_64] : memref<200x64xf32, #tpu.memory_space<vmem>> -> memref<72x64xf32, #tpu.memory_space<vmem>>
    %dma_start3A_66 = arith.constant 128 : i32
    %dma_start3A_67 = tpu.memref_slice %arg5[%dma_start3A_56, %dma_start3A_66] : memref<128x200xi32, #tpu.memory_space<vmem>> -> memref<1x72xi32, #tpu.memory_space<vmem>>
    %dma_start3A_68 = tpu.memref_squeeze %dma_start3A_67 : memref<1x72xi32, #tpu.memory_space<vmem>> -> memref<72xi32, #tpu.memory_space<vmem>>
    %dma_start3A_69 = arith.constant 0 : i32
    %dma_start3A_70 = arith.constant 0 : i32
    %dma_start3A_71 = tpu.memref_slice %arg3[%dma_start3A_69, %dma_start3A_70] : memref<1000000x64xf32, #tpu.memory_space<hbm>> -> memref<1000000x64xf32, #tpu.memory_space<hbm>>
    %dma_start3A_72 = tpu.memref_slice %arg8[%dma_start3A_58] : memref<4x!tpu.dma_semaphore, #tpu.memory_space<semaphore_mem>> -> memref<1x!tpu.dma_semaphore, #tpu.memory_space<semaphore_mem>>
    %dma_start3A_73 = tpu.memref_squeeze %dma_start3A_72 : memref<1x!tpu.dma_semaphore, #tpu.memory_space<semaphore_mem>> -> memref<!tpu.dma_semaphore, #tpu.memory_space<semaphore_mem>>
    tpu.enqueue_indirect_dma source(%dma_start3A_71 : memref<1000000x64xf32, #tpu.memory_space<hbm>>) target(%dma_start3A_65 : memref<72x64xf32, #tpu.memory_space<vmem>>) offsets(%dma_start3A_68 : memref<72xi32, #tpu.memory_space<vmem>>) semaphore(%dma_start3A_73 : memref<!tpu.dma_semaphore, #tpu.memory_space<semaphore_mem>>)
    %dma_start3A_74 = arith.constant 2 : i32
    %dma_start3A_75 = arith.constant 2 : i32
    %dma_start3A_76 = arith.constant 2 : i32
    %dma_start3A_77 = arith.constant 0 : i32
    %dma_start3A_78 = arith.constant 0 : i32
    %dma_start3A_79 = tpu.memref_slice %arg6[%dma_start3A_75, %dma_start3A_77, %dma_start3A_78] : memref<4x200x64xf32, #tpu.memory_space<vmem>> -> memref<1x200x64xf32, #tpu.memory_space<vmem>>
    %dma_start3A_80 = tpu.memref_squeeze %dma_start3A_79 : memref<1x200x64xf32, #tpu.memory_space<vmem>> -> memref<200x64xf32, #tpu.memory_space<vmem>>
    %dma_start3A_81 = arith.constant 0 : i32
    %dma_start3A_82 = arith.constant 0 : i32
    %dma_start3A_83 = tpu.memref_slice %dma_start3A_80[%dma_start3A_81, %dma_start3A_82] : memref<200x64xf32, #tpu.memory_space<vmem>> -> memref<128x64xf32, #tpu.memory_space<vmem>>
    %dma_start3A_84 = arith.constant 0 : i32
    %dma_start3A_85 = tpu.memref_slice %arg5[%dma_start3A_74, %dma_start3A_84] : memref<128x200xi32, #tpu.memory_space<vmem>> -> memref<1x128xi32, #tpu.memory_space<vmem>>
    %dma_start3A_86 = tpu.memref_squeeze %dma_start3A_85 : memref<1x128xi32, #tpu.memory_space<vmem>> -> memref<128xi32, #tpu.memory_space<vmem>>
    %dma_start3A_87 = arith.constant 0 : i32
    %dma_start3A_88 = arith.constant 0 : i32
    %dma_start3A_89 = tpu.memref_slice %arg3[%dma_start3A_87, %dma_start3A_88] : memref<1000000x64xf32, #tpu.memory_space<hbm>> -> memref<1000000x64xf32, #tpu.memory_space<hbm>>
    %dma_start3A_90 = tpu.memref_slice %arg8[%dma_start3A_76] : memref<4x!tpu.dma_semaphore, #tpu.memory_space<semaphore_mem>> -> memref<1x!tpu.dma_semaphore, #tpu.memory_space<semaphore_mem>>
    %dma_start3A_91 = tpu.memref_squeeze %dma_start3A_90 : memref<1x!tpu.dma_semaphore, #tpu.memory_space<semaphore_mem>> -> memref<!tpu.dma_semaphore, #tpu.memory_space<semaphore_mem>>
    tpu.enqueue_indirect_dma source(%dma_start3A_89 : memref<1000000x64xf32, #tpu.memory_space<hbm>>) target(%dma_start3A_83 : memref<128x64xf32, #tpu.memory_space<vmem>>) offsets(%dma_start3A_86 : memref<128xi32, #tpu.memory_space<vmem>>) semaphore(%dma_start3A_91 : memref<!tpu.dma_semaphore, #tpu.memory_space<semaphore_mem>>)
    %dma_start3A_92 = arith.constant 2 : i32
    %dma_start3A_93 = arith.constant 2 : i32
    %dma_start3A_94 = arith.constant 2 : i32
    %dma_start3A_95 = arith.constant 0 : i32
    %dma_start3A_96 = arith.constant 0 : i32
    %dma_start3A_97 = tpu.memref_slice %arg6[%dma_start3A_93, %dma_start3A_95, %dma_start3A_96] : memref<4x200x64xf32, #tpu.memory_space<vmem>> -> memref<1x200x64xf32, #tpu.memory_space<vmem>>
    %dma_start3A_98 = tpu.memref_squeeze %dma_start3A_97 : memref<1x200x64xf32, #tpu.memory_space<vmem>> -> memref<200x64xf32, #tpu.memory_space<vmem>>
    %dma_start3A_99 = arith.constant 128 : i32
    %dma_start3A_100 = arith.constant 0 : i32
    %dma_start3A_101 = tpu.memref_slice %dma_start3A_98[%dma_start3A_99, %dma_start3A_100] : memref<200x64xf32, #tpu.memory_space<vmem>> -> memref<72x64xf32, #tpu.memory_space<vmem>>
    %dma_start3A_102 = arith.constant 128 : i32
    %dma_start3A_103 = tpu.memref_slice %arg5[%dma_start3A_92, %dma_start3A_102] : memref<128x200xi32, #tpu.memory_space<vmem>> -> memref<1x72xi32, #tpu.memory_space<vmem>>
    %dma_start3A_104 = tpu.memref_squeeze %dma_start3A_103 : memref<1x72xi32, #tpu.memory_space<vmem>> -> memref<72xi32, #tpu.memory_space<vmem>>
    %dma_start3A_105 = arith.constant 0 : i32
    %dma_start3A_106 = arith.constant 0 : i32
    %dma_start3A_107 = tpu.memref_slice %arg3[%dma_start3A_105, %dma_start3A_106] : memref<1000000x64xf32, #tpu.memory_space<hbm>> -> memref<1000000x64xf32, #tpu.memory_space<hbm>>
    %dma_start3A_108 = tpu.memref_slice %arg8[%dma_start3A_94] : memref<4x!tpu.dma_semaphore, #tpu.memory_space<semaphore_mem>> -> memref<1x!tpu.dma_semaphore, #tpu.memory_space<semaphore_mem>>
    %dma_start3A_109 = tpu.memref_squeeze %dma_start3A_108 : memref<1x!tpu.dma_semaphore, #tpu.memory_space<semaphore_mem>> -> memref<!tpu.dma_semaphore, #tpu.memory_space<semaphore_mem>>
    tpu.enqueue_indirect_dma source(%dma_start3A_107 : memref<1000000x64xf32, #tpu.memory_space<hbm>>) target(%dma_start3A_101 : memref<72x64xf32, #tpu.memory_space<vmem>>) offsets(%dma_start3A_104 : memref<72xi32, #tpu.memory_space<vmem>>) semaphore(%dma_start3A_109 : memref<!tpu.dma_semaphore, #tpu.memory_space<semaphore_mem>>)
    %dma_start3A_110 = arith.constant 3 : i32
    %dma_start3A_111 = arith.constant 3 : i32
    %dma_start3A_112 = arith.constant 3 : i32
    %dma_start3A_113 = arith.constant 0 : i32
    %dma_start3A_114 = arith.constant 0 : i32
    %dma_start3A_115 = tpu.memref_slice %arg6[%dma_start3A_111, %dma_start3A_113, %dma_start3A_114] : memref<4x200x64xf32, #tpu.memory_space<vmem>> -> memref<1x200x64xf32, #tpu.memory_space<vmem>>
    %dma_start3A_116 = tpu.memref_squeeze %dma_start3A_115 : memref<1x200x64xf32, #tpu.memory_space<vmem>> -> memref<200x64xf32, #tpu.memory_space<vmem>>
    %dma_start3A_117 = arith.constant 0 : i32
    %dma_start3A_118 = arith.constant 0 : i32
    %dma_start3A_119 = tpu.memref_slice %dma_start3A_116[%dma_start3A_117, %dma_start3A_118] : memref<200x64xf32, #tpu.memory_space<vmem>> -> memref<128x64xf32, #tpu.memory_space<vmem>>
    %dma_start3A_120 = arith.constant 0 : i32
    %dma_start3A_121 = tpu.memref_slice %arg5[%dma_start3A_110, %dma_start3A_120] : memref<128x200xi32, #tpu.memory_space<vmem>> -> memref<1x128xi32, #tpu.memory_space<vmem>>
    %dma_start3A_122 = tpu.memref_squeeze %dma_start3A_121 : memref<1x128xi32, #tpu.memory_space<vmem>> -> memref<128xi32, #tpu.memory_space<vmem>>
    %dma_start3A_123 = arith.constant 0 : i32
    %dma_start3A_124 = arith.constant 0 : i32
    %dma_start3A_125 = tpu.memref_slice %arg3[%dma_start3A_123, %dma_start3A_124] : memref<1000000x64xf32, #tpu.memory_space<hbm>> -> memref<1000000x64xf32, #tpu.memory_space<hbm>>
    %dma_start3A_126 = tpu.memref_slice %arg8[%dma_start3A_112] : memref<4x!tpu.dma_semaphore, #tpu.memory_space<semaphore_mem>> -> memref<1x!tpu.dma_semaphore, #tpu.memory_space<semaphore_mem>>
    %dma_start3A_127 = tpu.memref_squeeze %dma_start3A_126 : memref<1x!tpu.dma_semaphore, #tpu.memory_space<semaphore_mem>> -> memref<!tpu.dma_semaphore, #tpu.memory_space<semaphore_mem>>
    tpu.enqueue_indirect_dma source(%dma_start3A_125 : memref<1000000x64xf32, #tpu.memory_space<hbm>>) target(%dma_start3A_119 : memref<128x64xf32, #tpu.memory_space<vmem>>) offsets(%dma_start3A_122 : memref<128xi32, #tpu.memory_space<vmem>>) semaphore(%dma_start3A_127 : memref<!tpu.dma_semaphore, #tpu.memory_space<semaphore_mem>>)
    %dma_start3A_128 = arith.constant 3 : i32
    %dma_start3A_129 = arith.constant 3 : i32
    %dma_start3A_130 = arith.constant 3 : i32
    %dma_start3A_131 = arith.constant 0 : i32
    %dma_start3A_132 = arith.constant 0 : i32
    %dma_start3A_133 = tpu.memref_slice %arg6[%dma_start3A_129, %dma_start3A_131, %dma_start3A_132] : memref<4x200x64xf32, #tpu.memory_space<vmem>> -> memref<1x200x64xf32, #tpu.memory_space<vmem>>
    %dma_start3A_134 = tpu.memref_squeeze %dma_start3A_133 : memref<1x200x64xf32, #tpu.memory_space<vmem>> -> memref<200x64xf32, #tpu.memory_space<vmem>>
    %dma_start3A_135 = arith.constant 128 : i32
    %dma_start3A_136 = arith.constant 0 : i32
    %dma_start3A_137 = tpu.memref_slice %dma_start3A_134[%dma_start3A_135, %dma_start3A_136] : memref<200x64xf32, #tpu.memory_space<vmem>> -> memref<72x64xf32, #tpu.memory_space<vmem>>
    %dma_start3A_138 = arith.constant 128 : i32
    %dma_start3A_139 = tpu.memref_slice %arg5[%dma_start3A_128, %dma_start3A_138] : memref<128x200xi32, #tpu.memory_space<vmem>> -> memref<1x72xi32, #tpu.memory_space<vmem>>
    %dma_start3A_140 = tpu.memref_squeeze %dma_start3A_139 : memref<1x72xi32, #tpu.memory_space<vmem>> -> memref<72xi32, #tpu.memory_space<vmem>>
    %dma_start3A_141 = arith.constant 0 : i32
    %dma_start3A_142 = arith.constant 0 : i32
    %dma_start3A_143 = tpu.memref_slice %arg3[%dma_start3A_141, %dma_start3A_142] : memref<1000000x64xf32, #tpu.memory_space<hbm>> -> memref<1000000x64xf32, #tpu.memory_space<hbm>>
    %dma_start3A_144 = tpu.memref_slice %arg8[%dma_start3A_130] : memref<4x!tpu.dma_semaphore, #tpu.memory_space<semaphore_mem>> -> memref<1x!tpu.dma_semaphore, #tpu.memory_space<semaphore_mem>>
    %dma_start3A_145 = tpu.memref_squeeze %dma_start3A_144 : memref<1x!tpu.dma_semaphore, #tpu.memory_space<semaphore_mem>> -> memref<!tpu.dma_semaphore, #tpu.memory_space<semaphore_mem>>
    tpu.enqueue_indirect_dma source(%dma_start3A_143 : memref<1000000x64xf32, #tpu.memory_space<hbm>>) target(%dma_start3A_137 : memref<72x64xf32, #tpu.memory_space<vmem>>) offsets(%dma_start3A_140 : memref<72xi32, #tpu.memory_space<vmem>>) semaphore(%dma_start3A_145 : memref<!tpu.dma_semaphore, #tpu.memory_space<semaphore_mem>>)
    %scan3A = arith.constant 0 : i32
    %scan3A_146 = arith.constant 0 : i32
    %scan3A_147 = arith.constant 32 : i32
    %scan3A_148 = arith.addi %scan3A_146, %scan3A_147 : i32
    %scan3A_149 = arith.constant 1 : i32
    scf.for %scan3A_151 = %scan3A_146 to %scan3A_148 step %scan3A_149  : i32 {
      %mul3A_152 = arith.constant 4 : i32
      %mul3A_153 = arith.muli %scan3A_151, %mul3A_152 : i32
      %add3A_154 = arith.constant 0 : i32
      %add3A_155 = arith.addi %mul3A_153, %add3A_154 : i32
      %dma_wait3A = arith.constant 0 : i32
      %dma_wait3A_156 = arith.constant 0 : i32
      %dma_wait3A_157 = arith.constant 0 : i32
      %dma_wait3A_158 = arith.constant 0 : i32
      %dma_wait3A_159 = tpu.memref_slice %arg6[%dma_wait3A, %dma_wait3A_157, %dma_wait3A_158] : memref<4x200x64xf32, #tpu.memory_space<vmem>> -> memref<1x200x64xf32, #tpu.memory_space<vmem>>
      %dma_wait3A_160 = tpu.memref_squeeze %dma_wait3A_159 : memref<1x200x64xf32, #tpu.memory_space<vmem>> -> memref<200x64xf32, #tpu.memory_space<vmem>>
      %dma_wait3A_161 = arith.constant 0 : i32
      %dma_wait3A_162 = arith.constant 0 : i32
      %dma_wait3A_163 = tpu.memref_slice %arg3[%dma_wait3A_161, %dma_wait3A_162] : memref<1000000x64xf32, #tpu.memory_space<hbm>> -> memref<200x64xf32, #tpu.memory_space<hbm>>
      %dma_wait3A_164 = tpu.memref_slice %arg8[%dma_wait3A_156] : memref<4x!tpu.dma_semaphore, #tpu.memory_space<semaphore_mem>> -> memref<1x!tpu.dma_semaphore, #tpu.memory_space<semaphore_mem>>
      %dma_wait3A_165 = tpu.memref_squeeze %dma_wait3A_164 : memref<1x!tpu.dma_semaphore, #tpu.memory_space<semaphore_mem>> -> memref<!tpu.dma_semaphore, #tpu.memory_space<semaphore_mem>>
      %dma_wait3A_166 = arith.constant 0 : i32
      %dma_wait3A_167 = arith.constant 0 : i32
      %dma_wait3A_168 = tpu.memref_slice %arg6[%dma_wait3A, %dma_wait3A_166, %dma_wait3A_167] : memref<4x200x64xf32, #tpu.memory_space<vmem>> -> memref<1x200x64xf32, #tpu.memory_space<vmem>>
      %dma_wait3A_169 = tpu.memref_squeeze %dma_wait3A_168 : memref<1x200x64xf32, #tpu.memory_space<vmem>> -> memref<200x64xf32, #tpu.memory_space<vmem>>
      %dma_wait3A_170 = arith.constant 0 : i32
      %dma_wait3A_171 = arith.constant 0 : i32
      %dma_wait3A_172 = tpu.memref_slice %arg3[%dma_wait3A_170, %dma_wait3A_171] : memref<1000000x64xf32, #tpu.memory_space<hbm>> -> memref<200x64xf32, #tpu.memory_space<hbm>>
      tpu.wait_dma2 semaphore(%dma_wait3A_165 : memref<!tpu.dma_semaphore, #tpu.memory_space<semaphore_mem>>) src(%dma_wait3A_172 : memref<200x64xf32, #tpu.memory_space<hbm>>) dst(%dma_wait3A_169 : memref<200x64xf32, #tpu.memory_space<vmem>>)
      %lt3A = arith.constant 31 : i32
      %lt3A_173 = arith.cmpi slt, %scan3A_151, %lt3A : i32
      %convert_element_type3A = arith.extui %lt3A_173 : i1 to i32
      %cond3A = arith.constant 0 : i32
      %cond3A_174 = arith.cmpi ne, %convert_element_type3A, %cond3A : i32
      scf.if %cond3A_174 {
        %add3A_434 = arith.constant 4 : i32
        %add3A_435 = arith.addi %add3A_155, %add3A_434 : i32
        %dma_start3A_436 = arith.constant 0 : i32
        %dma_start3A_437 = arith.constant 0 : i32
        %dma_start3A_438 = arith.constant 0 : i32
        %dma_start3A_439 = arith.constant 0 : i32
        %dma_start3A_440 = tpu.memref_slice %arg6[%dma_start3A_436, %dma_start3A_438, %dma_start3A_439] : memref<4x200x64xf32, #tpu.memory_space<vmem>> -> memref<1x200x64xf32, #tpu.memory_space<vmem>>
        %dma_start3A_441 = tpu.memref_squeeze %dma_start3A_440 : memref<1x200x64xf32, #tpu.memory_space<vmem>> -> memref<200x64xf32, #tpu.memory_space<vmem>>
        %dma_start3A_442 = arith.constant 0 : i32
        %dma_start3A_443 = arith.constant 0 : i32
        %dma_start3A_444 = tpu.memref_slice %dma_start3A_441[%dma_start3A_442, %dma_start3A_443] : memref<200x64xf32, #tpu.memory_space<vmem>> -> memref<128x64xf32, #tpu.memory_space<vmem>>
        %dma_start3A_445 = arith.constant 0 : i32
        %dma_start3A_446 = tpu.memref_slice %arg5[%add3A_435, %dma_start3A_445] : memref<128x200xi32, #tpu.memory_space<vmem>> -> memref<1x128xi32, #tpu.memory_space<vmem>>
        %dma_start3A_447 = tpu.memref_squeeze %dma_start3A_446 : memref<1x128xi32, #tpu.memory_space<vmem>> -> memref<128xi32, #tpu.memory_space<vmem>>
        %dma_start3A_448 = arith.constant 0 : i32
        %dma_start3A_449 = arith.constant 0 : i32
        %dma_start3A_450 = tpu.memref_slice %arg3[%dma_start3A_448, %dma_start3A_449] : memref<1000000x64xf32, #tpu.memory_space<hbm>> -> memref<1000000x64xf32, #tpu.memory_space<hbm>>
        %dma_start3A_451 = tpu.memref_slice %arg8[%dma_start3A_437] : memref<4x!tpu.dma_semaphore, #tpu.memory_space<semaphore_mem>> -> memref<1x!tpu.dma_semaphore, #tpu.memory_space<semaphore_mem>>
        %dma_start3A_452 = tpu.memref_squeeze %dma_start3A_451 : memref<1x!tpu.dma_semaphore, #tpu.memory_space<semaphore_mem>> -> memref<!tpu.dma_semaphore, #tpu.memory_space<semaphore_mem>>
        tpu.enqueue_indirect_dma source(%dma_start3A_450 : memref<1000000x64xf32, #tpu.memory_space<hbm>>) target(%dma_start3A_444 : memref<128x64xf32, #tpu.memory_space<vmem>>) offsets(%dma_start3A_447 : memref<128xi32, #tpu.memory_space<vmem>>) semaphore(%dma_start3A_452 : memref<!tpu.dma_semaphore, #tpu.memory_space<semaphore_mem>>)
        %dma_start3A_453 = arith.constant 0 : i32
        %dma_start3A_454 = arith.constant 0 : i32
        %dma_start3A_455 = arith.constant 0 : i32
        %dma_start3A_456 = arith.constant 0 : i32
        %dma_start3A_457 = tpu.memref_slice %arg6[%dma_start3A_453, %dma_start3A_455, %dma_start3A_456] : memref<4x200x64xf32, #tpu.memory_space<vmem>> -> memref<1x200x64xf32, #tpu.memory_space<vmem>>
        %dma_start3A_458 = tpu.memref_squeeze %dma_start3A_457 : memref<1x200x64xf32, #tpu.memory_space<vmem>> -> memref<200x64xf32, #tpu.memory_space<vmem>>
        %dma_start3A_459 = arith.constant 128 : i32
        %dma_start3A_460 = arith.constant 0 : i32
        %dma_start3A_461 = tpu.memref_slice %dma_start3A_458[%dma_start3A_459, %dma_start3A_460] : memref<200x64xf32, #tpu.memory_space<vmem>> -> memref<72x64xf32, #tpu.memory_space<vmem>>
        %dma_start3A_462 = arith.constant 128 : i32
        %dma_start3A_463 = tpu.memref_slice %arg5[%add3A_435, %dma_start3A_462] : memref<128x200xi32, #tpu.memory_space<vmem>> -> memref<1x72xi32, #tpu.memory_space<vmem>>
        %dma_start3A_464 = tpu.memref_squeeze %dma_start3A_463 : memref<1x72xi32, #tpu.memory_space<vmem>> -> memref<72xi32, #tpu.memory_space<vmem>>
        %dma_start3A_465 = arith.constant 0 : i32
        %dma_start3A_466 = arith.constant 0 : i32
        %dma_start3A_467 = tpu.memref_slice %arg3[%dma_start3A_465, %dma_start3A_466] : memref<1000000x64xf32, #tpu.memory_space<hbm>> -> memref<1000000x64xf32, #tpu.memory_space<hbm>>
        %dma_start3A_468 = tpu.memref_slice %arg8[%dma_start3A_454] : memref<4x!tpu.dma_semaphore, #tpu.memory_space<semaphore_mem>> -> memref<1x!tpu.dma_semaphore, #tpu.memory_space<semaphore_mem>>
        %dma_start3A_469 = tpu.memref_squeeze %dma_start3A_468 : memref<1x!tpu.dma_semaphore, #tpu.memory_space<semaphore_mem>> -> memref<!tpu.dma_semaphore, #tpu.memory_space<semaphore_mem>>
        tpu.enqueue_indirect_dma source(%dma_start3A_467 : memref<1000000x64xf32, #tpu.memory_space<hbm>>) target(%dma_start3A_461 : memref<72x64xf32, #tpu.memory_space<vmem>>) offsets(%dma_start3A_464 : memref<72xi32, #tpu.memory_space<vmem>>) semaphore(%dma_start3A_469 : memref<!tpu.dma_semaphore, #tpu.memory_space<semaphore_mem>>)
      } else {
      }
      %broadcast_in_dim3A = arith.constant 0.000000e+00 : f32
      %broadcast_in_dim3A_175 = vector.broadcast %broadcast_in_dim3A : f32 to vector<16xf32>
      %scan3A_176 = arith.constant 0 : i32
      %scan3A_177 = arith.constant 0 : i32
      %scan3A_178 = arith.constant 25 : i32
      %scan3A_179 = arith.addi %scan3A_177, %scan3A_178 : i32
      %scan3A_180 = arith.constant 1 : i32
      %scan3A_181:8 = scf.for %scan3A_434 = %scan3A_177 to %scan3A_179 step %scan3A_180 iter_args(%scan3A_435 = %broadcast_in_dim3A_175, %scan3A_436 = %broadcast_in_dim3A_175, %scan3A_437 = %broadcast_in_dim3A_175, %scan3A_438 = %broadcast_in_dim3A_175, %scan3A_439 = %broadcast_in_dim3A_175, %scan3A_440 = %broadcast_in_dim3A_175, %scan3A_441 = %broadcast_in_dim3A_175, %scan3A_442 = %broadcast_in_dim3A_175) -> (vector<16xf32>, vector<16xf32>, vector<16xf32>, vector<16xf32>, vector<16xf32>, vector<16xf32>, vector<16xf32>, vector<16xf32>)  : i32 {
        %mul3A_443 = arith.constant 8 : i32
        %mul3A_444 = arith.muli %scan3A_434, %mul3A_443 : i32
        %add3A_445 = arith.constant 0 : i32
        %add3A_446 = arith.addi %mul3A_444, %add3A_445 : i32
        %get3A = arith.constant 0 : i32
        %get3A_447 = arith.constant 0 : i32
        %get3A_448 = tpu.memref_slice %arg6[%scan3A_176, %get3A, %get3A_447] : memref<4x200x64xf32, #tpu.memory_space<vmem>> -> memref<1x200x64xf32, #tpu.memory_space<vmem>>
        %get3A_449 = tpu.memref_squeeze %get3A_448 : memref<1x200x64xf32, #tpu.memory_space<vmem>> -> memref<200x64xf32, #tpu.memory_space<vmem>>
        %get3A_450 = arith.index_cast %add3A_446 : i32 to index
        %get3A_451 = arith.constant 0 : index
        %get3A_452 = tpu.vector_load %get3A_449[%get3A_450, %get3A_451] {strides = array<i32>} : memref<200x64xf32, #tpu.memory_space<vmem>>, vector<1x16xf32>,
        %get3A_453 = vector.shape_cast %get3A_452 : vector<1x16xf32> to vector<16xf32>
        %add3A_454 = arith.addf %scan3A_435, %get3A_453 : vector<16xf32>
        %get3A_455 = arith.constant 0 : i32
        %get3A_456 = arith.constant 0 : i32
        %get3A_457 = tpu.memref_slice %arg6[%scan3A_176, %get3A_455, %get3A_456] : memref<4x200x64xf32, #tpu.memory_space<vmem>> -> memref<1x200x64xf32, #tpu.memory_space<vmem>>
        %get3A_458 = tpu.memref_squeeze %get3A_457 : memref<1x200x64xf32, #tpu.memory_space<vmem>> -> memref<200x64xf32, #tpu.memory_space<vmem>>
        %get3A_459 = arith.index_cast %add3A_446 : i32 to index
        %get3A_460 = arith.constant 16 : index
        %get3A_461 = tpu.vector_load %get3A_458[%get3A_459, %get3A_460] {strides = array<i32>} : memref<200x64xf32, #tpu.memory_space<vmem>>, vector<1x16xf32>,
        %get3A_462 = vector.shape_cast %get3A_461 : vector<1x16xf32> to vector<16xf32>
        %add3A_463 = arith.addf %scan3A_436, %get3A_462 : vector<16xf32>
        %get3A_464 = arith.constant 0 : i32
        %get3A_465 = arith.constant 0 : i32
        %get3A_466 = tpu.memref_slice %arg6[%scan3A_176, %get3A_464, %get3A_465] : memref<4x200x64xf32, #tpu.memory_space<vmem>> -> memref<1x200x64xf32, #tpu.memory_space<vmem>>
        %get3A_467 = tpu.memref_squeeze %get3A_466 : memref<1x200x64xf32, #tpu.memory_space<vmem>> -> memref<200x64xf32, #tpu.memory_space<vmem>>
        %get3A_468 = arith.index_cast %add3A_446 : i32 to index
        %get3A_469 = arith.constant 32 : index
        %get3A_470 = tpu.vector_load %get3A_467[%get3A_468, %get3A_469] {strides = array<i32>} : memref<200x64xf32, #tpu.memory_space<vmem>>, vector<1x16xf32>,
        %get3A_471 = vector.shape_cast %get3A_470 : vector<1x16xf32> to vector<16xf32>
        %add3A_472 = arith.addf %scan3A_437, %get3A_471 : vector<16xf32>
        %get3A_473 = arith.constant 0 : i32
        %get3A_474 = arith.constant 0 : i32
        %get3A_475 = tpu.memref_slice %arg6[%scan3A_176, %get3A_473, %get3A_474] : memref<4x200x64xf32, #tpu.memory_space<vmem>> -> memref<1x200x64xf32, #tpu.memory_space<vmem>>
        %get3A_476 = tpu.memref_squeeze %get3A_475 : memref<1x200x64xf32, #tpu.memory_space<vmem>> -> memref<200x64xf32, #tpu.memory_space<vmem>>
        %get3A_477 = arith.index_cast %add3A_446 : i32 to index
        %get3A_478 = arith.constant 48 : index
        %get3A_479 = tpu.vector_load %get3A_476[%get3A_477, %get3A_478] {strides = array<i32>} : memref<200x64xf32, #tpu.memory_space<vmem>>, vector<1x16xf32>,
        %get3A_480 = vector.shape_cast %get3A_479 : vector<1x16xf32> to vector<16xf32>
        %add3A_481 = arith.addf %scan3A_438, %get3A_480 : vector<16xf32>
        %mul3A_482 = arith.constant 8 : i32
        %mul3A_483 = arith.muli %scan3A_434, %mul3A_482 : i32
        %add3A_484 = arith.constant 1 : i32
        %add3A_485 = arith.addi %mul3A_483, %add3A_484 : i32
        %get3A_486 = arith.constant 0 : i32
        %get3A_487 = arith.constant 0 : i32
        %get3A_488 = tpu.memref_slice %arg6[%scan3A_176, %get3A_486, %get3A_487] : memref<4x200x64xf32, #tpu.memory_space<vmem>> -> memref<1x200x64xf32, #tpu.memory_space<vmem>>
        %get3A_489 = tpu.memref_squeeze %get3A_488 : memref<1x200x64xf32, #tpu.memory_space<vmem>> -> memref<200x64xf32, #tpu.memory_space<vmem>>
        %get3A_490 = arith.index_cast %add3A_485 : i32 to index
        %get3A_491 = arith.constant 0 : index
        %get3A_492 = tpu.vector_load %get3A_489[%get3A_490, %get3A_491] {strides = array<i32>} : memref<200x64xf32, #tpu.memory_space<vmem>>, vector<1x16xf32>,
        %get3A_493 = vector.shape_cast %get3A_492 : vector<1x16xf32> to vector<16xf32>
        %add3A_494 = arith.addf %scan3A_439, %get3A_493 : vector<16xf32>
        %get3A_495 = arith.constant 0 : i32
        %get3A_496 = arith.constant 0 : i32
        %get3A_497 = tpu.memref_slice %arg6[%scan3A_176, %get3A_495, %get3A_496] : memref<4x200x64xf32, #tpu.memory_space<vmem>> -> memref<1x200x64xf32, #tpu.memory_space<vmem>>
        %get3A_498 = tpu.memref_squeeze %get3A_497 : memref<1x200x64xf32, #tpu.memory_space<vmem>> -> memref<200x64xf32, #tpu.memory_space<vmem>>
        %get3A_499 = arith.index_cast %add3A_485 : i32 to index
        %get3A_500 = arith.constant 16 : index
        %get3A_501 = tpu.vector_load %get3A_498[%get3A_499, %get3A_500] {strides = array<i32>} : memref<200x64xf32, #tpu.memory_space<vmem>>, vector<1x16xf32>,
        %get3A_502 = vector.shape_cast %get3A_501 : vector<1x16xf32> to vector<16xf32>
        %add3A_503 = arith.addf %scan3A_440, %get3A_502 : vector<16xf32>
        %get3A_504 = arith.constant 0 : i32
        %get3A_505 = arith.constant 0 : i32
        %get3A_506 = tpu.memref_slice %arg6[%scan3A_176, %get3A_504, %get3A_505] : memref<4x200x64xf32, #tpu.memory_space<vmem>> -> memref<1x200x64xf32, #tpu.memory_space<vmem>>
        %get3A_507 = tpu.memref_squeeze %get3A_506 : memref<1x200x64xf32, #tpu.memory_space<vmem>> -> memref<200x64xf32, #tpu.memory_space<vmem>>
        %get3A_508 = arith.index_cast %add3A_485 : i32 to index
        %get3A_509 = arith.constant 32 : index
        %get3A_510 = tpu.vector_load %get3A_507[%get3A_508, %get3A_509] {strides = array<i32>} : memref<200x64xf32, #tpu.memory_space<vmem>>, vector<1x16xf32>,
        %get3A_511 = vector.shape_cast %get3A_510 : vector<1x16xf32> to vector<16xf32>
        %add3A_512 = arith.addf %scan3A_441, %get3A_511 : vector<16xf32>
        %get3A_513 = arith.constant 0 : i32
        %get3A_514 = arith.constant 0 : i32
        %get3A_515 = tpu.memref_slice %arg6[%scan3A_176, %get3A_513, %get3A_514] : memref<4x200x64xf32, #tpu.memory_space<vmem>> -> memref<1x200x64xf32, #tpu.memory_space<vmem>>
        %get3A_516 = tpu.memref_squeeze %get3A_515 : memref<1x200x64xf32, #tpu.memory_space<vmem>> -> memref<200x64xf32, #tpu.memory_space<vmem>>
        %get3A_517 = arith.index_cast %add3A_485 : i32 to index
        %get3A_518 = arith.constant 48 : index
        %get3A_519 = tpu.vector_load %get3A_516[%get3A_517, %get3A_518] {strides = array<i32>} : memref<200x64xf32, #tpu.memory_space<vmem>>, vector<1x16xf32>,
        %get3A_520 = vector.shape_cast %get3A_519 : vector<1x16xf32> to vector<16xf32>
        %add3A_521 = arith.addf %scan3A_442, %get3A_520 : vector<16xf32>
        %mul3A_522 = arith.constant 8 : i32
        %mul3A_523 = arith.muli %scan3A_434, %mul3A_522 : i32
        %add3A_524 = arith.constant 2 : i32
        %add3A_525 = arith.addi %mul3A_523, %add3A_524 : i32
        %get3A_526 = arith.constant 0 : i32
        %get3A_527 = arith.constant 0 : i32
        %get3A_528 = tpu.memref_slice %arg6[%scan3A_176, %get3A_526, %get3A_527] : memref<4x200x64xf32, #tpu.memory_space<vmem>> -> memref<1x200x64xf32, #tpu.memory_space<vmem>>
        %get3A_529 = tpu.memref_squeeze %get3A_528 : memref<1x200x64xf32, #tpu.memory_space<vmem>> -> memref<200x64xf32, #tpu.memory_space<vmem>>
        %get3A_530 = arith.index_cast %add3A_525 : i32 to index
        %get3A_531 = arith.constant 0 : index
        %get3A_532 = tpu.vector_load %get3A_529[%get3A_530, %get3A_531] {strides = array<i32>} : memref<200x64xf32, #tpu.memory_space<vmem>>, vector<1x16xf32>,
        %get3A_533 = vector.shape_cast %get3A_532 : vector<1x16xf32> to vector<16xf32>
        %add3A_534 = arith.addf %add3A_454, %get3A_533 : vector<16xf32>
        %get3A_535 = arith.constant 0 : i32
        %get3A_536 = arith.constant 0 : i32
        %get3A_537 = tpu.memref_slice %arg6[%scan3A_176, %get3A_535, %get3A_536] : memref<4x200x64xf32, #tpu.memory_space<vmem>> -> memref<1x200x64xf32, #tpu.memory_space<vmem>>
        %get3A_538 = tpu.memref_squeeze %get3A_537 : memref<1x200x64xf32, #tpu.memory_space<vmem>> -> memref<200x64xf32, #tpu.memory_space<vmem>>
        %get3A_539 = arith.index_cast %add3A_525 : i32 to index
        %get3A_540 = arith.constant 16 : index
        %get3A_541 = tpu.vector_load %get3A_538[%get3A_539, %get3A_540] {strides = array<i32>} : memref<200x64xf32, #tpu.memory_space<vmem>>, vector<1x16xf32>,
        %get3A_542 = vector.shape_cast %get3A_541 : vector<1x16xf32> to vector<16xf32>
        %add3A_543 = arith.addf %add3A_463, %get3A_542 : vector<16xf32>
        %get3A_544 = arith.constant 0 : i32
        %get3A_545 = arith.constant 0 : i32
        %get3A_546 = tpu.memref_slice %arg6[%scan3A_176, %get3A_544, %get3A_545] : memref<4x200x64xf32, #tpu.memory_space<vmem>> -> memref<1x200x64xf32, #tpu.memory_space<vmem>>
        %get3A_547 = tpu.memref_squeeze %get3A_546 : memref<1x200x64xf32, #tpu.memory_space<vmem>> -> memref<200x64xf32, #tpu.memory_space<vmem>>
        %get3A_548 = arith.index_cast %add3A_525 : i32 to index
        %get3A_549 = arith.constant 32 : index
        %get3A_550 = tpu.vector_load %get3A_547[%get3A_548, %get3A_549] {strides = array<i32>} : memref<200x64xf32, #tpu.memory_space<vmem>>, vector<1x16xf32>,
        %get3A_551 = vector.shape_cast %get3A_550 : vector<1x16xf32> to vector<16xf32>
        %add3A_552 = arith.addf %add3A_472, %get3A_551 : vector<16xf32>
        %get3A_553 = arith.constant 0 : i32
        %get3A_554 = arith.constant 0 : i32
        %get3A_555 = tpu.memref_slice %arg6[%scan3A_176, %get3A_553, %get3A_554] : memref<4x200x64xf32, #tpu.memory_space<vmem>> -> memref<1x200x64xf32, #tpu.memory_space<vmem>>
        %get3A_556 = tpu.memref_squeeze %get3A_555 : memref<1x200x64xf32, #tpu.memory_space<vmem>> -> memref<200x64xf32, #tpu.memory_space<vmem>>
        %get3A_557 = arith.index_cast %add3A_525 : i32 to index
        %get3A_558 = arith.constant 48 : index
        %get3A_559 = tpu.vector_load %get3A_556[%get3A_557, %get3A_558] {strides = array<i32>} : memref<200x64xf32, #tpu.memory_space<vmem>>, vector<1x16xf32>,
        %get3A_560 = vector.shape_cast %get3A_559 : vector<1x16xf32> to vector<16xf32>
        %add3A_561 = arith.addf %add3A_481, %get3A_560 : vector<16xf32>
        %mul3A_562 = arith.constant 8 : i32
        %mul3A_563 = arith.muli %scan3A_434, %mul3A_562 : i32
        %add3A_564 = arith.constant 3 : i32
        %add3A_565 = arith.addi %mul3A_563, %add3A_564 : i32
        %get3A_566 = arith.constant 0 : i32
        %get3A_567 = arith.constant 0 : i32
        %get3A_568 = tpu.memref_slice %arg6[%scan3A_176, %get3A_566, %get3A_567] : memref<4x200x64xf32, #tpu.memory_space<vmem>> -> memref<1x200x64xf32, #tpu.memory_space<vmem>>
        %get3A_569 = tpu.memref_squeeze %get3A_568 : memref<1x200x64xf32, #tpu.memory_space<vmem>> -> memref<200x64xf32, #tpu.memory_space<vmem>>
        %get3A_570 = arith.index_cast %add3A_565 : i32 to index
        %get3A_571 = arith.constant 0 : index
        %get3A_572 = tpu.vector_load %get3A_569[%get3A_570, %get3A_571] {strides = array<i32>} : memref<200x64xf32, #tpu.memory_space<vmem>>, vector<1x16xf32>,
        %get3A_573 = vector.shape_cast %get3A_572 : vector<1x16xf32> to vector<16xf32>
        %add3A_574 = arith.addf %add3A_494, %get3A_573 : vector<16xf32>
        %get3A_575 = arith.constant 0 : i32
        %get3A_576 = arith.constant 0 : i32
        %get3A_577 = tpu.memref_slice %arg6[%scan3A_176, %get3A_575, %get3A_576] : memref<4x200x64xf32, #tpu.memory_space<vmem>> -> memref<1x200x64xf32, #tpu.memory_space<vmem>>
        %get3A_578 = tpu.memref_squeeze %get3A_577 : memref<1x200x64xf32, #tpu.memory_space<vmem>> -> memref<200x64xf32, #tpu.memory_space<vmem>>
        %get3A_579 = arith.index_cast %add3A_565 : i32 to index
        %get3A_580 = arith.constant 16 : index
        %get3A_581 = tpu.vector_load %get3A_578[%get3A_579, %get3A_580] {strides = array<i32>} : memref<200x64xf32, #tpu.memory_space<vmem>>, vector<1x16xf32>,
        %get3A_582 = vector.shape_cast %get3A_581 : vector<1x16xf32> to vector<16xf32>
        %add3A_583 = arith.addf %add3A_503, %get3A_582 : vector<16xf32>
        %get3A_584 = arith.constant 0 : i32
        %get3A_585 = arith.constant 0 : i32
        %get3A_586 = tpu.memref_slice %arg6[%scan3A_176, %get3A_584, %get3A_585] : memref<4x200x64xf32, #tpu.memory_space<vmem>> -> memref<1x200x64xf32, #tpu.memory_space<vmem>>
        %get3A_587 = tpu.memref_squeeze %get3A_586 : memref<1x200x64xf32, #tpu.memory_space<vmem>> -> memref<200x64xf32, #tpu.memory_space<vmem>>
        %get3A_588 = arith.index_cast %add3A_565 : i32 to index
        %get3A_589 = arith.constant 32 : index
        %get3A_590 = tpu.vector_load %get3A_587[%get3A_588, %get3A_589] {strides = array<i32>} : memref<200x64xf32, #tpu.memory_space<vmem>>, vector<1x16xf32>,
        %get3A_591 = vector.shape_cast %get3A_590 : vector<1x16xf32> to vector<16xf32>
        %add3A_592 = arith.addf %add3A_512, %get3A_591 : vector<16xf32>
        %get3A_593 = arith.constant 0 : i32
        %get3A_594 = arith.constant 0 : i32
        %get3A_595 = tpu.memref_slice %arg6[%scan3A_176, %get3A_593, %get3A_594] : memref<4x200x64xf32, #tpu.memory_space<vmem>> -> memref<1x200x64xf32, #tpu.memory_space<vmem>>
        %get3A_596 = tpu.memref_squeeze %get3A_595 : memref<1x200x64xf32, #tpu.memory_space<vmem>> -> memref<200x64xf32, #tpu.memory_space<vmem>>
        %get3A_597 = arith.index_cast %add3A_565 : i32 to index
        %get3A_598 = arith.constant 48 : index
        %get3A_599 = tpu.vector_load %get3A_596[%get3A_597, %get3A_598] {strides = array<i32>} : memref<200x64xf32, #tpu.memory_space<vmem>>, vector<1x16xf32>,
        %get3A_600 = vector.shape_cast %get3A_599 : vector<1x16xf32> to vector<16xf32>
        %add3A_601 = arith.addf %add3A_521, %get3A_600 : vector<16xf32>
        %mul3A_602 = arith.constant 8 : i32
        %mul3A_603 = arith.muli %scan3A_434, %mul3A_602 : i32
        %add3A_604 = arith.constant 4 : i32
        %add3A_605 = arith.addi %mul3A_603, %add3A_604 : i32
        %get3A_606 = arith.constant 0 : i32
        %get3A_607 = arith.constant 0 : i32
        %get3A_608 = tpu.memref_slice %arg6[%scan3A_176, %get3A_606, %get3A_607] : memref<4x200x64xf32, #tpu.memory_space<vmem>> -> memref<1x200x64xf32, #tpu.memory_space<vmem>>
        %get3A_609 = tpu.memref_squeeze %get3A_608 : memref<1x200x64xf32, #tpu.memory_space<vmem>> -> memref<200x64xf32, #tpu.memory_space<vmem>>
        %get3A_610 = arith.index_cast %add3A_605 : i32 to index
        %get3A_611 = arith.constant 0 : index
        %get3A_612 = tpu.vector_load %get3A_609[%get3A_610, %get3A_611] {strides = array<i32>} : memref<200x64xf32, #tpu.memory_space<vmem>>, vector<1x16xf32>,
        %get3A_613 = vector.shape_cast %get3A_612 : vector<1x16xf32> to vector<16xf32>
        %add3A_614 = arith.addf %add3A_534, %get3A_613 : vector<16xf32>
        %get3A_615 = arith.constant 0 : i32
        %get3A_616 = arith.constant 0 : i32
        %get3A_617 = tpu.memref_slice %arg6[%scan3A_176, %get3A_615, %get3A_616] : memref<4x200x64xf32, #tpu.memory_space<vmem>> -> memref<1x200x64xf32, #tpu.memory_space<vmem>>
        %get3A_618 = tpu.memref_squeeze %get3A_617 : memref<1x200x64xf32, #tpu.memory_space<vmem>> -> memref<200x64xf32, #tpu.memory_space<vmem>>
        %get3A_619 = arith.index_cast %add3A_605 : i32 to index
        %get3A_620 = arith.constant 16 : index
        %get3A_621 = tpu.vector_load %get3A_618[%get3A_619, %get3A_620] {strides = array<i32>} : memref<200x64xf32, #tpu.memory_space<vmem>>, vector<1x16xf32>,
        %get3A_622 = vector.shape_cast %get3A_621 : vector<1x16xf32> to vector<16xf32>
        %add3A_623 = arith.addf %add3A_543, %get3A_622 : vector<16xf32>
        %get3A_624 = arith.constant 0 : i32
        %get3A_625 = arith.constant 0 : i32
        %get3A_626 = tpu.memref_slice %arg6[%scan3A_176, %get3A_624, %get3A_625] : memref<4x200x64xf32, #tpu.memory_space<vmem>> -> memref<1x200x64xf32, #tpu.memory_space<vmem>>
        %get3A_627 = tpu.memref_squeeze %get3A_626 : memref<1x200x64xf32, #tpu.memory_space<vmem>> -> memref<200x64xf32, #tpu.memory_space<vmem>>
        %get3A_628 = arith.index_cast %add3A_605 : i32 to index
        %get3A_629 = arith.constant 32 : index
        %get3A_630 = tpu.vector_load %get3A_627[%get3A_628, %get3A_629] {strides = array<i32>} : memref<200x64xf32, #tpu.memory_space<vmem>>, vector<1x16xf32>,
        %get3A_631 = vector.shape_cast %get3A_630 : vector<1x16xf32> to vector<16xf32>
        %add3A_632 = arith.addf %add3A_552, %get3A_631 : vector<16xf32>
        %get3A_633 = arith.constant 0 : i32
        %get3A_634 = arith.constant 0 : i32
        %get3A_635 = tpu.memref_slice %arg6[%scan3A_176, %get3A_633, %get3A_634] : memref<4x200x64xf32, #tpu.memory_space<vmem>> -> memref<1x200x64xf32, #tpu.memory_space<vmem>>
        %get3A_636 = tpu.memref_squeeze %get3A_635 : memref<1x200x64xf32, #tpu.memory_space<vmem>> -> memref<200x64xf32, #tpu.memory_space<vmem>>
        %get3A_637 = arith.index_cast %add3A_605 : i32 to index
        %get3A_638 = arith.constant 48 : index
        %get3A_639 = tpu.vector_load %get3A_636[%get3A_637, %get3A_638] {strides = array<i32>} : memref<200x64xf32, #tpu.memory_space<vmem>>, vector<1x16xf32>,
        %get3A_640 = vector.shape_cast %get3A_639 : vector<1x16xf32> to vector<16xf32>
        %add3A_641 = arith.addf %add3A_561, %get3A_640 : vector<16xf32>
        %mul3A_642 = arith.constant 8 : i32
        %mul3A_643 = arith.muli %scan3A_434, %mul3A_642 : i32
        %add3A_644 = arith.constant 5 : i32
        %add3A_645 = arith.addi %mul3A_643, %add3A_644 : i32
        %get3A_646 = arith.constant 0 : i32
        %get3A_647 = arith.constant 0 : i32
        %get3A_648 = tpu.memref_slice %arg6[%scan3A_176, %get3A_646, %get3A_647] : memref<4x200x64xf32, #tpu.memory_space<vmem>> -> memref<1x200x64xf32, #tpu.memory_space<vmem>>
        %get3A_649 = tpu.memref_squeeze %get3A_648 : memref<1x200x64xf32, #tpu.memory_space<vmem>> -> memref<200x64xf32, #tpu.memory_space<vmem>>
        %get3A_650 = arith.index_cast %add3A_645 : i32 to index
        %get3A_651 = arith.constant 0 : index
        %get3A_652 = tpu.vector_load %get3A_649[%get3A_650, %get3A_651] {strides = array<i32>} : memref<200x64xf32, #tpu.memory_space<vmem>>, vector<1x16xf32>,
        %get3A_653 = vector.shape_cast %get3A_652 : vector<1x16xf32> to vector<16xf32>
        %add3A_654 = arith.addf %add3A_574, %get3A_653 : vector<16xf32>
        %get3A_655 = arith.constant 0 : i32
        %get3A_656 = arith.constant 0 : i32
        %get3A_657 = tpu.memref_slice %arg6[%scan3A_176, %get3A_655, %get3A_656] : memref<4x200x64xf32, #tpu.memory_space<vmem>> -> memref<1x200x64xf32, #tpu.memory_space<vmem>>
        %get3A_658 = tpu.memref_squeeze %get3A_657 : memref<1x200x64xf32, #tpu.memory_space<vmem>> -> memref<200x64xf32, #tpu.memory_space<vmem>>
        %get3A_659 = arith.index_cast %add3A_645 : i32 to index
        %get3A_660 = arith.constant 16 : index
        %get3A_661 = tpu.vector_load %get3A_658[%get3A_659, %get3A_660] {strides = array<i32>} : memref<200x64xf32, #tpu.memory_space<vmem>>, vector<1x16xf32>,
        %get3A_662 = vector.shape_cast %get3A_661 : vector<1x16xf32> to vector<16xf32>
        %add3A_663 = arith.addf %add3A_583, %get3A_662 : vector<16xf32>
        %get3A_664 = arith.constant 0 : i32
        %get3A_665 = arith.constant 0 : i32
        %get3A_666 = tpu.memref_slice %arg6[%scan3A_176, %get3A_664, %get3A_665] : memref<4x200x64xf32, #tpu.memory_space<vmem>> -> memref<1x200x64xf32, #tpu.memory_space<vmem>>
        %get3A_667 = tpu.memref_squeeze %get3A_666 : memref<1x200x64xf32, #tpu.memory_space<vmem>> -> memref<200x64xf32, #tpu.memory_space<vmem>>
        %get3A_668 = arith.index_cast %add3A_645 : i32 to index
        %get3A_669 = arith.constant 32 : index
        %get3A_670 = tpu.vector_load %get3A_667[%get3A_668, %get3A_669] {strides = array<i32>} : memref<200x64xf32, #tpu.memory_space<vmem>>, vector<1x16xf32>,
        %get3A_671 = vector.shape_cast %get3A_670 : vector<1x16xf32> to vector<16xf32>
        %add3A_672 = arith.addf %add3A_592, %get3A_671 : vector<16xf32>
        %get3A_673 = arith.constant 0 : i32
        %get3A_674 = arith.constant 0 : i32
        %get3A_675 = tpu.memref_slice %arg6[%scan3A_176, %get3A_673, %get3A_674] : memref<4x200x64xf32, #tpu.memory_space<vmem>> -> memref<1x200x64xf32, #tpu.memory_space<vmem>>
        %get3A_676 = tpu.memref_squeeze %get3A_675 : memref<1x200x64xf32, #tpu.memory_space<vmem>> -> memref<200x64xf32, #tpu.memory_space<vmem>>
        %get3A_677 = arith.index_cast %add3A_645 : i32 to index
        %get3A_678 = arith.constant 48 : index
        %get3A_679 = tpu.vector_load %get3A_676[%get3A_677, %get3A_678] {strides = array<i32>} : memref<200x64xf32, #tpu.memory_space<vmem>>, vector<1x16xf32>,
        %get3A_680 = vector.shape_cast %get3A_679 : vector<1x16xf32> to vector<16xf32>
        %add3A_681 = arith.addf %add3A_601, %get3A_680 : vector<16xf32>
        %mul3A_682 = arith.constant 8 : i32
        %mul3A_683 = arith.muli %scan3A_434, %mul3A_682 : i32
        %add3A_684 = arith.constant 6 : i32
        %add3A_685 = arith.addi %mul3A_683, %add3A_684 : i32
        %get3A_686 = arith.constant 0 : i32
        %get3A_687 = arith.constant 0 : i32
        %get3A_688 = tpu.memref_slice %arg6[%scan3A_176, %get3A_686, %get3A_687] : memref<4x200x64xf32, #tpu.memory_space<vmem>> -> memref<1x200x64xf32, #tpu.memory_space<vmem>>
        %get3A_689 = tpu.memref_squeeze %get3A_688 : memref<1x200x64xf32, #tpu.memory_space<vmem>> -> memref<200x64xf32, #tpu.memory_space<vmem>>
        %get3A_690 = arith.index_cast %add3A_685 : i32 to index
        %get3A_691 = arith.constant 0 : index
        %get3A_692 = tpu.vector_load %get3A_689[%get3A_690, %get3A_691] {strides = array<i32>} : memref<200x64xf32, #tpu.memory_space<vmem>>, vector<1x16xf32>,
        %get3A_693 = vector.shape_cast %get3A_692 : vector<1x16xf32> to vector<16xf32>
        %add3A_694 = arith.addf %add3A_614, %get3A_693 : vector<16xf32>
        %get3A_695 = arith.constant 0 : i32
        %get3A_696 = arith.constant 0 : i32
        %get3A_697 = tpu.memref_slice %arg6[%scan3A_176, %get3A_695, %get3A_696] : memref<4x200x64xf32, #tpu.memory_space<vmem>> -> memref<1x200x64xf32, #tpu.memory_space<vmem>>
        %get3A_698 = tpu.memref_squeeze %get3A_697 : memref<1x200x64xf32, #tpu.memory_space<vmem>> -> memref<200x64xf32, #tpu.memory_space<vmem>>
        %get3A_699 = arith.index_cast %add3A_685 : i32 to index
        %get3A_700 = arith.constant 16 : index
        %get3A_701 = tpu.vector_load %get3A_698[%get3A_699, %get3A_700] {strides = array<i32>} : memref<200x64xf32, #tpu.memory_space<vmem>>, vector<1x16xf32>,
        %get3A_702 = vector.shape_cast %get3A_701 : vector<1x16xf32> to vector<16xf32>
        %add3A_703 = arith.addf %add3A_623, %get3A_702 : vector<16xf32>
        %get3A_704 = arith.constant 0 : i32
        %get3A_705 = arith.constant 0 : i32
        %get3A_706 = tpu.memref_slice %arg6[%scan3A_176, %get3A_704, %get3A_705] : memref<4x200x64xf32, #tpu.memory_space<vmem>> -> memref<1x200x64xf32, #tpu.memory_space<vmem>>
        %get3A_707 = tpu.memref_squeeze %get3A_706 : memref<1x200x64xf32, #tpu.memory_space<vmem>> -> memref<200x64xf32, #tpu.memory_space<vmem>>
        %get3A_708 = arith.index_cast %add3A_685 : i32 to index
        %get3A_709 = arith.constant 32 : index
        %get3A_710 = tpu.vector_load %get3A_707[%get3A_708, %get3A_709] {strides = array<i32>} : memref<200x64xf32, #tpu.memory_space<vmem>>, vector<1x16xf32>,
        %get3A_711 = vector.shape_cast %get3A_710 : vector<1x16xf32> to vector<16xf32>
        %add3A_712 = arith.addf %add3A_632, %get3A_711 : vector<16xf32>
        %get3A_713 = arith.constant 0 : i32
        %get3A_714 = arith.constant 0 : i32
        %get3A_715 = tpu.memref_slice %arg6[%scan3A_176, %get3A_713, %get3A_714] : memref<4x200x64xf32, #tpu.memory_space<vmem>> -> memref<1x200x64xf32, #tpu.memory_space<vmem>>
        %get3A_716 = tpu.memref_squeeze %get3A_715 : memref<1x200x64xf32, #tpu.memory_space<vmem>> -> memref<200x64xf32, #tpu.memory_space<vmem>>
        %get3A_717 = arith.index_cast %add3A_685 : i32 to index
        %get3A_718 = arith.constant 48 : index
        %get3A_719 = tpu.vector_load %get3A_716[%get3A_717, %get3A_718] {strides = array<i32>} : memref<200x64xf32, #tpu.memory_space<vmem>>, vector<1x16xf32>,
        %get3A_720 = vector.shape_cast %get3A_719 : vector<1x16xf32> to vector<16xf32>
        %add3A_721 = arith.addf %add3A_641, %get3A_720 : vector<16xf32>
        %mul3A_722 = arith.constant 8 : i32
        %mul3A_723 = arith.muli %scan3A_434, %mul3A_722 : i32
        %add3A_724 = arith.constant 7 : i32
        %add3A_725 = arith.addi %mul3A_723, %add3A_724 : i32
        %get3A_726 = arith.constant 0 : i32
        %get3A_727 = arith.constant 0 : i32
        %get3A_728 = tpu.memref_slice %arg6[%scan3A_176, %get3A_726, %get3A_727] : memref<4x200x64xf32, #tpu.memory_space<vmem>> -> memref<1x200x64xf32, #tpu.memory_space<vmem>>
        %get3A_729 = tpu.memref_squeeze %get3A_728 : memref<1x200x64xf32, #tpu.memory_space<vmem>> -> memref<200x64xf32, #tpu.memory_space<vmem>>
        %get3A_730 = arith.index_cast %add3A_725 : i32 to index
        %get3A_731 = arith.constant 0 : index
        %get3A_732 = tpu.vector_load %get3A_729[%get3A_730, %get3A_731] {strides = array<i32>} : memref<200x64xf32, #tpu.memory_space<vmem>>, vector<1x16xf32>,
        %get3A_733 = vector.shape_cast %get3A_732 : vector<1x16xf32> to vector<16xf32>
        %add3A_734 = arith.addf %add3A_654, %get3A_733 : vector<16xf32>
        %get3A_735 = arith.constant 0 : i32
        %get3A_736 = arith.constant 0 : i32
        %get3A_737 = tpu.memref_slice %arg6[%scan3A_176, %get3A_735, %get3A_736] : memref<4x200x64xf32, #tpu.memory_space<vmem>> -> memref<1x200x64xf32, #tpu.memory_space<vmem>>
        %get3A_738 = tpu.memref_squeeze %get3A_737 : memref<1x200x64xf32, #tpu.memory_space<vmem>> -> memref<200x64xf32, #tpu.memory_space<vmem>>
        %get3A_739 = arith.index_cast %add3A_725 : i32 to index
        %get3A_740 = arith.constant 16 : index
        %get3A_741 = tpu.vector_load %get3A_738[%get3A_739, %get3A_740] {strides = array<i32>} : memref<200x64xf32, #tpu.memory_space<vmem>>, vector<1x16xf32>,
        %get3A_742 = vector.shape_cast %get3A_741 : vector<1x16xf32> to vector<16xf32>
        %add3A_743 = arith.addf %add3A_663, %get3A_742 : vector<16xf32>
        %get3A_744 = arith.constant 0 : i32
        %get3A_745 = arith.constant 0 : i32
        %get3A_746 = tpu.memref_slice %arg6[%scan3A_176, %get3A_744, %get3A_745] : memref<4x200x64xf32, #tpu.memory_space<vmem>> -> memref<1x200x64xf32, #tpu.memory_space<vmem>>
        %get3A_747 = tpu.memref_squeeze %get3A_746 : memref<1x200x64xf32, #tpu.memory_space<vmem>> -> memref<200x64xf32, #tpu.memory_space<vmem>>
        %get3A_748 = arith.index_cast %add3A_725 : i32 to index
        %get3A_749 = arith.constant 32 : index
        %get3A_750 = tpu.vector_load %get3A_747[%get3A_748, %get3A_749] {strides = array<i32>} : memref<200x64xf32, #tpu.memory_space<vmem>>, vector<1x16xf32>,
        %get3A_751 = vector.shape_cast %get3A_750 : vector<1x16xf32> to vector<16xf32>
        %add3A_752 = arith.addf %add3A_672, %get3A_751 : vector<16xf32>
        %get3A_753 = arith.constant 0 : i32
        %get3A_754 = arith.constant 0 : i32
        %get3A_755 = tpu.memref_slice %arg6[%scan3A_176, %get3A_753, %get3A_754] : memref<4x200x64xf32, #tpu.memory_space<vmem>> -> memref<1x200x64xf32, #tpu.memory_space<vmem>>
        %get3A_756 = tpu.memref_squeeze %get3A_755 : memref<1x200x64xf32, #tpu.memory_space<vmem>> -> memref<200x64xf32, #tpu.memory_space<vmem>>
        %get3A_757 = arith.index_cast %add3A_725 : i32 to index
        %get3A_758 = arith.constant 48 : index
        %get3A_759 = tpu.vector_load %get3A_756[%get3A_757, %get3A_758] {strides = array<i32>} : memref<200x64xf32, #tpu.memory_space<vmem>>, vector<1x16xf32>,
        %get3A_760 = vector.shape_cast %get3A_759 : vector<1x16xf32> to vector<16xf32>
        %add3A_761 = arith.addf %add3A_681, %get3A_760 : vector<16xf32>
        scf.yield %add3A_694, %add3A_703, %add3A_712, %add3A_721, %add3A_734, %add3A_743, %add3A_752, %add3A_761 : vector<16xf32>, vector<16xf32>, vector<16xf32>, vector<16xf32>, vector<16xf32>, vector<16xf32>, vector<16xf32>, vector<16xf32>
      }
      %scan3A_182 = arith.constant 25 : i32
      %add3A_183 = arith.addf %scan3A_181#0, %scan3A_181#4 : vector<16xf32>
      %mul3A_184 = arith.constant 5.000000e-03 : f32
      %mul3A_185 = vector.broadcast %mul3A_184 : f32 to vector<16xf32>
      %mul3A_186 = arith.mulf %add3A_183, %mul3A_185 : vector<16xf32>
      %swap3A = arith.index_cast %add3A_155 : i32 to index
      %swap3A_187 = arith.constant 0 : index
      %swap3A_188 = tpu.vector_load %arg7[%swap3A, %swap3A_187] {strides = array<i32>} : memref<128x64xf32, #tpu.memory_space<vmem>>, vector<1x16xf32>,
      %swap3A_189 = vector.shape_cast %swap3A_188 : vector<1x16xf32> to vector<16xf32>
      %swap3A_190 = vector.shape_cast %mul3A_186 : vector<16xf32> to vector<1x16xf32>
      tpu.vector_store %arg7[%swap3A, %swap3A_187], %swap3A_190 {strides = array<i32>} : memref<128x64xf32, #tpu.memory_space<vmem>>, vector<1x16xf32>,
      %add3A_191 = arith.addf %scan3A_181#1, %scan3A_181#5 : vector<16xf32>
      %mul3A_192 = arith.constant 5.000000e-03 : f32
      %mul3A_193 = vector.broadcast %mul3A_192 : f32 to vector<16xf32>
      %mul3A_194 = arith.mulf %add3A_191, %mul3A_193 : vector<16xf32>
      %swap3A_195 = arith.index_cast %add3A_155 : i32 to index
      %swap3A_196 = arith.constant 16 : index
      %swap3A_197 = tpu.vector_load %arg7[%swap3A_195, %swap3A_196] {strides = array<i32>} : memref<128x64xf32, #tpu.memory_space<vmem>>, vector<1x16xf32>,
      %swap3A_198 = vector.shape_cast %swap3A_197 : vector<1x16xf32> to vector<16xf32>
      %swap3A_199 = vector.shape_cast %mul3A_194 : vector<16xf32> to vector<1x16xf32>
      tpu.vector_store %arg7[%swap3A_195, %swap3A_196], %swap3A_199 {strides = array<i32>} : memref<128x64xf32, #tpu.memory_space<vmem>>, vector<1x16xf32>,
      %add3A_200 = arith.addf %scan3A_181#2, %scan3A_181#6 : vector<16xf32>
      %mul3A_201 = arith.constant 5.000000e-03 : f32
      %mul3A_202 = vector.broadcast %mul3A_201 : f32 to vector<16xf32>
      %mul3A_203 = arith.mulf %add3A_200, %mul3A_202 : vector<16xf32>
      %swap3A_204 = arith.index_cast %add3A_155 : i32 to index
      %swap3A_205 = arith.constant 32 : index
      %swap3A_206 = tpu.vector_load %arg7[%swap3A_204, %swap3A_205] {strides = array<i32>} : memref<128x64xf32, #tpu.memory_space<vmem>>, vector<1x16xf32>,
      %swap3A_207 = vector.shape_cast %swap3A_206 : vector<1x16xf32> to vector<16xf32>
      %swap3A_208 = vector.shape_cast %mul3A_203 : vector<16xf32> to vector<1x16xf32>
      tpu.vector_store %arg7[%swap3A_204, %swap3A_205], %swap3A_208 {strides = array<i32>} : memref<128x64xf32, #tpu.memory_space<vmem>>, vector<1x16xf32>,
      %add3A_209 = arith.addf %scan3A_181#3, %scan3A_181#7 : vector<16xf32>
      %mul3A_210 = arith.constant 5.000000e-03 : f32
      %mul3A_211 = vector.broadcast %mul3A_210 : f32 to vector<16xf32>
      %mul3A_212 = arith.mulf %add3A_209, %mul3A_211 : vector<16xf32>
      %swap3A_213 = arith.index_cast %add3A_155 : i32 to index
      %swap3A_214 = arith.constant 48 : index
      %swap3A_215 = tpu.vector_load %arg7[%swap3A_213, %swap3A_214] {strides = array<i32>} : memref<128x64xf32, #tpu.memory_space<vmem>>, vector<1x16xf32>,
      %swap3A_216 = vector.shape_cast %swap3A_215 : vector<1x16xf32> to vector<16xf32>
      %swap3A_217 = vector.shape_cast %mul3A_212 : vector<16xf32> to vector<1x16xf32>
      tpu.vector_store %arg7[%swap3A_213, %swap3A_214], %swap3A_217 {strides = array<i32>} : memref<128x64xf32, #tpu.memory_space<vmem>>, vector<1x16xf32>,
      %mul3A_218 = arith.constant 4 : i32
      %mul3A_219 = arith.muli %scan3A_151, %mul3A_218 : i32
      %add3A_220 = arith.constant 1 : i32
      %add3A_221 = arith.addi %mul3A_219, %add3A_220 : i32
      %dma_wait3A_222 = arith.constant 1 : i32
      %dma_wait3A_223 = arith.constant 1 : i32
      %dma_wait3A_224 = arith.constant 0 : i32
      %dma_wait3A_225 = arith.constant 0 : i32
      %dma_wait3A_226 = tpu.memref_slice %arg6[%dma_wait3A_222, %dma_wait3A_224, %dma_wait3A_225] : memref<4x200x64xf32, #tpu.memory_space<vmem>> -> memref<1x200x64xf32, #tpu.memory_space<vmem>>
      %dma_wait3A_227 = tpu.memref_squeeze %dma_wait3A_226 : memref<1x200x64xf32, #tpu.memory_space<vmem>> -> memref<200x64xf32, #tpu.memory_space<vmem>>
      %dma_wait3A_228 = arith.constant 0 : i32
      %dma_wait3A_229 = arith.constant 0 : i32
      %dma_wait3A_230 = tpu.memref_slice %arg3[%dma_wait3A_228, %dma_wait3A_229] : memref<1000000x64xf32, #tpu.memory_space<hbm>> -> memref<200x64xf32, #tpu.memory_space<hbm>>
      %dma_wait3A_231 = tpu.memref_slice %arg8[%dma_wait3A_223] : memref<4x!tpu.dma_semaphore, #tpu.memory_space<semaphore_mem>> -> memref<1x!tpu.dma_semaphore, #tpu.memory_space<semaphore_mem>>
      %dma_wait3A_232 = tpu.memref_squeeze %dma_wait3A_231 : memref<1x!tpu.dma_semaphore, #tpu.memory_space<semaphore_mem>> -> memref<!tpu.dma_semaphore, #tpu.memory_space<semaphore_mem>>
      %dma_wait3A_233 = arith.constant 0 : i32
      %dma_wait3A_234 = arith.constant 0 : i32
      %dma_wait3A_235 = tpu.memref_slice %arg6[%dma_wait3A_222, %dma_wait3A_233, %dma_wait3A_234] : memref<4x200x64xf32, #tpu.memory_space<vmem>> -> memref<1x200x64xf32, #tpu.memory_space<vmem>>
      %dma_wait3A_236 = tpu.memref_squeeze %dma_wait3A_235 : memref<1x200x64xf32, #tpu.memory_space<vmem>> -> memref<200x64xf32, #tpu.memory_space<vmem>>
      %dma_wait3A_237 = arith.constant 0 : i32
      %dma_wait3A_238 = arith.constant 0 : i32
      %dma_wait3A_239 = tpu.memref_slice %arg3[%dma_wait3A_237, %dma_wait3A_238] : memref<1000000x64xf32, #tpu.memory_space<hbm>> -> memref<200x64xf32, #tpu.memory_space<hbm>>
      tpu.wait_dma2 semaphore(%dma_wait3A_232 : memref<!tpu.dma_semaphore, #tpu.memory_space<semaphore_mem>>) src(%dma_wait3A_239 : memref<200x64xf32, #tpu.memory_space<hbm>>) dst(%dma_wait3A_236 : memref<200x64xf32, #tpu.memory_space<vmem>>)
      %lt3A_240 = arith.constant 31 : i32
      %lt3A_241 = arith.cmpi slt, %scan3A_151, %lt3A_240 : i32
      %convert_element_type3A_242 = arith.extui %lt3A_241 : i1 to i32
      %cond3A_243 = arith.constant 0 : i32
      %cond3A_244 = arith.cmpi ne, %convert_element_type3A_242, %cond3A_243 : i32
      scf.if %cond3A_244 {
        %add3A_434 = arith.constant 4 : i32
        %add3A_435 = arith.addi %add3A_221, %add3A_434 : i32
        %dma_start3A_436 = arith.constant 1 : i32
        %dma_start3A_437 = arith.constant 1 : i32
        %dma_start3A_438 = arith.constant 0 : i32
        %dma_start3A_439 = arith.constant 0 : i32
        %dma_start3A_440 = tpu.memref_slice %arg6[%dma_start3A_436, %dma_start3A_438, %dma_start3A_439] : memref<4x200x64xf32, #tpu.memory_space<vmem>> -> memref<1x200x64xf32, #tpu.memory_space<vmem>>
        %dma_start3A_441 = tpu.memref_squeeze %dma_start3A_440 : memref<1x200x64xf32, #tpu.memory_space<vmem>> -> memref<200x64xf32, #tpu.memory_space<vmem>>
        %dma_start3A_442 = arith.constant 0 : i32
        %dma_start3A_443 = arith.constant 0 : i32
        %dma_start3A_444 = tpu.memref_slice %dma_start3A_441[%dma_start3A_442, %dma_start3A_443] : memref<200x64xf32, #tpu.memory_space<vmem>> -> memref<128x64xf32, #tpu.memory_space<vmem>>
        %dma_start3A_445 = arith.constant 0 : i32
        %dma_start3A_446 = tpu.memref_slice %arg5[%add3A_435, %dma_start3A_445] : memref<128x200xi32, #tpu.memory_space<vmem>> -> memref<1x128xi32, #tpu.memory_space<vmem>>
        %dma_start3A_447 = tpu.memref_squeeze %dma_start3A_446 : memref<1x128xi32, #tpu.memory_space<vmem>> -> memref<128xi32, #tpu.memory_space<vmem>>
        %dma_start3A_448 = arith.constant 0 : i32
        %dma_start3A_449 = arith.constant 0 : i32
        %dma_start3A_450 = tpu.memref_slice %arg3[%dma_start3A_448, %dma_start3A_449] : memref<1000000x64xf32, #tpu.memory_space<hbm>> -> memref<1000000x64xf32, #tpu.memory_space<hbm>>
        %dma_start3A_451 = tpu.memref_slice %arg8[%dma_start3A_437] : memref<4x!tpu.dma_semaphore, #tpu.memory_space<semaphore_mem>> -> memref<1x!tpu.dma_semaphore, #tpu.memory_space<semaphore_mem>>
        %dma_start3A_452 = tpu.memref_squeeze %dma_start3A_451 : memref<1x!tpu.dma_semaphore, #tpu.memory_space<semaphore_mem>> -> memref<!tpu.dma_semaphore, #tpu.memory_space<semaphore_mem>>
        tpu.enqueue_indirect_dma source(%dma_start3A_450 : memref<1000000x64xf32, #tpu.memory_space<hbm>>) target(%dma_start3A_444 : memref<128x64xf32, #tpu.memory_space<vmem>>) offsets(%dma_start3A_447 : memref<128xi32, #tpu.memory_space<vmem>>) semaphore(%dma_start3A_452 : memref<!tpu.dma_semaphore, #tpu.memory_space<semaphore_mem>>)
        %dma_start3A_453 = arith.constant 1 : i32
        %dma_start3A_454 = arith.constant 1 : i32
        %dma_start3A_455 = arith.constant 0 : i32
        %dma_start3A_456 = arith.constant 0 : i32
        %dma_start3A_457 = tpu.memref_slice %arg6[%dma_start3A_453, %dma_start3A_455, %dma_start3A_456] : memref<4x200x64xf32, #tpu.memory_space<vmem>> -> memref<1x200x64xf32, #tpu.memory_space<vmem>>
        %dma_start3A_458 = tpu.memref_squeeze %dma_start3A_457 : memref<1x200x64xf32, #tpu.memory_space<vmem>> -> memref<200x64xf32, #tpu.memory_space<vmem>>
        %dma_start3A_459 = arith.constant 128 : i32
        %dma_start3A_460 = arith.constant 0 : i32
        %dma_start3A_461 = tpu.memref_slice %dma_start3A_458[%dma_start3A_459, %dma_start3A_460] : memref<200x64xf32, #tpu.memory_space<vmem>> -> memref<72x64xf32, #tpu.memory_space<vmem>>
        %dma_start3A_462 = arith.constant 128 : i32
        %dma_start3A_463 = tpu.memref_slice %arg5[%add3A_435, %dma_start3A_462] : memref<128x200xi32, #tpu.memory_space<vmem>> -> memref<1x72xi32, #tpu.memory_space<vmem>>
        %dma_start3A_464 = tpu.memref_squeeze %dma_start3A_463 : memref<1x72xi32, #tpu.memory_space<vmem>> -> memref<72xi32, #tpu.memory_space<vmem>>
        %dma_start3A_465 = arith.constant 0 : i32
        %dma_start3A_466 = arith.constant 0 : i32
        %dma_start3A_467 = tpu.memref_slice %arg3[%dma_start3A_465, %dma_start3A_466] : memref<1000000x64xf32, #tpu.memory_space<hbm>> -> memref<1000000x64xf32, #tpu.memory_space<hbm>>
        %dma_start3A_468 = tpu.memref_slice %arg8[%dma_start3A_454] : memref<4x!tpu.dma_semaphore, #tpu.memory_space<semaphore_mem>> -> memref<1x!tpu.dma_semaphore, #tpu.memory_space<semaphore_mem>>
        %dma_start3A_469 = tpu.memref_squeeze %dma_start3A_468 : memref<1x!tpu.dma_semaphore, #tpu.memory_space<semaphore_mem>> -> memref<!tpu.dma_semaphore, #tpu.memory_space<semaphore_mem>>
        tpu.enqueue_indirect_dma source(%dma_start3A_467 : memref<1000000x64xf32, #tpu.memory_space<hbm>>) target(%dma_start3A_461 : memref<72x64xf32, #tpu.memory_space<vmem>>) offsets(%dma_start3A_464 : memref<72xi32, #tpu.memory_space<vmem>>) semaphore(%dma_start3A_469 : memref<!tpu.dma_semaphore, #tpu.memory_space<semaphore_mem>>)
      } else {
      }
      %broadcast_in_dim3A_245 = arith.constant 0.000000e+00 : f32
      %broadcast_in_dim3A_246 = vector.broadcast %broadcast_in_dim3A_245 : f32 to vector<16xf32>
      %scan3A_247 = arith.constant 1 : i32
      %scan3A_248 = arith.constant 0 : i32
      %scan3A_249 = arith.constant 25 : i32
      %scan3A_250 = arith.addi %scan3A_248, %scan3A_249 : i32
      %scan3A_251 = arith.constant 1 : i32
      %scan3A_252:8 = scf.for %scan3A_434 = %scan3A_248 to %scan3A_250 step %scan3A_251 iter_args(%scan3A_435 = %broadcast_in_dim3A_246, %scan3A_436 = %broadcast_in_dim3A_246, %scan3A_437 = %broadcast_in_dim3A_246, %scan3A_438 = %broadcast_in_dim3A_246, %scan3A_439 = %broadcast_in_dim3A_246, %scan3A_440 = %broadcast_in_dim3A_246, %scan3A_441 = %broadcast_in_dim3A_246, %scan3A_442 = %broadcast_in_dim3A_246) -> (vector<16xf32>, vector<16xf32>, vector<16xf32>, vector<16xf32>, vector<16xf32>, vector<16xf32>, vector<16xf32>, vector<16xf32>)  : i32 {
        %mul3A_443 = arith.constant 8 : i32
        %mul3A_444 = arith.muli %scan3A_434, %mul3A_443 : i32
        %add3A_445 = arith.constant 0 : i32
        %add3A_446 = arith.addi %mul3A_444, %add3A_445 : i32
        %get3A = arith.constant 0 : i32
        %get3A_447 = arith.constant 0 : i32
        %get3A_448 = tpu.memref_slice %arg6[%scan3A_247, %get3A, %get3A_447] : memref<4x200x64xf32, #tpu.memory_space<vmem>> -> memref<1x200x64xf32, #tpu.memory_space<vmem>>
        %get3A_449 = tpu.memref_squeeze %get3A_448 : memref<1x200x64xf32, #tpu.memory_space<vmem>> -> memref<200x64xf32, #tpu.memory_space<vmem>>
        %get3A_450 = arith.index_cast %add3A_446 : i32 to index
        %get3A_451 = arith.constant 0 : index
        %get3A_452 = tpu.vector_load %get3A_449[%get3A_450, %get3A_451] {strides = array<i32>} : memref<200x64xf32, #tpu.memory_space<vmem>>, vector<1x16xf32>,
        %get3A_453 = vector.shape_cast %get3A_452 : vector<1x16xf32> to vector<16xf32>
        %add3A_454 = arith.addf %scan3A_435, %get3A_453 : vector<16xf32>
        %get3A_455 = arith.constant 0 : i32
        %get3A_456 = arith.constant 0 : i32
        %get3A_457 = tpu.memref_slice %arg6[%scan3A_247, %get3A_455, %get3A_456] : memref<4x200x64xf32, #tpu.memory_space<vmem>> -> memref<1x200x64xf32, #tpu.memory_space<vmem>>
        %get3A_458 = tpu.memref_squeeze %get3A_457 : memref<1x200x64xf32, #tpu.memory_space<vmem>> -> memref<200x64xf32, #tpu.memory_space<vmem>>
        %get3A_459 = arith.index_cast %add3A_446 : i32 to index
        %get3A_460 = arith.constant 16 : index
        %get3A_461 = tpu.vector_load %get3A_458[%get3A_459, %get3A_460] {strides = array<i32>} : memref<200x64xf32, #tpu.memory_space<vmem>>, vector<1x16xf32>,
        %get3A_462 = vector.shape_cast %get3A_461 : vector<1x16xf32> to vector<16xf32>
        %add3A_463 = arith.addf %scan3A_436, %get3A_462 : vector<16xf32>
        %get3A_464 = arith.constant 0 : i32
        %get3A_465 = arith.constant 0 : i32
        %get3A_466 = tpu.memref_slice %arg6[%scan3A_247, %get3A_464, %get3A_465] : memref<4x200x64xf32, #tpu.memory_space<vmem>> -> memref<1x200x64xf32, #tpu.memory_space<vmem>>
        %get3A_467 = tpu.memref_squeeze %get3A_466 : memref<1x200x64xf32, #tpu.memory_space<vmem>> -> memref<200x64xf32, #tpu.memory_space<vmem>>
        %get3A_468 = arith.index_cast %add3A_446 : i32 to index
        %get3A_469 = arith.constant 32 : index
        %get3A_470 = tpu.vector_load %get3A_467[%get3A_468, %get3A_469] {strides = array<i32>} : memref<200x64xf32, #tpu.memory_space<vmem>>, vector<1x16xf32>,
        %get3A_471 = vector.shape_cast %get3A_470 : vector<1x16xf32> to vector<16xf32>
        %add3A_472 = arith.addf %scan3A_437, %get3A_471 : vector<16xf32>
        %get3A_473 = arith.constant 0 : i32
        %get3A_474 = arith.constant 0 : i32
        %get3A_475 = tpu.memref_slice %arg6[%scan3A_247, %get3A_473, %get3A_474] : memref<4x200x64xf32, #tpu.memory_space<vmem>> -> memref<1x200x64xf32, #tpu.memory_space<vmem>>
        %get3A_476 = tpu.memref_squeeze %get3A_475 : memref<1x200x64xf32, #tpu.memory_space<vmem>> -> memref<200x64xf32, #tpu.memory_space<vmem>>
        %get3A_477 = arith.index_cast %add3A_446 : i32 to index
        %get3A_478 = arith.constant 48 : index
        %get3A_479 = tpu.vector_load %get3A_476[%get3A_477, %get3A_478] {strides = array<i32>} : memref<200x64xf32, #tpu.memory_space<vmem>>, vector<1x16xf32>,
        %get3A_480 = vector.shape_cast %get3A_479 : vector<1x16xf32> to vector<16xf32>
        %add3A_481 = arith.addf %scan3A_438, %get3A_480 : vector<16xf32>
        %mul3A_482 = arith.constant 8 : i32
        %mul3A_483 = arith.muli %scan3A_434, %mul3A_482 : i32
        %add3A_484 = arith.constant 1 : i32
        %add3A_485 = arith.addi %mul3A_483, %add3A_484 : i32
        %get3A_486 = arith.constant 0 : i32
        %get3A_487 = arith.constant 0 : i32
        %get3A_488 = tpu.memref_slice %arg6[%scan3A_247, %get3A_486, %get3A_487] : memref<4x200x64xf32, #tpu.memory_space<vmem>> -> memref<1x200x64xf32, #tpu.memory_space<vmem>>
        %get3A_489 = tpu.memref_squeeze %get3A_488 : memref<1x200x64xf32, #tpu.memory_space<vmem>> -> memref<200x64xf32, #tpu.memory_space<vmem>>
        %get3A_490 = arith.index_cast %add3A_485 : i32 to index
        %get3A_491 = arith.constant 0 : index
        %get3A_492 = tpu.vector_load %get3A_489[%get3A_490, %get3A_491] {strides = array<i32>} : memref<200x64xf32, #tpu.memory_space<vmem>>, vector<1x16xf32>,
        %get3A_493 = vector.shape_cast %get3A_492 : vector<1x16xf32> to vector<16xf32>
        %add3A_494 = arith.addf %scan3A_439, %get3A_493 : vector<16xf32>
        %get3A_495 = arith.constant 0 : i32
        %get3A_496 = arith.constant 0 : i32
        %get3A_497 = tpu.memref_slice %arg6[%scan3A_247, %get3A_495, %get3A_496] : memref<4x200x64xf32, #tpu.memory_space<vmem>> -> memref<1x200x64xf32, #tpu.memory_space<vmem>>
        %get3A_498 = tpu.memref_squeeze %get3A_497 : memref<1x200x64xf32, #tpu.memory_space<vmem>> -> memref<200x64xf32, #tpu.memory_space<vmem>>
        %get3A_499 = arith.index_cast %add3A_485 : i32 to index
        %get3A_500 = arith.constant 16 : index
        %get3A_501 = tpu.vector_load %get3A_498[%get3A_499, %get3A_500] {strides = array<i32>} : memref<200x64xf32, #tpu.memory_space<vmem>>, vector<1x16xf32>,
        %get3A_502 = vector.shape_cast %get3A_501 : vector<1x16xf32> to vector<16xf32>
        %add3A_503 = arith.addf %scan3A_440, %get3A_502 : vector<16xf32>
        %get3A_504 = arith.constant 0 : i32
        %get3A_505 = arith.constant 0 : i32
        %get3A_506 = tpu.memref_slice %arg6[%scan3A_247, %get3A_504, %get3A_505] : memref<4x200x64xf32, #tpu.memory_space<vmem>> -> memref<1x200x64xf32, #tpu.memory_space<vmem>>
        %get3A_507 = tpu.memref_squeeze %get3A_506 : memref<1x200x64xf32, #tpu.memory_space<vmem>> -> memref<200x64xf32, #tpu.memory_space<vmem>>
        %get3A_508 = arith.index_cast %add3A_485 : i32 to index
        %get3A_509 = arith.constant 32 : index
        %get3A_510 = tpu.vector_load %get3A_507[%get3A_508, %get3A_509] {strides = array<i32>} : memref<200x64xf32, #tpu.memory_space<vmem>>, vector<1x16xf32>,
        %get3A_511 = vector.shape_cast %get3A_510 : vector<1x16xf32> to vector<16xf32>
        %add3A_512 = arith.addf %scan3A_441, %get3A_511 : vector<16xf32>
        %get3A_513 = arith.constant 0 : i32
        %get3A_514 = arith.constant 0 : i32
        %get3A_515 = tpu.memref_slice %arg6[%scan3A_247, %get3A_513, %get3A_514] : memref<4x200x64xf32, #tpu.memory_space<vmem>> -> memref<1x200x64xf32, #tpu.memory_space<vmem>>
        %get3A_516 = tpu.memref_squeeze %get3A_515 : memref<1x200x64xf32, #tpu.memory_space<vmem>> -> memref<200x64xf32, #tpu.memory_space<vmem>>
        %get3A_517 = arith.index_cast %add3A_485 : i32 to index
        %get3A_518 = arith.constant 48 : index
        %get3A_519 = tpu.vector_load %get3A_516[%get3A_517, %get3A_518] {strides = array<i32>} : memref<200x64xf32, #tpu.memory_space<vmem>>, vector<1x16xf32>,
        %get3A_520 = vector.shape_cast %get3A_519 : vector<1x16xf32> to vector<16xf32>
        %add3A_521 = arith.addf %scan3A_442, %get3A_520 : vector<16xf32>
        %mul3A_522 = arith.constant 8 : i32
        %mul3A_523 = arith.muli %scan3A_434, %mul3A_522 : i32
        %add3A_524 = arith.constant 2 : i32
        %add3A_525 = arith.addi %mul3A_523, %add3A_524 : i32
        %get3A_526 = arith.constant 0 : i32
        %get3A_527 = arith.constant 0 : i32
        %get3A_528 = tpu.memref_slice %arg6[%scan3A_247, %get3A_526, %get3A_527] : memref<4x200x64xf32, #tpu.memory_space<vmem>> -> memref<1x200x64xf32, #tpu.memory_space<vmem>>
        %get3A_529 = tpu.memref_squeeze %get3A_528 : memref<1x200x64xf32, #tpu.memory_space<vmem>> -> memref<200x64xf32, #tpu.memory_space<vmem>>
        %get3A_530 = arith.index_cast %add3A_525 : i32 to index
        %get3A_531 = arith.constant 0 : index
        %get3A_532 = tpu.vector_load %get3A_529[%get3A_530, %get3A_531] {strides = array<i32>} : memref<200x64xf32, #tpu.memory_space<vmem>>, vector<1x16xf32>,
        %get3A_533 = vector.shape_cast %get3A_532 : vector<1x16xf32> to vector<16xf32>
        %add3A_534 = arith.addf %add3A_454, %get3A_533 : vector<16xf32>
        %get3A_535 = arith.constant 0 : i32
        %get3A_536 = arith.constant 0 : i32
        %get3A_537 = tpu.memref_slice %arg6[%scan3A_247, %get3A_535, %get3A_536] : memref<4x200x64xf32, #tpu.memory_space<vmem>> -> memref<1x200x64xf32, #tpu.memory_space<vmem>>
        %get3A_538 = tpu.memref_squeeze %get3A_537 : memref<1x200x64xf32, #tpu.memory_space<vmem>> -> memref<200x64xf32, #tpu.memory_space<vmem>>
        %get3A_539 = arith.index_cast %add3A_525 : i32 to index
        %get3A_540 = arith.constant 16 : index
        %get3A_541 = tpu.vector_load %get3A_538[%get3A_539, %get3A_540] {strides = array<i32>} : memref<200x64xf32, #tpu.memory_space<vmem>>, vector<1x16xf32>,
        %get3A_542 = vector.shape_cast %get3A_541 : vector<1x16xf32> to vector<16xf32>
        %add3A_543 = arith.addf %add3A_463, %get3A_542 : vector<16xf32>
        %get3A_544 = arith.constant 0 : i32
        %get3A_545 = arith.constant 0 : i32
        %get3A_546 = tpu.memref_slice %arg6[%scan3A_247, %get3A_544, %get3A_545] : memref<4x200x64xf32, #tpu.memory_space<vmem>> -> memref<1x200x64xf32, #tpu.memory_space<vmem>>
        %get3A_547 = tpu.memref_squeeze %get3A_546 : memref<1x200x64xf32, #tpu.memory_space<vmem>> -> memref<200x64xf32, #tpu.memory_space<vmem>>
        %get3A_548 = arith.index_cast %add3A_525 : i32 to index
        %get3A_549 = arith.constant 32 : index
        %get3A_550 = tpu.vector_load %get3A_547[%get3A_548, %get3A_549] {strides = array<i32>} : memref<200x64xf32, #tpu.memory_space<vmem>>, vector<1x16xf32>,
        %get3A_551 = vector.shape_cast %get3A_550 : vector<1x16xf32> to vector<16xf32>
        %add3A_552 = arith.addf %add3A_472, %get3A_551 : vector<16xf32>
        %get3A_553 = arith.constant 0 : i32
        %get3A_554 = arith.constant 0 : i32
        %get3A_555 = tpu.memref_slice %arg6[%scan3A_247, %get3A_553, %get3A_554] : memref<4x200x64xf32, #tpu.memory_space<vmem>> -> memref<1x200x64xf32, #tpu.memory_space<vmem>>
        %get3A_556 = tpu.memref_squeeze %get3A_555 : memref<1x200x64xf32, #tpu.memory_space<vmem>> -> memref<200x64xf32, #tpu.memory_space<vmem>>
        %get3A_557 = arith.index_cast %add3A_525 : i32 to index
        %get3A_558 = arith.constant 48 : index
        %get3A_559 = tpu.vector_load %get3A_556[%get3A_557, %get3A_558] {strides = array<i32>} : memref<200x64xf32, #tpu.memory_space<vmem>>, vector<1x16xf32>,
        %get3A_560 = vector.shape_cast %get3A_559 : vector<1x16xf32> to vector<16xf32>
        %add3A_561 = arith.addf %add3A_481, %get3A_560 : vector<16xf32>
        %mul3A_562 = arith.constant 8 : i32
        %mul3A_563 = arith.muli %scan3A_434, %mul3A_562 : i32
        %add3A_564 = arith.constant 3 : i32
        %add3A_565 = arith.addi %mul3A_563, %add3A_564 : i32
        %get3A_566 = arith.constant 0 : i32
        %get3A_567 = arith.constant 0 : i32
        %get3A_568 = tpu.memref_slice %arg6[%scan3A_247, %get3A_566, %get3A_567] : memref<4x200x64xf32, #tpu.memory_space<vmem>> -> memref<1x200x64xf32, #tpu.memory_space<vmem>>
        %get3A_569 = tpu.memref_squeeze %get3A_568 : memref<1x200x64xf32, #tpu.memory_space<vmem>> -> memref<200x64xf32, #tpu.memory_space<vmem>>
        %get3A_570 = arith.index_cast %add3A_565 : i32 to index
        %get3A_571 = arith.constant 0 : index
        %get3A_572 = tpu.vector_load %get3A_569[%get3A_570, %get3A_571] {strides = array<i32>} : memref<200x64xf32, #tpu.memory_space<vmem>>, vector<1x16xf32>,
        %get3A_573 = vector.shape_cast %get3A_572 : vector<1x16xf32> to vector<16xf32>
        %add3A_574 = arith.addf %add3A_494, %get3A_573 : vector<16xf32>
        %get3A_575 = arith.constant 0 : i32
        %get3A_576 = arith.constant 0 : i32
        %get3A_577 = tpu.memref_slice %arg6[%scan3A_247, %get3A_575, %get3A_576] : memref<4x200x64xf32, #tpu.memory_space<vmem>> -> memref<1x200x64xf32, #tpu.memory_space<vmem>>
        %get3A_578 = tpu.memref_squeeze %get3A_577 : memref<1x200x64xf32, #tpu.memory_space<vmem>> -> memref<200x64xf32, #tpu.memory_space<vmem>>
        %get3A_579 = arith.index_cast %add3A_565 : i32 to index
        %get3A_580 = arith.constant 16 : index
        %get3A_581 = tpu.vector_load %get3A_578[%get3A_579, %get3A_580] {strides = array<i32>} : memref<200x64xf32, #tpu.memory_space<vmem>>, vector<1x16xf32>,
        %get3A_582 = vector.shape_cast %get3A_581 : vector<1x16xf32> to vector<16xf32>
        %add3A_583 = arith.addf %add3A_503, %get3A_582 : vector<16xf32>
        %get3A_584 = arith.constant 0 : i32
        %get3A_585 = arith.constant 0 : i32
        %get3A_586 = tpu.memref_slice %arg6[%scan3A_247, %get3A_584, %get3A_585] : memref<4x200x64xf32, #tpu.memory_space<vmem>> -> memref<1x200x64xf32, #tpu.memory_space<vmem>>
        %get3A_587 = tpu.memref_squeeze %get3A_586 : memref<1x200x64xf32, #tpu.memory_space<vmem>> -> memref<200x64xf32, #tpu.memory_space<vmem>>
        %get3A_588 = arith.index_cast %add3A_565 : i32 to index
        %get3A_589 = arith.constant 32 : index
        %get3A_590 = tpu.vector_load %get3A_587[%get3A_588, %get3A_589] {strides = array<i32>} : memref<200x64xf32, #tpu.memory_space<vmem>>, vector<1x16xf32>,
        %get3A_591 = vector.shape_cast %get3A_590 : vector<1x16xf32> to vector<16xf32>
        %add3A_592 = arith.addf %add3A_512, %get3A_591 : vector<16xf32>
        %get3A_593 = arith.constant 0 : i32
        %get3A_594 = arith.constant 0 : i32
        %get3A_595 = tpu.memref_slice %arg6[%scan3A_247, %get3A_593, %get3A_594] : memref<4x200x64xf32, #tpu.memory_space<vmem>> -> memref<1x200x64xf32, #tpu.memory_space<vmem>>
        %get3A_596 = tpu.memref_squeeze %get3A_595 : memref<1x200x64xf32, #tpu.memory_space<vmem>> -> memref<200x64xf32, #tpu.memory_space<vmem>>
        %get3A_597 = arith.index_cast %add3A_565 : i32 to index
        %get3A_598 = arith.constant 48 : index
        %get3A_599 = tpu.vector_load %get3A_596[%get3A_597, %get3A_598] {strides = array<i32>} : memref<200x64xf32, #tpu.memory_space<vmem>>, vector<1x16xf32>,
        %get3A_600 = vector.shape_cast %get3A_599 : vector<1x16xf32> to vector<16xf32>
        %add3A_601 = arith.addf %add3A_521, %get3A_600 : vector<16xf32>
        %mul3A_602 = arith.constant 8 : i32
        %mul3A_603 = arith.muli %scan3A_434, %mul3A_602 : i32
        %add3A_604 = arith.constant 4 : i32
        %add3A_605 = arith.addi %mul3A_603, %add3A_604 : i32
        %get3A_606 = arith.constant 0 : i32
        %get3A_607 = arith.constant 0 : i32
        %get3A_608 = tpu.memref_slice %arg6[%scan3A_247, %get3A_606, %get3A_607] : memref<4x200x64xf32, #tpu.memory_space<vmem>> -> memref<1x200x64xf32, #tpu.memory_space<vmem>>
        %get3A_609 = tpu.memref_squeeze %get3A_608 : memref<1x200x64xf32, #tpu.memory_space<vmem>> -> memref<200x64xf32, #tpu.memory_space<vmem>>
        %get3A_610 = arith.index_cast %add3A_605 : i32 to index
        %get3A_611 = arith.constant 0 : index
        %get3A_612 = tpu.vector_load %get3A_609[%get3A_610, %get3A_611] {strides = array<i32>} : memref<200x64xf32, #tpu.memory_space<vmem>>, vector<1x16xf32>,
        %get3A_613 = vector.shape_cast %get3A_612 : vector<1x16xf32> to vector<16xf32>
        %add3A_614 = arith.addf %add3A_534, %get3A_613 : vector<16xf32>
        %get3A_615 = arith.constant 0 : i32
        %get3A_616 = arith.constant 0 : i32
        %get3A_617 = tpu.memref_slice %arg6[%scan3A_247, %get3A_615, %get3A_616] : memref<4x200x64xf32, #tpu.memory_space<vmem>> -> memref<1x200x64xf32, #tpu.memory_space<vmem>>
        %get3A_618 = tpu.memref_squeeze %get3A_617 : memref<1x200x64xf32, #tpu.memory_space<vmem>> -> memref<200x64xf32, #tpu.memory_space<vmem>>
        %get3A_619 = arith.index_cast %add3A_605 : i32 to index
        %get3A_620 = arith.constant 16 : index
        %get3A_621 = tpu.vector_load %get3A_618[%get3A_619, %get3A_620] {strides = array<i32>} : memref<200x64xf32, #tpu.memory_space<vmem>>, vector<1x16xf32>,
        %get3A_622 = vector.shape_cast %get3A_621 : vector<1x16xf32> to vector<16xf32>
        %add3A_623 = arith.addf %add3A_543, %get3A_622 : vector<16xf32>
        %get3A_624 = arith.constant 0 : i32
        %get3A_625 = arith.constant 0 : i32
        %get3A_626 = tpu.memref_slice %arg6[%scan3A_247, %get3A_624, %get3A_625] : memref<4x200x64xf32, #tpu.memory_space<vmem>> -> memref<1x200x64xf32, #tpu.memory_space<vmem>>
        %get3A_627 = tpu.memref_squeeze %get3A_626 : memref<1x200x64xf32, #tpu.memory_space<vmem>> -> memref<200x64xf32, #tpu.memory_space<vmem>>
        %get3A_628 = arith.index_cast %add3A_605 : i32 to index
        %get3A_629 = arith.constant 32 : index
        %get3A_630 = tpu.vector_load %get3A_627[%get3A_628, %get3A_629] {strides = array<i32>} : memref<200x64xf32, #tpu.memory_space<vmem>>, vector<1x16xf32>,
        %get3A_631 = vector.shape_cast %get3A_630 : vector<1x16xf32> to vector<16xf32>
        %add3A_632 = arith.addf %add3A_552, %get3A_631 : vector<16xf32>
        %get3A_633 = arith.constant 0 : i32
        %get3A_634 = arith.constant 0 : i32
        %get3A_635 = tpu.memref_slice %arg6[%scan3A_247, %get3A_633, %get3A_634] : memref<4x200x64xf32, #tpu.memory_space<vmem>> -> memref<1x200x64xf32, #tpu.memory_space<vmem>>
        %get3A_636 = tpu.memref_squeeze %get3A_635 : memref<1x200x64xf32, #tpu.memory_space<vmem>> -> memref<200x64xf32, #tpu.memory_space<vmem>>
        %get3A_637 = arith.index_cast %add3A_605 : i32 to index
        %get3A_638 = arith.constant 48 : index
        %get3A_639 = tpu.vector_load %get3A_636[%get3A_637, %get3A_638] {strides = array<i32>} : memref<200x64xf32, #tpu.memory_space<vmem>>, vector<1x16xf32>,
        %get3A_640 = vector.shape_cast %get3A_639 : vector<1x16xf32> to vector<16xf32>
        %add3A_641 = arith.addf %add3A_561, %get3A_640 : vector<16xf32>
        %mul3A_642 = arith.constant 8 : i32
        %mul3A_643 = arith.muli %scan3A_434, %mul3A_642 : i32
        %add3A_644 = arith.constant 5 : i32
        %add3A_645 = arith.addi %mul3A_643, %add3A_644 : i32
        %get3A_646 = arith.constant 0 : i32
        %get3A_647 = arith.constant 0 : i32
        %get3A_648 = tpu.memref_slice %arg6[%scan3A_247, %get3A_646, %get3A_647] : memref<4x200x64xf32, #tpu.memory_space<vmem>> -> memref<1x200x64xf32, #tpu.memory_space<vmem>>
        %get3A_649 = tpu.memref_squeeze %get3A_648 : memref<1x200x64xf32, #tpu.memory_space<vmem>> -> memref<200x64xf32, #tpu.memory_space<vmem>>
        %get3A_650 = arith.index_cast %add3A_645 : i32 to index
        %get3A_651 = arith.constant 0 : index
        %get3A_652 = tpu.vector_load %get3A_649[%get3A_650, %get3A_651] {strides = array<i32>} : memref<200x64xf32, #tpu.memory_space<vmem>>, vector<1x16xf32>,
        %get3A_653 = vector.shape_cast %get3A_652 : vector<1x16xf32> to vector<16xf32>
        %add3A_654 = arith.addf %add3A_574, %get3A_653 : vector<16xf32>
        %get3A_655 = arith.constant 0 : i32
        %get3A_656 = arith.constant 0 : i32
        %get3A_657 = tpu.memref_slice %arg6[%scan3A_247, %get3A_655, %get3A_656] : memref<4x200x64xf32, #tpu.memory_space<vmem>> -> memref<1x200x64xf32, #tpu.memory_space<vmem>>
        %get3A_658 = tpu.memref_squeeze %get3A_657 : memref<1x200x64xf32, #tpu.memory_space<vmem>> -> memref<200x64xf32, #tpu.memory_space<vmem>>
        %get3A_659 = arith.index_cast %add3A_645 : i32 to index
        %get3A_660 = arith.constant 16 : index
        %get3A_661 = tpu.vector_load %get3A_658[%get3A_659, %get3A_660] {strides = array<i32>} : memref<200x64xf32, #tpu.memory_space<vmem>>, vector<1x16xf32>,
        %get3A_662 = vector.shape_cast %get3A_661 : vector<1x16xf32> to vector<16xf32>
        %add3A_663 = arith.addf %add3A_583, %get3A_662 : vector<16xf32>
        %get3A_664 = arith.constant 0 : i32
        %get3A_665 = arith.constant 0 : i32
        %get3A_666 = tpu.memref_slice %arg6[%scan3A_247, %get3A_664, %get3A_665] : memref<4x200x64xf32, #tpu.memory_space<vmem>> -> memref<1x200x64xf32, #tpu.memory_space<vmem>>
        %get3A_667 = tpu.memref_squeeze %get3A_666 : memref<1x200x64xf32, #tpu.memory_space<vmem>> -> memref<200x64xf32, #tpu.memory_space<vmem>>
        %get3A_668 = arith.index_cast %add3A_645 : i32 to index
        %get3A_669 = arith.constant 32 : index
        %get3A_670 = tpu.vector_load %get3A_667[%get3A_668, %get3A_669] {strides = array<i32>} : memref<200x64xf32, #tpu.memory_space<vmem>>, vector<1x16xf32>,
        %get3A_671 = vector.shape_cast %get3A_670 : vector<1x16xf32> to vector<16xf32>
        %add3A_672 = arith.addf %add3A_592, %get3A_671 : vector<16xf32>
        %get3A_673 = arith.constant 0 : i32
        %get3A_674 = arith.constant 0 : i32
        %get3A_675 = tpu.memref_slice %arg6[%scan3A_247, %get3A_673, %get3A_674] : memref<4x200x64xf32, #tpu.memory_space<vmem>> -> memref<1x200x64xf32, #tpu.memory_space<vmem>>
        %get3A_676 = tpu.memref_squeeze %get3A_675 : memref<1x200x64xf32, #tpu.memory_space<vmem>> -> memref<200x64xf32, #tpu.memory_space<vmem>>
        %get3A_677 = arith.index_cast %add3A_645 : i32 to index
        %get3A_678 = arith.constant 48 : index
        %get3A_679 = tpu.vector_load %get3A_676[%get3A_677, %get3A_678] {strides = array<i32>} : memref<200x64xf32, #tpu.memory_space<vmem>>, vector<1x16xf32>,
        %get3A_680 = vector.shape_cast %get3A_679 : vector<1x16xf32> to vector<16xf32>
        %add3A_681 = arith.addf %add3A_601, %get3A_680 : vector<16xf32>
        %mul3A_682 = arith.constant 8 : i32
        %mul3A_683 = arith.muli %scan3A_434, %mul3A_682 : i32
        %add3A_684 = arith.constant 6 : i32
        %add3A_685 = arith.addi %mul3A_683, %add3A_684 : i32
        %get3A_686 = arith.constant 0 : i32
        %get3A_687 = arith.constant 0 : i32
        %get3A_688 = tpu.memref_slice %arg6[%scan3A_247, %get3A_686, %get3A_687] : memref<4x200x64xf32, #tpu.memory_space<vmem>> -> memref<1x200x64xf32, #tpu.memory_space<vmem>>
        %get3A_689 = tpu.memref_squeeze %get3A_688 : memref<1x200x64xf32, #tpu.memory_space<vmem>> -> memref<200x64xf32, #tpu.memory_space<vmem>>
        %get3A_690 = arith.index_cast %add3A_685 : i32 to index
        %get3A_691 = arith.constant 0 : index
        %get3A_692 = tpu.vector_load %get3A_689[%get3A_690, %get3A_691] {strides = array<i32>} : memref<200x64xf32, #tpu.memory_space<vmem>>, vector<1x16xf32>,
        %get3A_693 = vector.shape_cast %get3A_692 : vector<1x16xf32> to vector<16xf32>
        %add3A_694 = arith.addf %add3A_614, %get3A_693 : vector<16xf32>
        %get3A_695 = arith.constant 0 : i32
        %get3A_696 = arith.constant 0 : i32
        %get3A_697 = tpu.memref_slice %arg6[%scan3A_247, %get3A_695, %get3A_696] : memref<4x200x64xf32, #tpu.memory_space<vmem>> -> memref<1x200x64xf32, #tpu.memory_space<vmem>>
        %get3A_698 = tpu.memref_squeeze %get3A_697 : memref<1x200x64xf32, #tpu.memory_space<vmem>> -> memref<200x64xf32, #tpu.memory_space<vmem>>
        %get3A_699 = arith.index_cast %add3A_685 : i32 to index
        %get3A_700 = arith.constant 16 : index
        %get3A_701 = tpu.vector_load %get3A_698[%get3A_699, %get3A_700] {strides = array<i32>} : memref<200x64xf32, #tpu.memory_space<vmem>>, vector<1x16xf32>,
        %get3A_702 = vector.shape_cast %get3A_701 : vector<1x16xf32> to vector<16xf32>
        %add3A_703 = arith.addf %add3A_623, %get3A_702 : vector<16xf32>
        %get3A_704 = arith.constant 0 : i32
        %get3A_705 = arith.constant 0 : i32
        %get3A_706 = tpu.memref_slice %arg6[%scan3A_247, %get3A_704, %get3A_705] : memref<4x200x64xf32, #tpu.memory_space<vmem>> -> memref<1x200x64xf32, #tpu.memory_space<vmem>>
        %get3A_707 = tpu.memref_squeeze %get3A_706 : memref<1x200x64xf32, #tpu.memory_space<vmem>> -> memref<200x64xf32, #tpu.memory_space<vmem>>
        %get3A_708 = arith.index_cast %add3A_685 : i32 to index
        %get3A_709 = arith.constant 32 : index
        %get3A_710 = tpu.vector_load %get3A_707[%get3A_708, %get3A_709] {strides = array<i32>} : memref<200x64xf32, #tpu.memory_space<vmem>>, vector<1x16xf32>,
        %get3A_711 = vector.shape_cast %get3A_710 : vector<1x16xf32> to vector<16xf32>
        %add3A_712 = arith.addf %add3A_632, %get3A_711 : vector<16xf32>
        %get3A_713 = arith.constant 0 : i32
        %get3A_714 = arith.constant 0 : i32
        %get3A_715 = tpu.memref_slice %arg6[%scan3A_247, %get3A_713, %get3A_714] : memref<4x200x64xf32, #tpu.memory_space<vmem>> -> memref<1x200x64xf32, #tpu.memory_space<vmem>>
        %get3A_716 = tpu.memref_squeeze %get3A_715 : memref<1x200x64xf32, #tpu.memory_space<vmem>> -> memref<200x64xf32, #tpu.memory_space<vmem>>
        %get3A_717 = arith.index_cast %add3A_685 : i32 to index
        %get3A_718 = arith.constant 48 : index
        %get3A_719 = tpu.vector_load %get3A_716[%get3A_717, %get3A_718] {strides = array<i32>} : memref<200x64xf32, #tpu.memory_space<vmem>>, vector<1x16xf32>,
        %get3A_720 = vector.shape_cast %get3A_719 : vector<1x16xf32> to vector<16xf32>
        %add3A_721 = arith.addf %add3A_641, %get3A_720 : vector<16xf32>
        %mul3A_722 = arith.constant 8 : i32
        %mul3A_723 = arith.muli %scan3A_434, %mul3A_722 : i32
        %add3A_724 = arith.constant 7 : i32
        %add3A_725 = arith.addi %mul3A_723, %add3A_724 : i32
        %get3A_726 = arith.constant 0 : i32
        %get3A_727 = arith.constant 0 : i32
        %get3A_728 = tpu.memref_slice %arg6[%scan3A_247, %get3A_726, %get3A_727] : memref<4x200x64xf32, #tpu.memory_space<vmem>> -> memref<1x200x64xf32, #tpu.memory_space<vmem>>
        %get3A_729 = tpu.memref_squeeze %get3A_728 : memref<1x200x64xf32, #tpu.memory_space<vmem>> -> memref<200x64xf32, #tpu.memory_space<vmem>>
        %get3A_730 = arith.index_cast %add3A_725 : i32 to index
        %get3A_731 = arith.constant 0 : index
        %get3A_732 = tpu.vector_load %get3A_729[%get3A_730, %get3A_731] {strides = array<i32>} : memref<200x64xf32, #tpu.memory_space<vmem>>, vector<1x16xf32>,
        %get3A_733 = vector.shape_cast %get3A_732 : vector<1x16xf32> to vector<16xf32>
        %add3A_734 = arith.addf %add3A_654, %get3A_733 : vector<16xf32>
        %get3A_735 = arith.constant 0 : i32
        %get3A_736 = arith.constant 0 : i32
        %get3A_737 = tpu.memref_slice %arg6[%scan3A_247, %get3A_735, %get3A_736] : memref<4x200x64xf32, #tpu.memory_space<vmem>> -> memref<1x200x64xf32, #tpu.memory_space<vmem>>
        %get3A_738 = tpu.memref_squeeze %get3A_737 : memref<1x200x64xf32, #tpu.memory_space<vmem>> -> memref<200x64xf32, #tpu.memory_space<vmem>>
        %get3A_739 = arith.index_cast %add3A_725 : i32 to index
        %get3A_740 = arith.constant 16 : index
        %get3A_741 = tpu.vector_load %get3A_738[%get3A_739, %get3A_740] {strides = array<i32>} : memref<200x64xf32, #tpu.memory_space<vmem>>, vector<1x16xf32>,
        %get3A_742 = vector.shape_cast %get3A_741 : vector<1x16xf32> to vector<16xf32>
        %add3A_743 = arith.addf %add3A_663, %get3A_742 : vector<16xf32>
        %get3A_744 = arith.constant 0 : i32
        %get3A_745 = arith.constant 0 : i32
        %get3A_746 = tpu.memref_slice %arg6[%scan3A_247, %get3A_744, %get3A_745] : memref<4x200x64xf32, #tpu.memory_space<vmem>> -> memref<1x200x64xf32, #tpu.memory_space<vmem>>
        %get3A_747 = tpu.memref_squeeze %get3A_746 : memref<1x200x64xf32, #tpu.memory_space<vmem>> -> memref<200x64xf32, #tpu.memory_space<vmem>>
        %get3A_748 = arith.index_cast %add3A_725 : i32 to index
        %get3A_749 = arith.constant 32 : index
        %get3A_750 = tpu.vector_load %get3A_747[%get3A_748, %get3A_749] {strides = array<i32>} : memref<200x64xf32, #tpu.memory_space<vmem>>, vector<1x16xf32>,
        %get3A_751 = vector.shape_cast %get3A_750 : vector<1x16xf32> to vector<16xf32>
        %add3A_752 = arith.addf %add3A_672, %get3A_751 : vector<16xf32>
        %get3A_753 = arith.constant 0 : i32
        %get3A_754 = arith.constant 0 : i32
        %get3A_755 = tpu.memref_slice %arg6[%scan3A_247, %get3A_753, %get3A_754] : memref<4x200x64xf32, #tpu.memory_space<vmem>> -> memref<1x200x64xf32, #tpu.memory_space<vmem>>
        %get3A_756 = tpu.memref_squeeze %get3A_755 : memref<1x200x64xf32, #tpu.memory_space<vmem>> -> memref<200x64xf32, #tpu.memory_space<vmem>>
        %get3A_757 = arith.index_cast %add3A_725 : i32 to index
        %get3A_758 = arith.constant 48 : index
        %get3A_759 = tpu.vector_load %get3A_756[%get3A_757, %get3A_758] {strides = array<i32>} : memref<200x64xf32, #tpu.memory_space<vmem>>, vector<1x16xf32>,
        %get3A_760 = vector.shape_cast %get3A_759 : vector<1x16xf32> to vector<16xf32>
        %add3A_761 = arith.addf %add3A_681, %get3A_760 : vector<16xf32>
        scf.yield %add3A_694, %add3A_703, %add3A_712, %add3A_721, %add3A_734, %add3A_743, %add3A_752, %add3A_761 : vector<16xf32>, vector<16xf32>, vector<16xf32>, vector<16xf32>, vector<16xf32>, vector<16xf32>, vector<16xf32>, vector<16xf32>
      }
      %scan3A_253 = arith.constant 25 : i32
      %add3A_254 = arith.addf %scan3A_252#0, %scan3A_252#4 : vector<16xf32>
      %mul3A_255 = arith.constant 5.000000e-03 : f32
      %mul3A_256 = vector.broadcast %mul3A_255 : f32 to vector<16xf32>
      %mul3A_257 = arith.mulf %add3A_254, %mul3A_256 : vector<16xf32>
      %swap3A_258 = arith.index_cast %add3A_221 : i32 to index
      %swap3A_259 = arith.constant 0 : index
      %swap3A_260 = tpu.vector_load %arg7[%swap3A_258, %swap3A_259] {strides = array<i32>} : memref<128x64xf32, #tpu.memory_space<vmem>>, vector<1x16xf32>,
      %swap3A_261 = vector.shape_cast %swap3A_260 : vector<1x16xf32> to vector<16xf32>
      %swap3A_262 = vector.shape_cast %mul3A_257 : vector<16xf32> to vector<1x16xf32>
      tpu.vector_store %arg7[%swap3A_258, %swap3A_259], %swap3A_262 {strides = array<i32>} : memref<128x64xf32, #tpu.memory_space<vmem>>, vector<1x16xf32>,
      %add3A_263 = arith.addf %scan3A_252#1, %scan3A_252#5 : vector<16xf32>
      %mul3A_264 = arith.constant 5.000000e-03 : f32
      %mul3A_265 = vector.broadcast %mul3A_264 : f32 to vector<16xf32>
      %mul3A_266 = arith.mulf %add3A_263, %mul3A_265 : vector<16xf32>
      %swap3A_267 = arith.index_cast %add3A_221 : i32 to index
      %swap3A_268 = arith.constant 16 : index
      %swap3A_269 = tpu.vector_load %arg7[%swap3A_267, %swap3A_268] {strides = array<i32>} : memref<128x64xf32, #tpu.memory_space<vmem>>, vector<1x16xf32>,
      %swap3A_270 = vector.shape_cast %swap3A_269 : vector<1x16xf32> to vector<16xf32>
      %swap3A_271 = vector.shape_cast %mul3A_266 : vector<16xf32> to vector<1x16xf32>
      tpu.vector_store %arg7[%swap3A_267, %swap3A_268], %swap3A_271 {strides = array<i32>} : memref<128x64xf32, #tpu.memory_space<vmem>>, vector<1x16xf32>,
      %add3A_272 = arith.addf %scan3A_252#2, %scan3A_252#6 : vector<16xf32>
      %mul3A_273 = arith.constant 5.000000e-03 : f32
      %mul3A_274 = vector.broadcast %mul3A_273 : f32 to vector<16xf32>
      %mul3A_275 = arith.mulf %add3A_272, %mul3A_274 : vector<16xf32>
      %swap3A_276 = arith.index_cast %add3A_221 : i32 to index
      %swap3A_277 = arith.constant 32 : index
      %swap3A_278 = tpu.vector_load %arg7[%swap3A_276, %swap3A_277] {strides = array<i32>} : memref<128x64xf32, #tpu.memory_space<vmem>>, vector<1x16xf32>,
      %swap3A_279 = vector.shape_cast %swap3A_278 : vector<1x16xf32> to vector<16xf32>
      %swap3A_280 = vector.shape_cast %mul3A_275 : vector<16xf32> to vector<1x16xf32>
      tpu.vector_store %arg7[%swap3A_276, %swap3A_277], %swap3A_280 {strides = array<i32>} : memref<128x64xf32, #tpu.memory_space<vmem>>, vector<1x16xf32>,
      %add3A_281 = arith.addf %scan3A_252#3, %scan3A_252#7 : vector<16xf32>
      %mul3A_282 = arith.constant 5.000000e-03 : f32
      %mul3A_283 = vector.broadcast %mul3A_282 : f32 to vector<16xf32>
      %mul3A_284 = arith.mulf %add3A_281, %mul3A_283 : vector<16xf32>
      %swap3A_285 = arith.index_cast %add3A_221 : i32 to index
      %swap3A_286 = arith.constant 48 : index
      %swap3A_287 = tpu.vector_load %arg7[%swap3A_285, %swap3A_286] {strides = array<i32>} : memref<128x64xf32, #tpu.memory_space<vmem>>, vector<1x16xf32>,
      %swap3A_288 = vector.shape_cast %swap3A_287 : vector<1x16xf32> to vector<16xf32>
      %swap3A_289 = vector.shape_cast %mul3A_284 : vector<16xf32> to vector<1x16xf32>
      tpu.vector_store %arg7[%swap3A_285, %swap3A_286], %swap3A_289 {strides = array<i32>} : memref<128x64xf32, #tpu.memory_space<vmem>>, vector<1x16xf32>,
      %mul3A_290 = arith.constant 4 : i32
      %mul3A_291 = arith.muli %scan3A_151, %mul3A_290 : i32
      %add3A_292 = arith.constant 2 : i32
      %add3A_293 = arith.addi %mul3A_291, %add3A_292 : i32
      %dma_wait3A_294 = arith.constant 2 : i32
      %dma_wait3A_295 = arith.constant 2 : i32
      %dma_wait3A_296 = arith.constant 0 : i32
      %dma_wait3A_297 = arith.constant 0 : i32
      %dma_wait3A_298 = tpu.memref_slice %arg6[%dma_wait3A_294, %dma_wait3A_296, %dma_wait3A_297] : memref<4x200x64xf32, #tpu.memory_space<vmem>> -> memref<1x200x64xf32, #tpu.memory_space<vmem>>
      %dma_wait3A_299 = tpu.memref_squeeze %dma_wait3A_298 : memref<1x200x64xf32, #tpu.memory_space<vmem>> -> memref<200x64xf32, #tpu.memory_space<vmem>>
      %dma_wait3A_300 = arith.constant 0 : i32
      %dma_wait3A_301 = arith.constant 0 : i32
      %dma_wait3A_302 = tpu.memref_slice %arg3[%dma_wait3A_300, %dma_wait3A_301] : memref<1000000x64xf32, #tpu.memory_space<hbm>> -> memref<200x64xf32, #tpu.memory_space<hbm>>
      %dma_wait3A_303 = tpu.memref_slice %arg8[%dma_wait3A_295] : memref<4x!tpu.dma_semaphore, #tpu.memory_space<semaphore_mem>> -> memref<1x!tpu.dma_semaphore, #tpu.memory_space<semaphore_mem>>
      %dma_wait3A_304 = tpu.memref_squeeze %dma_wait3A_303 : memref<1x!tpu.dma_semaphore, #tpu.memory_space<semaphore_mem>> -> memref<!tpu.dma_semaphore, #tpu.memory_space<semaphore_mem>>
      %dma_wait3A_305 = arith.constant 0 : i32
      %dma_wait3A_306 = arith.constant 0 : i32
      %dma_wait3A_307 = tpu.memref_slice %arg6[%dma_wait3A_294, %dma_wait3A_305, %dma_wait3A_306] : memref<4x200x64xf32, #tpu.memory_space<vmem>> -> memref<1x200x64xf32, #tpu.memory_space<vmem>>
      %dma_wait3A_308 = tpu.memref_squeeze %dma_wait3A_307 : memref<1x200x64xf32, #tpu.memory_space<vmem>> -> memref<200x64xf32, #tpu.memory_space<vmem>>
      %dma_wait3A_309 = arith.constant 0 : i32
      %dma_wait3A_310 = arith.constant 0 : i32
      %dma_wait3A_311 = tpu.memref_slice %arg3[%dma_wait3A_309, %dma_wait3A_310] : memref<1000000x64xf32, #tpu.memory_space<hbm>> -> memref<200x64xf32, #tpu.memory_space<hbm>>
      tpu.wait_dma2 semaphore(%dma_wait3A_304 : memref<!tpu.dma_semaphore, #tpu.memory_space<semaphore_mem>>) src(%dma_wait3A_311 : memref<200x64xf32, #tpu.memory_space<hbm>>) dst(%dma_wait3A_308 : memref<200x64xf32, #tpu.memory_space<vmem>>)
      %lt3A_312 = arith.constant 31 : i32
      %lt3A_313 = arith.cmpi slt, %scan3A_151, %lt3A_312 : i32
      %convert_element_type3A_314 = arith.extui %lt3A_313 : i1 to i32
      %cond3A_315 = arith.constant 0 : i32
      %cond3A_316 = arith.cmpi ne, %convert_element_type3A_314, %cond3A_315 : i32
      scf.if %cond3A_316 {
        %add3A_434 = arith.constant 4 : i32
        %add3A_435 = arith.addi %add3A_293, %add3A_434 : i32
        %dma_start3A_436 = arith.constant 2 : i32
        %dma_start3A_437 = arith.constant 2 : i32
        %dma_start3A_438 = arith.constant 0 : i32
        %dma_start3A_439 = arith.constant 0 : i32
        %dma_start3A_440 = tpu.memref_slice %arg6[%dma_start3A_436, %dma_start3A_438, %dma_start3A_439] : memref<4x200x64xf32, #tpu.memory_space<vmem>> -> memref<1x200x64xf32, #tpu.memory_space<vmem>>
        %dma_start3A_441 = tpu.memref_squeeze %dma_start3A_440 : memref<1x200x64xf32, #tpu.memory_space<vmem>> -> memref<200x64xf32, #tpu.memory_space<vmem>>
        %dma_start3A_442 = arith.constant 0 : i32
        %dma_start3A_443 = arith.constant 0 : i32
        %dma_start3A_444 = tpu.memref_slice %dma_start3A_441[%dma_start3A_442, %dma_start3A_443] : memref<200x64xf32, #tpu.memory_space<vmem>> -> memref<128x64xf32, #tpu.memory_space<vmem>>
        %dma_start3A_445 = arith.constant 0 : i32
        %dma_start3A_446 = tpu.memref_slice %arg5[%add3A_435, %dma_start3A_445] : memref<128x200xi32, #tpu.memory_space<vmem>> -> memref<1x128xi32, #tpu.memory_space<vmem>>
        %dma_start3A_447 = tpu.memref_squeeze %dma_start3A_446 : memref<1x128xi32, #tpu.memory_space<vmem>> -> memref<128xi32, #tpu.memory_space<vmem>>
        %dma_start3A_448 = arith.constant 0 : i32
        %dma_start3A_449 = arith.constant 0 : i32
        %dma_start3A_450 = tpu.memref_slice %arg3[%dma_start3A_448, %dma_start3A_449] : memref<1000000x64xf32, #tpu.memory_space<hbm>> -> memref<1000000x64xf32, #tpu.memory_space<hbm>>
        %dma_start3A_451 = tpu.memref_slice %arg8[%dma_start3A_437] : memref<4x!tpu.dma_semaphore, #tpu.memory_space<semaphore_mem>> -> memref<1x!tpu.dma_semaphore, #tpu.memory_space<semaphore_mem>>
        %dma_start3A_452 = tpu.memref_squeeze %dma_start3A_451 : memref<1x!tpu.dma_semaphore, #tpu.memory_space<semaphore_mem>> -> memref<!tpu.dma_semaphore, #tpu.memory_space<semaphore_mem>>
        tpu.enqueue_indirect_dma source(%dma_start3A_450 : memref<1000000x64xf32, #tpu.memory_space<hbm>>) target(%dma_start3A_444 : memref<128x64xf32, #tpu.memory_space<vmem>>) offsets(%dma_start3A_447 : memref<128xi32, #tpu.memory_space<vmem>>) semaphore(%dma_start3A_452 : memref<!tpu.dma_semaphore, #tpu.memory_space<semaphore_mem>>)
        %dma_start3A_453 = arith.constant 2 : i32
        %dma_start3A_454 = arith.constant 2 : i32
        %dma_start3A_455 = arith.constant 0 : i32
        %dma_start3A_456 = arith.constant 0 : i32
        %dma_start3A_457 = tpu.memref_slice %arg6[%dma_start3A_453, %dma_start3A_455, %dma_start3A_456] : memref<4x200x64xf32, #tpu.memory_space<vmem>> -> memref<1x200x64xf32, #tpu.memory_space<vmem>>
        %dma_start3A_458 = tpu.memref_squeeze %dma_start3A_457 : memref<1x200x64xf32, #tpu.memory_space<vmem>> -> memref<200x64xf32, #tpu.memory_space<vmem>>
        %dma_start3A_459 = arith.constant 128 : i32
        %dma_start3A_460 = arith.constant 0 : i32
        %dma_start3A_461 = tpu.memref_slice %dma_start3A_458[%dma_start3A_459, %dma_start3A_460] : memref<200x64xf32, #tpu.memory_space<vmem>> -> memref<72x64xf32, #tpu.memory_space<vmem>>
        %dma_start3A_462 = arith.constant 128 : i32
        %dma_start3A_463 = tpu.memref_slice %arg5[%add3A_435, %dma_start3A_462] : memref<128x200xi32, #tpu.memory_space<vmem>> -> memref<1x72xi32, #tpu.memory_space<vmem>>
        %dma_start3A_464 = tpu.memref_squeeze %dma_start3A_463 : memref<1x72xi32, #tpu.memory_space<vmem>> -> memref<72xi32, #tpu.memory_space<vmem>>
        %dma_start3A_465 = arith.constant 0 : i32
        %dma_start3A_466 = arith.constant 0 : i32
        %dma_start3A_467 = tpu.memref_slice %arg3[%dma_start3A_465, %dma_start3A_466] : memref<1000000x64xf32, #tpu.memory_space<hbm>> -> memref<1000000x64xf32, #tpu.memory_space<hbm>>
        %dma_start3A_468 = tpu.memref_slice %arg8[%dma_start3A_454] : memref<4x!tpu.dma_semaphore, #tpu.memory_space<semaphore_mem>> -> memref<1x!tpu.dma_semaphore, #tpu.memory_space<semaphore_mem>>
        %dma_start3A_469 = tpu.memref_squeeze %dma_start3A_468 : memref<1x!tpu.dma_semaphore, #tpu.memory_space<semaphore_mem>> -> memref<!tpu.dma_semaphore, #tpu.memory_space<semaphore_mem>>
        tpu.enqueue_indirect_dma source(%dma_start3A_467 : memref<1000000x64xf32, #tpu.memory_space<hbm>>) target(%dma_start3A_461 : memref<72x64xf32, #tpu.memory_space<vmem>>) offsets(%dma_start3A_464 : memref<72xi32, #tpu.memory_space<vmem>>) semaphore(%dma_start3A_469 : memref<!tpu.dma_semaphore, #tpu.memory_space<semaphore_mem>>)
      } else {
      }
      %broadcast_in_dim3A_317 = arith.constant 0.000000e+00 : f32
      %broadcast_in_dim3A_318 = vector.broadcast %broadcast_in_dim3A_317 : f32 to vector<16xf32>
      %scan3A_319 = arith.constant 2 : i32
      %scan3A_320 = arith.constant 0 : i32
      %scan3A_321 = arith.constant 25 : i32
      %scan3A_322 = arith.addi %scan3A_320, %scan3A_321 : i32
      %scan3A_323 = arith.constant 1 : i32
      %scan3A_324:8 = scf.for %scan3A_434 = %scan3A_320 to %scan3A_322 step %scan3A_323 iter_args(%scan3A_435 = %broadcast_in_dim3A_318, %scan3A_436 = %broadcast_in_dim3A_318, %scan3A_437 = %broadcast_in_dim3A_318, %scan3A_438 = %broadcast_in_dim3A_318, %scan3A_439 = %broadcast_in_dim3A_318, %scan3A_440 = %broadcast_in_dim3A_318, %scan3A_441 = %broadcast_in_dim3A_318, %scan3A_442 = %broadcast_in_dim3A_318) -> (vector<16xf32>, vector<16xf32>, vector<16xf32>, vector<16xf32>, vector<16xf32>, vector<16xf32>, vector<16xf32>, vector<16xf32>)  : i32 {
        %mul3A_443 = arith.constant 8 : i32
        %mul3A_444 = arith.muli %scan3A_434, %mul3A_443 : i32
        %add3A_445 = arith.constant 0 : i32
        %add3A_446 = arith.addi %mul3A_444, %add3A_445 : i32
        %get3A = arith.constant 0 : i32
        %get3A_447 = arith.constant 0 : i32
        %get3A_448 = tpu.memref_slice %arg6[%scan3A_319, %get3A, %get3A_447] : memref<4x200x64xf32, #tpu.memory_space<vmem>> -> memref<1x200x64xf32, #tpu.memory_space<vmem>>
        %get3A_449 = tpu.memref_squeeze %get3A_448 : memref<1x200x64xf32, #tpu.memory_space<vmem>> -> memref<200x64xf32, #tpu.memory_space<vmem>>
        %get3A_450 = arith.index_cast %add3A_446 : i32 to index
        %get3A_451 = arith.constant 0 : index
        %get3A_452 = tpu.vector_load %get3A_449[%get3A_450, %get3A_451] {strides = array<i32>} : memref<200x64xf32, #tpu.memory_space<vmem>>, vector<1x16xf32>,
        %get3A_453 = vector.shape_cast %get3A_452 : vector<1x16xf32> to vector<16xf32>
        %add3A_454 = arith.addf %scan3A_435, %get3A_453 : vector<16xf32>
        %get3A_455 = arith.constant 0 : i32
        %get3A_456 = arith.constant 0 : i32
        %get3A_457 = tpu.memref_slice %arg6[%scan3A_319, %get3A_455, %get3A_456] : memref<4x200x64xf32, #tpu.memory_space<vmem>> -> memref<1x200x64xf32, #tpu.memory_space<vmem>>
        %get3A_458 = tpu.memref_squeeze %get3A_457 : memref<1x200x64xf32, #tpu.memory_space<vmem>> -> memref<200x64xf32, #tpu.memory_space<vmem>>
        %get3A_459 = arith.index_cast %add3A_446 : i32 to index
        %get3A_460 = arith.constant 16 : index
        %get3A_461 = tpu.vector_load %get3A_458[%get3A_459, %get3A_460] {strides = array<i32>} : memref<200x64xf32, #tpu.memory_space<vmem>>, vector<1x16xf32>,
        %get3A_462 = vector.shape_cast %get3A_461 : vector<1x16xf32> to vector<16xf32>
        %add3A_463 = arith.addf %scan3A_436, %get3A_462 : vector<16xf32>
        %get3A_464 = arith.constant 0 : i32
        %get3A_465 = arith.constant 0 : i32
        %get3A_466 = tpu.memref_slice %arg6[%scan3A_319, %get3A_464, %get3A_465] : memref<4x200x64xf32, #tpu.memory_space<vmem>> -> memref<1x200x64xf32, #tpu.memory_space<vmem>>
        %get3A_467 = tpu.memref_squeeze %get3A_466 : memref<1x200x64xf32, #tpu.memory_space<vmem>> -> memref<200x64xf32, #tpu.memory_space<vmem>>
        %get3A_468 = arith.index_cast %add3A_446 : i32 to index
        %get3A_469 = arith.constant 32 : index
        %get3A_470 = tpu.vector_load %get3A_467[%get3A_468, %get3A_469] {strides = array<i32>} : memref<200x64xf32, #tpu.memory_space<vmem>>, vector<1x16xf32>,
        %get3A_471 = vector.shape_cast %get3A_470 : vector<1x16xf32> to vector<16xf32>
        %add3A_472 = arith.addf %scan3A_437, %get3A_471 : vector<16xf32>
        %get3A_473 = arith.constant 0 : i32
        %get3A_474 = arith.constant 0 : i32
        %get3A_475 = tpu.memref_slice %arg6[%scan3A_319, %get3A_473, %get3A_474] : memref<4x200x64xf32, #tpu.memory_space<vmem>> -> memref<1x200x64xf32, #tpu.memory_space<vmem>>
        %get3A_476 = tpu.memref_squeeze %get3A_475 : memref<1x200x64xf32, #tpu.memory_space<vmem>> -> memref<200x64xf32, #tpu.memory_space<vmem>>
        %get3A_477 = arith.index_cast %add3A_446 : i32 to index
        %get3A_478 = arith.constant 48 : index
        %get3A_479 = tpu.vector_load %get3A_476[%get3A_477, %get3A_478] {strides = array<i32>} : memref<200x64xf32, #tpu.memory_space<vmem>>, vector<1x16xf32>,
        %get3A_480 = vector.shape_cast %get3A_479 : vector<1x16xf32> to vector<16xf32>
        %add3A_481 = arith.addf %scan3A_438, %get3A_480 : vector<16xf32>
        %mul3A_482 = arith.constant 8 : i32
        %mul3A_483 = arith.muli %scan3A_434, %mul3A_482 : i32
        %add3A_484 = arith.constant 1 : i32
        %add3A_485 = arith.addi %mul3A_483, %add3A_484 : i32
        %get3A_486 = arith.constant 0 : i32
        %get3A_487 = arith.constant 0 : i32
        %get3A_488 = tpu.memref_slice %arg6[%scan3A_319, %get3A_486, %get3A_487] : memref<4x200x64xf32, #tpu.memory_space<vmem>> -> memref<1x200x64xf32, #tpu.memory_space<vmem>>
        %get3A_489 = tpu.memref_squeeze %get3A_488 : memref<1x200x64xf32, #tpu.memory_space<vmem>> -> memref<200x64xf32, #tpu.memory_space<vmem>>
        %get3A_490 = arith.index_cast %add3A_485 : i32 to index
        %get3A_491 = arith.constant 0 : index
        %get3A_492 = tpu.vector_load %get3A_489[%get3A_490, %get3A_491] {strides = array<i32>} : memref<200x64xf32, #tpu.memory_space<vmem>>, vector<1x16xf32>,
        %get3A_493 = vector.shape_cast %get3A_492 : vector<1x16xf32> to vector<16xf32>
        %add3A_494 = arith.addf %scan3A_439, %get3A_493 : vector<16xf32>
        %get3A_495 = arith.constant 0 : i32
        %get3A_496 = arith.constant 0 : i32
        %get3A_497 = tpu.memref_slice %arg6[%scan3A_319, %get3A_495, %get3A_496] : memref<4x200x64xf32, #tpu.memory_space<vmem>> -> memref<1x200x64xf32, #tpu.memory_space<vmem>>
        %get3A_498 = tpu.memref_squeeze %get3A_497 : memref<1x200x64xf32, #tpu.memory_space<vmem>> -> memref<200x64xf32, #tpu.memory_space<vmem>>
        %get3A_499 = arith.index_cast %add3A_485 : i32 to index
        %get3A_500 = arith.constant 16 : index
        %get3A_501 = tpu.vector_load %get3A_498[%get3A_499, %get3A_500] {strides = array<i32>} : memref<200x64xf32, #tpu.memory_space<vmem>>, vector<1x16xf32>,
        %get3A_502 = vector.shape_cast %get3A_501 : vector<1x16xf32> to vector<16xf32>
        %add3A_503 = arith.addf %scan3A_440, %get3A_502 : vector<16xf32>
        %get3A_504 = arith.constant 0 : i32
        %get3A_505 = arith.constant 0 : i32
        %get3A_506 = tpu.memref_slice %arg6[%scan3A_319, %get3A_504, %get3A_505] : memref<4x200x64xf32, #tpu.memory_space<vmem>> -> memref<1x200x64xf32, #tpu.memory_space<vmem>>
        %get3A_507 = tpu.memref_squeeze %get3A_506 : memref<1x200x64xf32, #tpu.memory_space<vmem>> -> memref<200x64xf32, #tpu.memory_space<vmem>>
        %get3A_508 = arith.index_cast %add3A_485 : i32 to index
        %get3A_509 = arith.constant 32 : index
        %get3A_510 = tpu.vector_load %get3A_507[%get3A_508, %get3A_509] {strides = array<i32>} : memref<200x64xf32, #tpu.memory_space<vmem>>, vector<1x16xf32>,
        %get3A_511 = vector.shape_cast %get3A_510 : vector<1x16xf32> to vector<16xf32>
        %add3A_512 = arith.addf %scan3A_441, %get3A_511 : vector<16xf32>
        %get3A_513 = arith.constant 0 : i32
        %get3A_514 = arith.constant 0 : i32
        %get3A_515 = tpu.memref_slice %arg6[%scan3A_319, %get3A_513, %get3A_514] : memref<4x200x64xf32, #tpu.memory_space<vmem>> -> memref<1x200x64xf32, #tpu.memory_space<vmem>>
        %get3A_516 = tpu.memref_squeeze %get3A_515 : memref<1x200x64xf32, #tpu.memory_space<vmem>> -> memref<200x64xf32, #tpu.memory_space<vmem>>
        %get3A_517 = arith.index_cast %add3A_485 : i32 to index
        %get3A_518 = arith.constant 48 : index
        %get3A_519 = tpu.vector_load %get3A_516[%get3A_517, %get3A_518] {strides = array<i32>} : memref<200x64xf32, #tpu.memory_space<vmem>>, vector<1x16xf32>,
        %get3A_520 = vector.shape_cast %get3A_519 : vector<1x16xf32> to vector<16xf32>
        %add3A_521 = arith.addf %scan3A_442, %get3A_520 : vector<16xf32>
        %mul3A_522 = arith.constant 8 : i32
        %mul3A_523 = arith.muli %scan3A_434, %mul3A_522 : i32
        %add3A_524 = arith.constant 2 : i32
        %add3A_525 = arith.addi %mul3A_523, %add3A_524 : i32
        %get3A_526 = arith.constant 0 : i32
        %get3A_527 = arith.constant 0 : i32
        %get3A_528 = tpu.memref_slice %arg6[%scan3A_319, %get3A_526, %get3A_527] : memref<4x200x64xf32, #tpu.memory_space<vmem>> -> memref<1x200x64xf32, #tpu.memory_space<vmem>>
        %get3A_529 = tpu.memref_squeeze %get3A_528 : memref<1x200x64xf32, #tpu.memory_space<vmem>> -> memref<200x64xf32, #tpu.memory_space<vmem>>
        %get3A_530 = arith.index_cast %add3A_525 : i32 to index
        %get3A_531 = arith.constant 0 : index
        %get3A_532 = tpu.vector_load %get3A_529[%get3A_530, %get3A_531] {strides = array<i32>} : memref<200x64xf32, #tpu.memory_space<vmem>>, vector<1x16xf32>,
        %get3A_533 = vector.shape_cast %get3A_532 : vector<1x16xf32> to vector<16xf32>
        %add3A_534 = arith.addf %add3A_454, %get3A_533 : vector<16xf32>
        %get3A_535 = arith.constant 0 : i32
        %get3A_536 = arith.constant 0 : i32
        %get3A_537 = tpu.memref_slice %arg6[%scan3A_319, %get3A_535, %get3A_536] : memref<4x200x64xf32, #tpu.memory_space<vmem>> -> memref<1x200x64xf32, #tpu.memory_space<vmem>>
        %get3A_538 = tpu.memref_squeeze %get3A_537 : memref<1x200x64xf32, #tpu.memory_space<vmem>> -> memref<200x64xf32, #tpu.memory_space<vmem>>
        %get3A_539 = arith.index_cast %add3A_525 : i32 to index
        %get3A_540 = arith.constant 16 : index
        %get3A_541 = tpu.vector_load %get3A_538[%get3A_539, %get3A_540] {strides = array<i32>} : memref<200x64xf32, #tpu.memory_space<vmem>>, vector<1x16xf32>,
        %get3A_542 = vector.shape_cast %get3A_541 : vector<1x16xf32> to vector<16xf32>
        %add3A_543 = arith.addf %add3A_463, %get3A_542 : vector<16xf32>
        %get3A_544 = arith.constant 0 : i32
        %get3A_545 = arith.constant 0 : i32
        %get3A_546 = tpu.memref_slice %arg6[%scan3A_319, %get3A_544, %get3A_545] : memref<4x200x64xf32, #tpu.memory_space<vmem>> -> memref<1x200x64xf32, #tpu.memory_space<vmem>>
        %get3A_547 = tpu.memref_squeeze %get3A_546 : memref<1x200x64xf32, #tpu.memory_space<vmem>> -> memref<200x64xf32, #tpu.memory_space<vmem>>
        %get3A_548 = arith.index_cast %add3A_525 : i32 to index
        %get3A_549 = arith.constant 32 : index
        %get3A_550 = tpu.vector_load %get3A_547[%get3A_548, %get3A_549] {strides = array<i32>} : memref<200x64xf32, #tpu.memory_space<vmem>>, vector<1x16xf32>,
        %get3A_551 = vector.shape_cast %get3A_550 : vector<1x16xf32> to vector<16xf32>
        %add3A_552 = arith.addf %add3A_472, %get3A_551 : vector<16xf32>
        %get3A_553 = arith.constant 0 : i32
        %get3A_554 = arith.constant 0 : i32
        %get3A_555 = tpu.memref_slice %arg6[%scan3A_319, %get3A_553, %get3A_554] : memref<4x200x64xf32, #tpu.memory_space<vmem>> -> memref<1x200x64xf32, #tpu.memory_space<vmem>>
        %get3A_556 = tpu.memref_squeeze %get3A_555 : memref<1x200x64xf32, #tpu.memory_space<vmem>> -> memref<200x64xf32, #tpu.memory_space<vmem>>
        %get3A_557 = arith.index_cast %add3A_525 : i32 to index
        %get3A_558 = arith.constant 48 : index
        %get3A_559 = tpu.vector_load %get3A_556[%get3A_557, %get3A_558] {strides = array<i32>} : memref<200x64xf32, #tpu.memory_space<vmem>>, vector<1x16xf32>,
        %get3A_560 = vector.shape_cast %get3A_559 : vector<1x16xf32> to vector<16xf32>
        %add3A_561 = arith.addf %add3A_481, %get3A_560 : vector<16xf32>
        %mul3A_562 = arith.constant 8 : i32
        %mul3A_563 = arith.muli %scan3A_434, %mul3A_562 : i32
        %add3A_564 = arith.constant 3 : i32
        %add3A_565 = arith.addi %mul3A_563, %add3A_564 : i32
        %get3A_566 = arith.constant 0 : i32
        %get3A_567 = arith.constant 0 : i32
        %get3A_568 = tpu.memref_slice %arg6[%scan3A_319, %get3A_566, %get3A_567] : memref<4x200x64xf32, #tpu.memory_space<vmem>> -> memref<1x200x64xf32, #tpu.memory_space<vmem>>
        %get3A_569 = tpu.memref_squeeze %get3A_568 : memref<1x200x64xf32, #tpu.memory_space<vmem>> -> memref<200x64xf32, #tpu.memory_space<vmem>>
        %get3A_570 = arith.index_cast %add3A_565 : i32 to index
        %get3A_571 = arith.constant 0 : index
        %get3A_572 = tpu.vector_load %get3A_569[%get3A_570, %get3A_571] {strides = array<i32>} : memref<200x64xf32, #tpu.memory_space<vmem>>, vector<1x16xf32>,
        %get3A_573 = vector.shape_cast %get3A_572 : vector<1x16xf32> to vector<16xf32>
        %add3A_574 = arith.addf %add3A_494, %get3A_573 : vector<16xf32>
        %get3A_575 = arith.constant 0 : i32
        %get3A_576 = arith.constant 0 : i32
        %get3A_577 = tpu.memref_slice %arg6[%scan3A_319, %get3A_575, %get3A_576] : memref<4x200x64xf32, #tpu.memory_space<vmem>> -> memref<1x200x64xf32, #tpu.memory_space<vmem>>
        %get3A_578 = tpu.memref_squeeze %get3A_577 : memref<1x200x64xf32, #tpu.memory_space<vmem>> -> memref<200x64xf32, #tpu.memory_space<vmem>>
        %get3A_579 = arith.index_cast %add3A_565 : i32 to index
        %get3A_580 = arith.constant 16 : index
        %get3A_581 = tpu.vector_load %get3A_578[%get3A_579, %get3A_580] {strides = array<i32>} : memref<200x64xf32, #tpu.memory_space<vmem>>, vector<1x16xf32>,
        %get3A_582 = vector.shape_cast %get3A_581 : vector<1x16xf32> to vector<16xf32>
        %add3A_583 = arith.addf %add3A_503, %get3A_582 : vector<16xf32>
        %get3A_584 = arith.constant 0 : i32
        %get3A_585 = arith.constant 0 : i32
        %get3A_586 = tpu.memref_slice %arg6[%scan3A_319, %get3A_584, %get3A_585] : memref<4x200x64xf32, #tpu.memory_space<vmem>> -> memref<1x200x64xf32, #tpu.memory_space<vmem>>
        %get3A_587 = tpu.memref_squeeze %get3A_586 : memref<1x200x64xf32, #tpu.memory_space<vmem>> -> memref<200x64xf32, #tpu.memory_space<vmem>>
        %get3A_588 = arith.index_cast %add3A_565 : i32 to index
        %get3A_589 = arith.constant 32 : index
        %get3A_590 = tpu.vector_load %get3A_587[%get3A_588, %get3A_589] {strides = array<i32>} : memref<200x64xf32, #tpu.memory_space<vmem>>, vector<1x16xf32>,
        %get3A_591 = vector.shape_cast %get3A_590 : vector<1x16xf32> to vector<16xf32>
        %add3A_592 = arith.addf %add3A_512, %get3A_591 : vector<16xf32>
        %get3A_593 = arith.constant 0 : i32
        %get3A_594 = arith.constant 0 : i32
        %get3A_595 = tpu.memref_slice %arg6[%scan3A_319, %get3A_593, %get3A_594] : memref<4x200x64xf32, #tpu.memory_space<vmem>> -> memref<1x200x64xf32, #tpu.memory_space<vmem>>
        %get3A_596 = tpu.memref_squeeze %get3A_595 : memref<1x200x64xf32, #tpu.memory_space<vmem>> -> memref<200x64xf32, #tpu.memory_space<vmem>>
        %get3A_597 = arith.index_cast %add3A_565 : i32 to index
        %get3A_598 = arith.constant 48 : index
        %get3A_599 = tpu.vector_load %get3A_596[%get3A_597, %get3A_598] {strides = array<i32>} : memref<200x64xf32, #tpu.memory_space<vmem>>, vector<1x16xf32>,
        %get3A_600 = vector.shape_cast %get3A_599 : vector<1x16xf32> to vector<16xf32>
        %add3A_601 = arith.addf %add3A_521, %get3A_600 : vector<16xf32>
        %mul3A_602 = arith.constant 8 : i32
        %mul3A_603 = arith.muli %scan3A_434, %mul3A_602 : i32
        %add3A_604 = arith.constant 4 : i32
        %add3A_605 = arith.addi %mul3A_603, %add3A_604 : i32
        %get3A_606 = arith.constant 0 : i32
        %get3A_607 = arith.constant 0 : i32
        %get3A_608 = tpu.memref_slice %arg6[%scan3A_319, %get3A_606, %get3A_607] : memref<4x200x64xf32, #tpu.memory_space<vmem>> -> memref<1x200x64xf32, #tpu.memory_space<vmem>>
        %get3A_609 = tpu.memref_squeeze %get3A_608 : memref<1x200x64xf32, #tpu.memory_space<vmem>> -> memref<200x64xf32, #tpu.memory_space<vmem>>
        %get3A_610 = arith.index_cast %add3A_605 : i32 to index
        %get3A_611 = arith.constant 0 : index
        %get3A_612 = tpu.vector_load %get3A_609[%get3A_610, %get3A_611] {strides = array<i32>} : memref<200x64xf32, #tpu.memory_space<vmem>>, vector<1x16xf32>,
        %get3A_613 = vector.shape_cast %get3A_612 : vector<1x16xf32> to vector<16xf32>
        %add3A_614 = arith.addf %add3A_534, %get3A_613 : vector<16xf32>
        %get3A_615 = arith.constant 0 : i32
        %get3A_616 = arith.constant 0 : i32
        %get3A_617 = tpu.memref_slice %arg6[%scan3A_319, %get3A_615, %get3A_616] : memref<4x200x64xf32, #tpu.memory_space<vmem>> -> memref<1x200x64xf32, #tpu.memory_space<vmem>>
        %get3A_618 = tpu.memref_squeeze %get3A_617 : memref<1x200x64xf32, #tpu.memory_space<vmem>> -> memref<200x64xf32, #tpu.memory_space<vmem>>
        %get3A_619 = arith.index_cast %add3A_605 : i32 to index
        %get3A_620 = arith.constant 16 : index
        %get3A_621 = tpu.vector_load %get3A_618[%get3A_619, %get3A_620] {strides = array<i32>} : memref<200x64xf32, #tpu.memory_space<vmem>>, vector<1x16xf32>,
        %get3A_622 = vector.shape_cast %get3A_621 : vector<1x16xf32> to vector<16xf32>
        %add3A_623 = arith.addf %add3A_543, %get3A_622 : vector<16xf32>
        %get3A_624 = arith.constant 0 : i32
        %get3A_625 = arith.constant 0 : i32
        %get3A_626 = tpu.memref_slice %arg6[%scan3A_319, %get3A_624, %get3A_625] : memref<4x200x64xf32, #tpu.memory_space<vmem>> -> memref<1x200x64xf32, #tpu.memory_space<vmem>>
        %get3A_627 = tpu.memref_squeeze %get3A_626 : memref<1x200x64xf32, #tpu.memory_space<vmem>> -> memref<200x64xf32, #tpu.memory_space<vmem>>
        %get3A_628 = arith.index_cast %add3A_605 : i32 to index
        %get3A_629 = arith.constant 32 : index
        %get3A_630 = tpu.vector_load %get3A_627[%get3A_628, %get3A_629] {strides = array<i32>} : memref<200x64xf32, #tpu.memory_space<vmem>>, vector<1x16xf32>,
        %get3A_631 = vector.shape_cast %get3A_630 : vector<1x16xf32> to vector<16xf32>
        %add3A_632 = arith.addf %add3A_552, %get3A_631 : vector<16xf32>
        %get3A_633 = arith.constant 0 : i32
        %get3A_634 = arith.constant 0 : i32
        %get3A_635 = tpu.memref_slice %arg6[%scan3A_319, %get3A_633, %get3A_634] : memref<4x200x64xf32, #tpu.memory_space<vmem>> -> memref<1x200x64xf32, #tpu.memory_space<vmem>>
        %get3A_636 = tpu.memref_squeeze %get3A_635 : memref<1x200x64xf32, #tpu.memory_space<vmem>> -> memref<200x64xf32, #tpu.memory_space<vmem>>
        %get3A_637 = arith.index_cast %add3A_605 : i32 to index
        %get3A_638 = arith.constant 48 : index
        %get3A_639 = tpu.vector_load %get3A_636[%get3A_637, %get3A_638] {strides = array<i32>} : memref<200x64xf32, #tpu.memory_space<vmem>>, vector<1x16xf32>,
        %get3A_640 = vector.shape_cast %get3A_639 : vector<1x16xf32> to vector<16xf32>
        %add3A_641 = arith.addf %add3A_561, %get3A_640 : vector<16xf32>
        %mul3A_642 = arith.constant 8 : i32
        %mul3A_643 = arith.muli %scan3A_434, %mul3A_642 : i32
        %add3A_644 = arith.constant 5 : i32
        %add3A_645 = arith.addi %mul3A_643, %add3A_644 : i32
        %get3A_646 = arith.constant 0 : i32
        %get3A_647 = arith.constant 0 : i32
        %get3A_648 = tpu.memref_slice %arg6[%scan3A_319, %get3A_646, %get3A_647] : memref<4x200x64xf32, #tpu.memory_space<vmem>> -> memref<1x200x64xf32, #tpu.memory_space<vmem>>
        %get3A_649 = tpu.memref_squeeze %get3A_648 : memref<1x200x64xf32, #tpu.memory_space<vmem>> -> memref<200x64xf32, #tpu.memory_space<vmem>>
        %get3A_650 = arith.index_cast %add3A_645 : i32 to index
        %get3A_651 = arith.constant 0 : index
        %get3A_652 = tpu.vector_load %get3A_649[%get3A_650, %get3A_651] {strides = array<i32>} : memref<200x64xf32, #tpu.memory_space<vmem>>, vector<1x16xf32>,
        %get3A_653 = vector.shape_cast %get3A_652 : vector<1x16xf32> to vector<16xf32>
        %add3A_654 = arith.addf %add3A_574, %get3A_653 : vector<16xf32>
        %get3A_655 = arith.constant 0 : i32
        %get3A_656 = arith.constant 0 : i32
        %get3A_657 = tpu.memref_slice %arg6[%scan3A_319, %get3A_655, %get3A_656] : memref<4x200x64xf32, #tpu.memory_space<vmem>> -> memref<1x200x64xf32, #tpu.memory_space<vmem>>
        %get3A_658 = tpu.memref_squeeze %get3A_657 : memref<1x200x64xf32, #tpu.memory_space<vmem>> -> memref<200x64xf32, #tpu.memory_space<vmem>>
        %get3A_659 = arith.index_cast %add3A_645 : i32 to index
        %get3A_660 = arith.constant 16 : index
        %get3A_661 = tpu.vector_load %get3A_658[%get3A_659, %get3A_660] {strides = array<i32>} : memref<200x64xf32, #tpu.memory_space<vmem>>, vector<1x16xf32>,
        %get3A_662 = vector.shape_cast %get3A_661 : vector<1x16xf32> to vector<16xf32>
        %add3A_663 = arith.addf %add3A_583, %get3A_662 : vector<16xf32>
        %get3A_664 = arith.constant 0 : i32
        %get3A_665 = arith.constant 0 : i32
        %get3A_666 = tpu.memref_slice %arg6[%scan3A_319, %get3A_664, %get3A_665] : memref<4x200x64xf32, #tpu.memory_space<vmem>> -> memref<1x200x64xf32, #tpu.memory_space<vmem>>
        %get3A_667 = tpu.memref_squeeze %get3A_666 : memref<1x200x64xf32, #tpu.memory_space<vmem>> -> memref<200x64xf32, #tpu.memory_space<vmem>>
        %get3A_668 = arith.index_cast %add3A_645 : i32 to index
        %get3A_669 = arith.constant 32 : index
        %get3A_670 = tpu.vector_load %get3A_667[%get3A_668, %get3A_669] {strides = array<i32>} : memref<200x64xf32, #tpu.memory_space<vmem>>, vector<1x16xf32>,
        %get3A_671 = vector.shape_cast %get3A_670 : vector<1x16xf32> to vector<16xf32>
        %add3A_672 = arith.addf %add3A_592, %get3A_671 : vector<16xf32>
        %get3A_673 = arith.constant 0 : i32
        %get3A_674 = arith.constant 0 : i32
        %get3A_675 = tpu.memref_slice %arg6[%scan3A_319, %get3A_673, %get3A_674] : memref<4x200x64xf32, #tpu.memory_space<vmem>> -> memref<1x200x64xf32, #tpu.memory_space<vmem>>
        %get3A_676 = tpu.memref_squeeze %get3A_675 : memref<1x200x64xf32, #tpu.memory_space<vmem>> -> memref<200x64xf32, #tpu.memory_space<vmem>>
        %get3A_677 = arith.index_cast %add3A_645 : i32 to index
        %get3A_678 = arith.constant 48 : index
        %get3A_679 = tpu.vector_load %get3A_676[%get3A_677, %get3A_678] {strides = array<i32>} : memref<200x64xf32, #tpu.memory_space<vmem>>, vector<1x16xf32>,
        %get3A_680 = vector.shape_cast %get3A_679 : vector<1x16xf32> to vector<16xf32>
        %add3A_681 = arith.addf %add3A_601, %get3A_680 : vector<16xf32>
        %mul3A_682 = arith.constant 8 : i32
        %mul3A_683 = arith.muli %scan3A_434, %mul3A_682 : i32
        %add3A_684 = arith.constant 6 : i32
        %add3A_685 = arith.addi %mul3A_683, %add3A_684 : i32
        %get3A_686 = arith.constant 0 : i32
        %get3A_687 = arith.constant 0 : i32
        %get3A_688 = tpu.memref_slice %arg6[%scan3A_319, %get3A_686, %get3A_687] : memref<4x200x64xf32, #tpu.memory_space<vmem>> -> memref<1x200x64xf32, #tpu.memory_space<vmem>>
        %get3A_689 = tpu.memref_squeeze %get3A_688 : memref<1x200x64xf32, #tpu.memory_space<vmem>> -> memref<200x64xf32, #tpu.memory_space<vmem>>
        %get3A_690 = arith.index_cast %add3A_685 : i32 to index
        %get3A_691 = arith.constant 0 : index
        %get3A_692 = tpu.vector_load %get3A_689[%get3A_690, %get3A_691] {strides = array<i32>} : memref<200x64xf32, #tpu.memory_space<vmem>>, vector<1x16xf32>,
        %get3A_693 = vector.shape_cast %get3A_692 : vector<1x16xf32> to vector<16xf32>
        %add3A_694 = arith.addf %add3A_614, %get3A_693 : vector<16xf32>
        %get3A_695 = arith.constant 0 : i32
        %get3A_696 = arith.constant 0 : i32
        %get3A_697 = tpu.memref_slice %arg6[%scan3A_319, %get3A_695, %get3A_696] : memref<4x200x64xf32, #tpu.memory_space<vmem>> -> memref<1x200x64xf32, #tpu.memory_space<vmem>>
        %get3A_698 = tpu.memref_squeeze %get3A_697 : memref<1x200x64xf32, #tpu.memory_space<vmem>> -> memref<200x64xf32, #tpu.memory_space<vmem>>
        %get3A_699 = arith.index_cast %add3A_685 : i32 to index
        %get3A_700 = arith.constant 16 : index
        %get3A_701 = tpu.vector_load %get3A_698[%get3A_699, %get3A_700] {strides = array<i32>} : memref<200x64xf32, #tpu.memory_space<vmem>>, vector<1x16xf32>,
        %get3A_702 = vector.shape_cast %get3A_701 : vector<1x16xf32> to vector<16xf32>
        %add3A_703 = arith.addf %add3A_623, %get3A_702 : vector<16xf32>
        %get3A_704 = arith.constant 0 : i32
        %get3A_705 = arith.constant 0 : i32
        %get3A_706 = tpu.memref_slice %arg6[%scan3A_319, %get3A_704, %get3A_705] : memref<4x200x64xf32, #tpu.memory_space<vmem>> -> memref<1x200x64xf32, #tpu.memory_space<vmem>>
        %get3A_707 = tpu.memref_squeeze %get3A_706 : memref<1x200x64xf32, #tpu.memory_space<vmem>> -> memref<200x64xf32, #tpu.memory_space<vmem>>
        %get3A_708 = arith.index_cast %add3A_685 : i32 to index
        %get3A_709 = arith.constant 32 : index
        %get3A_710 = tpu.vector_load %get3A_707[%get3A_708, %get3A_709] {strides = array<i32>} : memref<200x64xf32, #tpu.memory_space<vmem>>, vector<1x16xf32>,
        %get3A_711 = vector.shape_cast %get3A_710 : vector<1x16xf32> to vector<16xf32>
        %add3A_712 = arith.addf %add3A_632, %get3A_711 : vector<16xf32>
        %get3A_713 = arith.constant 0 : i32
        %get3A_714 = arith.constant 0 : i32
        %get3A_715 = tpu.memref_slice %arg6[%scan3A_319, %get3A_713, %get3A_714] : memref<4x200x64xf32, #tpu.memory_space<vmem>> -> memref<1x200x64xf32, #tpu.memory_space<vmem>>
        %get3A_716 = tpu.memref_squeeze %get3A_715 : memref<1x200x64xf32, #tpu.memory_space<vmem>> -> memref<200x64xf32, #tpu.memory_space<vmem>>
        %get3A_717 = arith.index_cast %add3A_685 : i32 to index
        %get3A_718 = arith.constant 48 : index
        %get3A_719 = tpu.vector_load %get3A_716[%get3A_717, %get3A_718] {strides = array<i32>} : memref<200x64xf32, #tpu.memory_space<vmem>>, vector<1x16xf32>,
        %get3A_720 = vector.shape_cast %get3A_719 : vector<1x16xf32> to vector<16xf32>
        %add3A_721 = arith.addf %add3A_641, %get3A_720 : vector<16xf32>
        %mul3A_722 = arith.constant 8 : i32
        %mul3A_723 = arith.muli %scan3A_434, %mul3A_722 : i32
        %add3A_724 = arith.constant 7 : i32
        %add3A_725 = arith.addi %mul3A_723, %add3A_724 : i32
        %get3A_726 = arith.constant 0 : i32
        %get3A_727 = arith.constant 0 : i32
        %get3A_728 = tpu.memref_slice %arg6[%scan3A_319, %get3A_726, %get3A_727] : memref<4x200x64xf32, #tpu.memory_space<vmem>> -> memref<1x200x64xf32, #tpu.memory_space<vmem>>
        %get3A_729 = tpu.memref_squeeze %get3A_728 : memref<1x200x64xf32, #tpu.memory_space<vmem>> -> memref<200x64xf32, #tpu.memory_space<vmem>>
        %get3A_730 = arith.index_cast %add3A_725 : i32 to index
        %get3A_731 = arith.constant 0 : index
        %get3A_732 = tpu.vector_load %get3A_729[%get3A_730, %get3A_731] {strides = array<i32>} : memref<200x64xf32, #tpu.memory_space<vmem>>, vector<1x16xf32>,
        %get3A_733 = vector.shape_cast %get3A_732 : vector<1x16xf32> to vector<16xf32>
        %add3A_734 = arith.addf %add3A_654, %get3A_733 : vector<16xf32>
        %get3A_735 = arith.constant 0 : i32
        %get3A_736 = arith.constant 0 : i32
        %get3A_737 = tpu.memref_slice %arg6[%scan3A_319, %get3A_735, %get3A_736] : memref<4x200x64xf32, #tpu.memory_space<vmem>> -> memref<1x200x64xf32, #tpu.memory_space<vmem>>
        %get3A_738 = tpu.memref_squeeze %get3A_737 : memref<1x200x64xf32, #tpu.memory_space<vmem>> -> memref<200x64xf32, #tpu.memory_space<vmem>>
        %get3A_739 = arith.index_cast %add3A_725 : i32 to index
        %get3A_740 = arith.constant 16 : index
        %get3A_741 = tpu.vector_load %get3A_738[%get3A_739, %get3A_740] {strides = array<i32>} : memref<200x64xf32, #tpu.memory_space<vmem>>, vector<1x16xf32>,
        %get3A_742 = vector.shape_cast %get3A_741 : vector<1x16xf32> to vector<16xf32>
        %add3A_743 = arith.addf %add3A_663, %get3A_742 : vector<16xf32>
        %get3A_744 = arith.constant 0 : i32
        %get3A_745 = arith.constant 0 : i32
        %get3A_746 = tpu.memref_slice %arg6[%scan3A_319, %get3A_744, %get3A_745] : memref<4x200x64xf32, #tpu.memory_space<vmem>> -> memref<1x200x64xf32, #tpu.memory_space<vmem>>
        %get3A_747 = tpu.memref_squeeze %get3A_746 : memref<1x200x64xf32, #tpu.memory_space<vmem>> -> memref<200x64xf32, #tpu.memory_space<vmem>>
        %get3A_748 = arith.index_cast %add3A_725 : i32 to index
        %get3A_749 = arith.constant 32 : index
        %get3A_750 = tpu.vector_load %get3A_747[%get3A_748, %get3A_749] {strides = array<i32>} : memref<200x64xf32, #tpu.memory_space<vmem>>, vector<1x16xf32>,
        %get3A_751 = vector.shape_cast %get3A_750 : vector<1x16xf32> to vector<16xf32>
        %add3A_752 = arith.addf %add3A_672, %get3A_751 : vector<16xf32>
        %get3A_753 = arith.constant 0 : i32
        %get3A_754 = arith.constant 0 : i32
        %get3A_755 = tpu.memref_slice %arg6[%scan3A_319, %get3A_753, %get3A_754] : memref<4x200x64xf32, #tpu.memory_space<vmem>> -> memref<1x200x64xf32, #tpu.memory_space<vmem>>
        %get3A_756 = tpu.memref_squeeze %get3A_755 : memref<1x200x64xf32, #tpu.memory_space<vmem>> -> memref<200x64xf32, #tpu.memory_space<vmem>>
        %get3A_757 = arith.index_cast %add3A_725 : i32 to index
        %get3A_758 = arith.constant 48 : index
        %get3A_759 = tpu.vector_load %get3A_756[%get3A_757, %get3A_758] {strides = array<i32>} : memref<200x64xf32, #tpu.memory_space<vmem>>, vector<1x16xf32>,
        %get3A_760 = vector.shape_cast %get3A_759 : vector<1x16xf32> to vector<16xf32>
        %add3A_761 = arith.addf %add3A_681, %get3A_760 : vector<16xf32>
        scf.yield %add3A_694, %add3A_703, %add3A_712, %add3A_721, %add3A_734, %add3A_743, %add3A_752, %add3A_761 : vector<16xf32>, vector<16xf32>, vector<16xf32>, vector<16xf32>, vector<16xf32>, vector<16xf32>, vector<16xf32>, vector<16xf32>
      }
      %scan3A_325 = arith.constant 25 : i32
      %add3A_326 = arith.addf %scan3A_324#0, %scan3A_324#4 : vector<16xf32>
      %mul3A_327 = arith.constant 5.000000e-03 : f32
      %mul3A_328 = vector.broadcast %mul3A_327 : f32 to vector<16xf32>
      %mul3A_329 = arith.mulf %add3A_326, %mul3A_328 : vector<16xf32>
      %swap3A_330 = arith.index_cast %add3A_293 : i32 to index
      %swap3A_331 = arith.constant 0 : index
      %swap3A_332 = tpu.vector_load %arg7[%swap3A_330, %swap3A_331] {strides = array<i32>} : memref<128x64xf32, #tpu.memory_space<vmem>>, vector<1x16xf32>,
      %swap3A_333 = vector.shape_cast %swap3A_332 : vector<1x16xf32> to vector<16xf32>
      %swap3A_334 = vector.shape_cast %mul3A_329 : vector<16xf32> to vector<1x16xf32>
      tpu.vector_store %arg7[%swap3A_330, %swap3A_331], %swap3A_334 {strides = array<i32>} : memref<128x64xf32, #tpu.memory_space<vmem>>, vector<1x16xf32>,
      %add3A_335 = arith.addf %scan3A_324#1, %scan3A_324#5 : vector<16xf32>
      %mul3A_336 = arith.constant 5.000000e-03 : f32
      %mul3A_337 = vector.broadcast %mul3A_336 : f32 to vector<16xf32>
      %mul3A_338 = arith.mulf %add3A_335, %mul3A_337 : vector<16xf32>
      %swap3A_339 = arith.index_cast %add3A_293 : i32 to index
      %swap3A_340 = arith.constant 16 : index
      %swap3A_341 = tpu.vector_load %arg7[%swap3A_339, %swap3A_340] {strides = array<i32>} : memref<128x64xf32, #tpu.memory_space<vmem>>, vector<1x16xf32>,
      %swap3A_342 = vector.shape_cast %swap3A_341 : vector<1x16xf32> to vector<16xf32>
      %swap3A_343 = vector.shape_cast %mul3A_338 : vector<16xf32> to vector<1x16xf32>
      tpu.vector_store %arg7[%swap3A_339, %swap3A_340], %swap3A_343 {strides = array<i32>} : memref<128x64xf32, #tpu.memory_space<vmem>>, vector<1x16xf32>,
      %add3A_344 = arith.addf %scan3A_324#2, %scan3A_324#6 : vector<16xf32>
      %mul3A_345 = arith.constant 5.000000e-03 : f32
      %mul3A_346 = vector.broadcast %mul3A_345 : f32 to vector<16xf32>
      %mul3A_347 = arith.mulf %add3A_344, %mul3A_346 : vector<16xf32>
      %swap3A_348 = arith.index_cast %add3A_293 : i32 to index
      %swap3A_349 = arith.constant 32 : index
      %swap3A_350 = tpu.vector_load %arg7[%swap3A_348, %swap3A_349] {strides = array<i32>} : memref<128x64xf32, #tpu.memory_space<vmem>>, vector<1x16xf32>,
      %swap3A_351 = vector.shape_cast %swap3A_350 : vector<1x16xf32> to vector<16xf32>
      %swap3A_352 = vector.shape_cast %mul3A_347 : vector<16xf32> to vector<1x16xf32>
      tpu.vector_store %arg7[%swap3A_348, %swap3A_349], %swap3A_352 {strides = array<i32>} : memref<128x64xf32, #tpu.memory_space<vmem>>, vector<1x16xf32>,
      %add3A_353 = arith.addf %scan3A_324#3, %scan3A_324#7 : vector<16xf32>
      %mul3A_354 = arith.constant 5.000000e-03 : f32
      %mul3A_355 = vector.broadcast %mul3A_354 : f32 to vector<16xf32>
      %mul3A_356 = arith.mulf %add3A_353, %mul3A_355 : vector<16xf32>
      %swap3A_357 = arith.index_cast %add3A_293 : i32 to index
      %swap3A_358 = arith.constant 48 : index
      %swap3A_359 = tpu.vector_load %arg7[%swap3A_357, %swap3A_358] {strides = array<i32>} : memref<128x64xf32, #tpu.memory_space<vmem>>, vector<1x16xf32>,
      %swap3A_360 = vector.shape_cast %swap3A_359 : vector<1x16xf32> to vector<16xf32>
      %swap3A_361 = vector.shape_cast %mul3A_356 : vector<16xf32> to vector<1x16xf32>
      tpu.vector_store %arg7[%swap3A_357, %swap3A_358], %swap3A_361 {strides = array<i32>} : memref<128x64xf32, #tpu.memory_space<vmem>>, vector<1x16xf32>,
      %mul3A_362 = arith.constant 4 : i32
      %mul3A_363 = arith.muli %scan3A_151, %mul3A_362 : i32
      %add3A_364 = arith.constant 3 : i32
      %add3A_365 = arith.addi %mul3A_363, %add3A_364 : i32
      %dma_wait3A_366 = arith.constant 3 : i32
      %dma_wait3A_367 = arith.constant 3 : i32
      %dma_wait3A_368 = arith.constant 0 : i32
      %dma_wait3A_369 = arith.constant 0 : i32
      %dma_wait3A_370 = tpu.memref_slice %arg6[%dma_wait3A_366, %dma_wait3A_368, %dma_wait3A_369] : memref<4x200x64xf32, #tpu.memory_space<vmem>> -> memref<1x200x64xf32, #tpu.memory_space<vmem>>
      %dma_wait3A_371 = tpu.memref_squeeze %dma_wait3A_370 : memref<1x200x64xf32, #tpu.memory_space<vmem>> -> memref<200x64xf32, #tpu.memory_space<vmem>>
      %dma_wait3A_372 = arith.constant 0 : i32
      %dma_wait3A_373 = arith.constant 0 : i32
      %dma_wait3A_374 = tpu.memref_slice %arg3[%dma_wait3A_372, %dma_wait3A_373] : memref<1000000x64xf32, #tpu.memory_space<hbm>> -> memref<200x64xf32, #tpu.memory_space<hbm>>
      %dma_wait3A_375 = tpu.memref_slice %arg8[%dma_wait3A_367] : memref<4x!tpu.dma_semaphore, #tpu.memory_space<semaphore_mem>> -> memref<1x!tpu.dma_semaphore, #tpu.memory_space<semaphore_mem>>
      %dma_wait3A_376 = tpu.memref_squeeze %dma_wait3A_375 : memref<1x!tpu.dma_semaphore, #tpu.memory_space<semaphore_mem>> -> memref<!tpu.dma_semaphore, #tpu.memory_space<semaphore_mem>>
      %dma_wait3A_377 = arith.constant 0 : i32
      %dma_wait3A_378 = arith.constant 0 : i32
      %dma_wait3A_379 = tpu.memref_slice %arg6[%dma_wait3A_366, %dma_wait3A_377, %dma_wait3A_378] : memref<4x200x64xf32, #tpu.memory_space<vmem>> -> memref<1x200x64xf32, #tpu.memory_space<vmem>>
      %dma_wait3A_380 = tpu.memref_squeeze %dma_wait3A_379 : memref<1x200x64xf32, #tpu.memory_space<vmem>> -> memref<200x64xf32, #tpu.memory_space<vmem>>
      %dma_wait3A_381 = arith.constant 0 : i32
      %dma_wait3A_382 = arith.constant 0 : i32
      %dma_wait3A_383 = tpu.memref_slice %arg3[%dma_wait3A_381, %dma_wait3A_382] : memref<1000000x64xf32, #tpu.memory_space<hbm>> -> memref<200x64xf32, #tpu.memory_space<hbm>>
      tpu.wait_dma2 semaphore(%dma_wait3A_376 : memref<!tpu.dma_semaphore, #tpu.memory_space<semaphore_mem>>) src(%dma_wait3A_383 : memref<200x64xf32, #tpu.memory_space<hbm>>) dst(%dma_wait3A_380 : memref<200x64xf32, #tpu.memory_space<vmem>>)
      %lt3A_384 = arith.constant 31 : i32
      %lt3A_385 = arith.cmpi slt, %scan3A_151, %lt3A_384 : i32
      %convert_element_type3A_386 = arith.extui %lt3A_385 : i1 to i32
      %cond3A_387 = arith.constant 0 : i32
      %cond3A_388 = arith.cmpi ne, %convert_element_type3A_386, %cond3A_387 : i32
      scf.if %cond3A_388 {
        %add3A_434 = arith.constant 4 : i32
        %add3A_435 = arith.addi %add3A_365, %add3A_434 : i32
        %dma_start3A_436 = arith.constant 3 : i32
        %dma_start3A_437 = arith.constant 3 : i32
        %dma_start3A_438 = arith.constant 0 : i32
        %dma_start3A_439 = arith.constant 0 : i32
        %dma_start3A_440 = tpu.memref_slice %arg6[%dma_start3A_436, %dma_start3A_438, %dma_start3A_439] : memref<4x200x64xf32, #tpu.memory_space<vmem>> -> memref<1x200x64xf32, #tpu.memory_space<vmem>>
        %dma_start3A_441 = tpu.memref_squeeze %dma_start3A_440 : memref<1x200x64xf32, #tpu.memory_space<vmem>> -> memref<200x64xf32, #tpu.memory_space<vmem>>
        %dma_start3A_442 = arith.constant 0 : i32
        %dma_start3A_443 = arith.constant 0 : i32
        %dma_start3A_444 = tpu.memref_slice %dma_start3A_441[%dma_start3A_442, %dma_start3A_443] : memref<200x64xf32, #tpu.memory_space<vmem>> -> memref<128x64xf32, #tpu.memory_space<vmem>>
        %dma_start3A_445 = arith.constant 0 : i32
        %dma_start3A_446 = tpu.memref_slice %arg5[%add3A_435, %dma_start3A_445] : memref<128x200xi32, #tpu.memory_space<vmem>> -> memref<1x128xi32, #tpu.memory_space<vmem>>
        %dma_start3A_447 = tpu.memref_squeeze %dma_start3A_446 : memref<1x128xi32, #tpu.memory_space<vmem>> -> memref<128xi32, #tpu.memory_space<vmem>>
        %dma_start3A_448 = arith.constant 0 : i32
        %dma_start3A_449 = arith.constant 0 : i32
        %dma_start3A_450 = tpu.memref_slice %arg3[%dma_start3A_448, %dma_start3A_449] : memref<1000000x64xf32, #tpu.memory_space<hbm>> -> memref<1000000x64xf32, #tpu.memory_space<hbm>>
        %dma_start3A_451 = tpu.memref_slice %arg8[%dma_start3A_437] : memref<4x!tpu.dma_semaphore, #tpu.memory_space<semaphore_mem>> -> memref<1x!tpu.dma_semaphore, #tpu.memory_space<semaphore_mem>>
        %dma_start3A_452 = tpu.memref_squeeze %dma_start3A_451 : memref<1x!tpu.dma_semaphore, #tpu.memory_space<semaphore_mem>> -> memref<!tpu.dma_semaphore, #tpu.memory_space<semaphore_mem>>
        tpu.enqueue_indirect_dma source(%dma_start3A_450 : memref<1000000x64xf32, #tpu.memory_space<hbm>>) target(%dma_start3A_444 : memref<128x64xf32, #tpu.memory_space<vmem>>) offsets(%dma_start3A_447 : memref<128xi32, #tpu.memory_space<vmem>>) semaphore(%dma_start3A_452 : memref<!tpu.dma_semaphore, #tpu.memory_space<semaphore_mem>>)
        %dma_start3A_453 = arith.constant 3 : i32
        %dma_start3A_454 = arith.constant 3 : i32
        %dma_start3A_455 = arith.constant 0 : i32
        %dma_start3A_456 = arith.constant 0 : i32
        %dma_start3A_457 = tpu.memref_slice %arg6[%dma_start3A_453, %dma_start3A_455, %dma_start3A_456] : memref<4x200x64xf32, #tpu.memory_space<vmem>> -> memref<1x200x64xf32, #tpu.memory_space<vmem>>
        %dma_start3A_458 = tpu.memref_squeeze %dma_start3A_457 : memref<1x200x64xf32, #tpu.memory_space<vmem>> -> memref<200x64xf32, #tpu.memory_space<vmem>>
        %dma_start3A_459 = arith.constant 128 : i32
        %dma_start3A_460 = arith.constant 0 : i32
        %dma_start3A_461 = tpu.memref_slice %dma_start3A_458[%dma_start3A_459, %dma_start3A_460] : memref<200x64xf32, #tpu.memory_space<vmem>> -> memref<72x64xf32, #tpu.memory_space<vmem>>
        %dma_start3A_462 = arith.constant 128 : i32
        %dma_start3A_463 = tpu.memref_slice %arg5[%add3A_435, %dma_start3A_462] : memref<128x200xi32, #tpu.memory_space<vmem>> -> memref<1x72xi32, #tpu.memory_space<vmem>>
        %dma_start3A_464 = tpu.memref_squeeze %dma_start3A_463 : memref<1x72xi32, #tpu.memory_space<vmem>> -> memref<72xi32, #tpu.memory_space<vmem>>
        %dma_start3A_465 = arith.constant 0 : i32
        %dma_start3A_466 = arith.constant 0 : i32
        %dma_start3A_467 = tpu.memref_slice %arg3[%dma_start3A_465, %dma_start3A_466] : memref<1000000x64xf32, #tpu.memory_space<hbm>> -> memref<1000000x64xf32, #tpu.memory_space<hbm>>
        %dma_start3A_468 = tpu.memref_slice %arg8[%dma_start3A_454] : memref<4x!tpu.dma_semaphore, #tpu.memory_space<semaphore_mem>> -> memref<1x!tpu.dma_semaphore, #tpu.memory_space<semaphore_mem>>
        %dma_start3A_469 = tpu.memref_squeeze %dma_start3A_468 : memref<1x!tpu.dma_semaphore, #tpu.memory_space<semaphore_mem>> -> memref<!tpu.dma_semaphore, #tpu.memory_space<semaphore_mem>>
        tpu.enqueue_indirect_dma source(%dma_start3A_467 : memref<1000000x64xf32, #tpu.memory_space<hbm>>) target(%dma_start3A_461 : memref<72x64xf32, #tpu.memory_space<vmem>>) offsets(%dma_start3A_464 : memref<72xi32, #tpu.memory_space<vmem>>) semaphore(%dma_start3A_469 : memref<!tpu.dma_semaphore, #tpu.memory_space<semaphore_mem>>)
      } else {
      }
      %broadcast_in_dim3A_389 = arith.constant 0.000000e+00 : f32
      %broadcast_in_dim3A_390 = vector.broadcast %broadcast_in_dim3A_389 : f32 to vector<16xf32>
      %scan3A_391 = arith.constant 3 : i32
      %scan3A_392 = arith.constant 0 : i32
      %scan3A_393 = arith.constant 25 : i32
      %scan3A_394 = arith.addi %scan3A_392, %scan3A_393 : i32
      %scan3A_395 = arith.constant 1 : i32
      %scan3A_396:8 = scf.for %scan3A_434 = %scan3A_392 to %scan3A_394 step %scan3A_395 iter_args(%scan3A_435 = %broadcast_in_dim3A_390, %scan3A_436 = %broadcast_in_dim3A_390, %scan3A_437 = %broadcast_in_dim3A_390, %scan3A_438 = %broadcast_in_dim3A_390, %scan3A_439 = %broadcast_in_dim3A_390, %scan3A_440 = %broadcast_in_dim3A_390, %scan3A_441 = %broadcast_in_dim3A_390, %scan3A_442 = %broadcast_in_dim3A_390) -> (vector<16xf32>, vector<16xf32>, vector<16xf32>, vector<16xf32>, vector<16xf32>, vector<16xf32>, vector<16xf32>, vector<16xf32>)  : i32 {
        %mul3A_443 = arith.constant 8 : i32
        %mul3A_444 = arith.muli %scan3A_434, %mul3A_443 : i32
        %add3A_445 = arith.constant 0 : i32
        %add3A_446 = arith.addi %mul3A_444, %add3A_445 : i32
        %get3A = arith.constant 0 : i32
        %get3A_447 = arith.constant 0 : i32
        %get3A_448 = tpu.memref_slice %arg6[%scan3A_391, %get3A, %get3A_447] : memref<4x200x64xf32, #tpu.memory_space<vmem>> -> memref<1x200x64xf32, #tpu.memory_space<vmem>>
        %get3A_449 = tpu.memref_squeeze %get3A_448 : memref<1x200x64xf32, #tpu.memory_space<vmem>> -> memref<200x64xf32, #tpu.memory_space<vmem>>
        %get3A_450 = arith.index_cast %add3A_446 : i32 to index
        %get3A_451 = arith.constant 0 : index
        %get3A_452 = tpu.vector_load %get3A_449[%get3A_450, %get3A_451] {strides = array<i32>} : memref<200x64xf32, #tpu.memory_space<vmem>>, vector<1x16xf32>,
        %get3A_453 = vector.shape_cast %get3A_452 : vector<1x16xf32> to vector<16xf32>
        %add3A_454 = arith.addf %scan3A_435, %get3A_453 : vector<16xf32>
        %get3A_455 = arith.constant 0 : i32
        %get3A_456 = arith.constant 0 : i32
        %get3A_457 = tpu.memref_slice %arg6[%scan3A_391, %get3A_455, %get3A_456] : memref<4x200x64xf32, #tpu.memory_space<vmem>> -> memref<1x200x64xf32, #tpu.memory_space<vmem>>
        %get3A_458 = tpu.memref_squeeze %get3A_457 : memref<1x200x64xf32, #tpu.memory_space<vmem>> -> memref<200x64xf32, #tpu.memory_space<vmem>>
        %get3A_459 = arith.index_cast %add3A_446 : i32 to index
        %get3A_460 = arith.constant 16 : index
        %get3A_461 = tpu.vector_load %get3A_458[%get3A_459, %get3A_460] {strides = array<i32>} : memref<200x64xf32, #tpu.memory_space<vmem>>, vector<1x16xf32>,
        %get3A_462 = vector.shape_cast %get3A_461 : vector<1x16xf32> to vector<16xf32>
        %add3A_463 = arith.addf %scan3A_436, %get3A_462 : vector<16xf32>
        %get3A_464 = arith.constant 0 : i32
        %get3A_465 = arith.constant 0 : i32
        %get3A_466 = tpu.memref_slice %arg6[%scan3A_391, %get3A_464, %get3A_465] : memref<4x200x64xf32, #tpu.memory_space<vmem>> -> memref<1x200x64xf32, #tpu.memory_space<vmem>>
        %get3A_467 = tpu.memref_squeeze %get3A_466 : memref<1x200x64xf32, #tpu.memory_space<vmem>> -> memref<200x64xf32, #tpu.memory_space<vmem>>
        %get3A_468 = arith.index_cast %add3A_446 : i32 to index
        %get3A_469 = arith.constant 32 : index
        %get3A_470 = tpu.vector_load %get3A_467[%get3A_468, %get3A_469] {strides = array<i32>} : memref<200x64xf32, #tpu.memory_space<vmem>>, vector<1x16xf32>,
        %get3A_471 = vector.shape_cast %get3A_470 : vector<1x16xf32> to vector<16xf32>
        %add3A_472 = arith.addf %scan3A_437, %get3A_471 : vector<16xf32>
        %get3A_473 = arith.constant 0 : i32
        %get3A_474 = arith.constant 0 : i32
        %get3A_475 = tpu.memref_slice %arg6[%scan3A_391, %get3A_473, %get3A_474] : memref<4x200x64xf32, #tpu.memory_space<vmem>> -> memref<1x200x64xf32, #tpu.memory_space<vmem>>
        %get3A_476 = tpu.memref_squeeze %get3A_475 : memref<1x200x64xf32, #tpu.memory_space<vmem>> -> memref<200x64xf32, #tpu.memory_space<vmem>>
        %get3A_477 = arith.index_cast %add3A_446 : i32 to index
        %get3A_478 = arith.constant 48 : index
        %get3A_479 = tpu.vector_load %get3A_476[%get3A_477, %get3A_478] {strides = array<i32>} : memref<200x64xf32, #tpu.memory_space<vmem>>, vector<1x16xf32>,
        %get3A_480 = vector.shape_cast %get3A_479 : vector<1x16xf32> to vector<16xf32>
        %add3A_481 = arith.addf %scan3A_438, %get3A_480 : vector<16xf32>
        %mul3A_482 = arith.constant 8 : i32
        %mul3A_483 = arith.muli %scan3A_434, %mul3A_482 : i32
        %add3A_484 = arith.constant 1 : i32
        %add3A_485 = arith.addi %mul3A_483, %add3A_484 : i32
        %get3A_486 = arith.constant 0 : i32
        %get3A_487 = arith.constant 0 : i32
        %get3A_488 = tpu.memref_slice %arg6[%scan3A_391, %get3A_486, %get3A_487] : memref<4x200x64xf32, #tpu.memory_space<vmem>> -> memref<1x200x64xf32, #tpu.memory_space<vmem>>
        %get3A_489 = tpu.memref_squeeze %get3A_488 : memref<1x200x64xf32, #tpu.memory_space<vmem>> -> memref<200x64xf32, #tpu.memory_space<vmem>>
        %get3A_490 = arith.index_cast %add3A_485 : i32 to index
        %get3A_491 = arith.constant 0 : index
        %get3A_492 = tpu.vector_load %get3A_489[%get3A_490, %get3A_491] {strides = array<i32>} : memref<200x64xf32, #tpu.memory_space<vmem>>, vector<1x16xf32>,
        %get3A_493 = vector.shape_cast %get3A_492 : vector<1x16xf32> to vector<16xf32>
        %add3A_494 = arith.addf %scan3A_439, %get3A_493 : vector<16xf32>
        %get3A_495 = arith.constant 0 : i32
        %get3A_496 = arith.constant 0 : i32
        %get3A_497 = tpu.memref_slice %arg6[%scan3A_391, %get3A_495, %get3A_496] : memref<4x200x64xf32, #tpu.memory_space<vmem>> -> memref<1x200x64xf32, #tpu.memory_space<vmem>>
        %get3A_498 = tpu.memref_squeeze %get3A_497 : memref<1x200x64xf32, #tpu.memory_space<vmem>> -> memref<200x64xf32, #tpu.memory_space<vmem>>
        %get3A_499 = arith.index_cast %add3A_485 : i32 to index
        %get3A_500 = arith.constant 16 : index
        %get3A_501 = tpu.vector_load %get3A_498[%get3A_499, %get3A_500] {strides = array<i32>} : memref<200x64xf32, #tpu.memory_space<vmem>>, vector<1x16xf32>,
        %get3A_502 = vector.shape_cast %get3A_501 : vector<1x16xf32> to vector<16xf32>
        %add3A_503 = arith.addf %scan3A_440, %get3A_502 : vector<16xf32>
        %get3A_504 = arith.constant 0 : i32
        %get3A_505 = arith.constant 0 : i32
        %get3A_506 = tpu.memref_slice %arg6[%scan3A_391, %get3A_504, %get3A_505] : memref<4x200x64xf32, #tpu.memory_space<vmem>> -> memref<1x200x64xf32, #tpu.memory_space<vmem>>
        %get3A_507 = tpu.memref_squeeze %get3A_506 : memref<1x200x64xf32, #tpu.memory_space<vmem>> -> memref<200x64xf32, #tpu.memory_space<vmem>>
        %get3A_508 = arith.index_cast %add3A_485 : i32 to index
        %get3A_509 = arith.constant 32 : index
        %get3A_510 = tpu.vector_load %get3A_507[%get3A_508, %get3A_509] {strides = array<i32>} : memref<200x64xf32, #tpu.memory_space<vmem>>, vector<1x16xf32>,
        %get3A_511 = vector.shape_cast %get3A_510 : vector<1x16xf32> to vector<16xf32>
        %add3A_512 = arith.addf %scan3A_441, %get3A_511 : vector<16xf32>
        %get3A_513 = arith.constant 0 : i32
        %get3A_514 = arith.constant 0 : i32
        %get3A_515 = tpu.memref_slice %arg6[%scan3A_391, %get3A_513, %get3A_514] : memref<4x200x64xf32, #tpu.memory_space<vmem>> -> memref<1x200x64xf32, #tpu.memory_space<vmem>>
        %get3A_516 = tpu.memref_squeeze %get3A_515 : memref<1x200x64xf32, #tpu.memory_space<vmem>> -> memref<200x64xf32, #tpu.memory_space<vmem>>
        %get3A_517 = arith.index_cast %add3A_485 : i32 to index
        %get3A_518 = arith.constant 48 : index
        %get3A_519 = tpu.vector_load %get3A_516[%get3A_517, %get3A_518] {strides = array<i32>} : memref<200x64xf32, #tpu.memory_space<vmem>>, vector<1x16xf32>,
        %get3A_520 = vector.shape_cast %get3A_519 : vector<1x16xf32> to vector<16xf32>
        %add3A_521 = arith.addf %scan3A_442, %get3A_520 : vector<16xf32>
        %mul3A_522 = arith.constant 8 : i32
        %mul3A_523 = arith.muli %scan3A_434, %mul3A_522 : i32
        %add3A_524 = arith.constant 2 : i32
        %add3A_525 = arith.addi %mul3A_523, %add3A_524 : i32
        %get3A_526 = arith.constant 0 : i32
        %get3A_527 = arith.constant 0 : i32
        %get3A_528 = tpu.memref_slice %arg6[%scan3A_391, %get3A_526, %get3A_527] : memref<4x200x64xf32, #tpu.memory_space<vmem>> -> memref<1x200x64xf32, #tpu.memory_space<vmem>>
        %get3A_529 = tpu.memref_squeeze %get3A_528 : memref<1x200x64xf32, #tpu.memory_space<vmem>> -> memref<200x64xf32, #tpu.memory_space<vmem>>
        %get3A_530 = arith.index_cast %add3A_525 : i32 to index
        %get3A_531 = arith.constant 0 : index
        %get3A_532 = tpu.vector_load %get3A_529[%get3A_530, %get3A_531] {strides = array<i32>} : memref<200x64xf32, #tpu.memory_space<vmem>>, vector<1x16xf32>,
        %get3A_533 = vector.shape_cast %get3A_532 : vector<1x16xf32> to vector<16xf32>
        %add3A_534 = arith.addf %add3A_454, %get3A_533 : vector<16xf32>
        %get3A_535 = arith.constant 0 : i32
        %get3A_536 = arith.constant 0 : i32
        %get3A_537 = tpu.memref_slice %arg6[%scan3A_391, %get3A_535, %get3A_536] : memref<4x200x64xf32, #tpu.memory_space<vmem>> -> memref<1x200x64xf32, #tpu.memory_space<vmem>>
        %get3A_538 = tpu.memref_squeeze %get3A_537 : memref<1x200x64xf32, #tpu.memory_space<vmem>> -> memref<200x64xf32, #tpu.memory_space<vmem>>
        %get3A_539 = arith.index_cast %add3A_525 : i32 to index
        %get3A_540 = arith.constant 16 : index
        %get3A_541 = tpu.vector_load %get3A_538[%get3A_539, %get3A_540] {strides = array<i32>} : memref<200x64xf32, #tpu.memory_space<vmem>>, vector<1x16xf32>,
        %get3A_542 = vector.shape_cast %get3A_541 : vector<1x16xf32> to vector<16xf32>
        %add3A_543 = arith.addf %add3A_463, %get3A_542 : vector<16xf32>
        %get3A_544 = arith.constant 0 : i32
        %get3A_545 = arith.constant 0 : i32
        %get3A_546 = tpu.memref_slice %arg6[%scan3A_391, %get3A_544, %get3A_545] : memref<4x200x64xf32, #tpu.memory_space<vmem>> -> memref<1x200x64xf32, #tpu.memory_space<vmem>>
        %get3A_547 = tpu.memref_squeeze %get3A_546 : memref<1x200x64xf32, #tpu.memory_space<vmem>> -> memref<200x64xf32, #tpu.memory_space<vmem>>
        %get3A_548 = arith.index_cast %add3A_525 : i32 to index
        %get3A_549 = arith.constant 32 : index
        %get3A_550 = tpu.vector_load %get3A_547[%get3A_548, %get3A_549] {strides = array<i32>} : memref<200x64xf32, #tpu.memory_space<vmem>>, vector<1x16xf32>,
        %get3A_551 = vector.shape_cast %get3A_550 : vector<1x16xf32> to vector<16xf32>
        %add3A_552 = arith.addf %add3A_472, %get3A_551 : vector<16xf32>
        %get3A_553 = arith.constant 0 : i32
        %get3A_554 = arith.constant 0 : i32
        %get3A_555 = tpu.memref_slice %arg6[%scan3A_391, %get3A_553, %get3A_554] : memref<4x200x64xf32, #tpu.memory_space<vmem>> -> memref<1x200x64xf32, #tpu.memory_space<vmem>>
        %get3A_556 = tpu.memref_squeeze %get3A_555 : memref<1x200x64xf32, #tpu.memory_space<vmem>> -> memref<200x64xf32, #tpu.memory_space<vmem>>
        %get3A_557 = arith.index_cast %add3A_525 : i32 to index
        %get3A_558 = arith.constant 48 : index
        %get3A_559 = tpu.vector_load %get3A_556[%get3A_557, %get3A_558] {strides = array<i32>} : memref<200x64xf32, #tpu.memory_space<vmem>>, vector<1x16xf32>,
        %get3A_560 = vector.shape_cast %get3A_559 : vector<1x16xf32> to vector<16xf32>
        %add3A_561 = arith.addf %add3A_481, %get3A_560 : vector<16xf32>
        %mul3A_562 = arith.constant 8 : i32
        %mul3A_563 = arith.muli %scan3A_434, %mul3A_562 : i32
        %add3A_564 = arith.constant 3 : i32
        %add3A_565 = arith.addi %mul3A_563, %add3A_564 : i32
        %get3A_566 = arith.constant 0 : i32
        %get3A_567 = arith.constant 0 : i32
        %get3A_568 = tpu.memref_slice %arg6[%scan3A_391, %get3A_566, %get3A_567] : memref<4x200x64xf32, #tpu.memory_space<vmem>> -> memref<1x200x64xf32, #tpu.memory_space<vmem>>
        %get3A_569 = tpu.memref_squeeze %get3A_568 : memref<1x200x64xf32, #tpu.memory_space<vmem>> -> memref<200x64xf32, #tpu.memory_space<vmem>>
        %get3A_570 = arith.index_cast %add3A_565 : i32 to index
        %get3A_571 = arith.constant 0 : index
        %get3A_572 = tpu.vector_load %get3A_569[%get3A_570, %get3A_571] {strides = array<i32>} : memref<200x64xf32, #tpu.memory_space<vmem>>, vector<1x16xf32>,
        %get3A_573 = vector.shape_cast %get3A_572 : vector<1x16xf32> to vector<16xf32>
        %add3A_574 = arith.addf %add3A_494, %get3A_573 : vector<16xf32>
        %get3A_575 = arith.constant 0 : i32
        %get3A_576 = arith.constant 0 : i32
        %get3A_577 = tpu.memref_slice %arg6[%scan3A_391, %get3A_575, %get3A_576] : memref<4x200x64xf32, #tpu.memory_space<vmem>> -> memref<1x200x64xf32, #tpu.memory_space<vmem>>
        %get3A_578 = tpu.memref_squeeze %get3A_577 : memref<1x200x64xf32, #tpu.memory_space<vmem>> -> memref<200x64xf32, #tpu.memory_space<vmem>>
        %get3A_579 = arith.index_cast %add3A_565 : i32 to index
        %get3A_580 = arith.constant 16 : index
        %get3A_581 = tpu.vector_load %get3A_578[%get3A_579, %get3A_580] {strides = array<i32>} : memref<200x64xf32, #tpu.memory_space<vmem>>, vector<1x16xf32>,
        %get3A_582 = vector.shape_cast %get3A_581 : vector<1x16xf32> to vector<16xf32>
        %add3A_583 = arith.addf %add3A_503, %get3A_582 : vector<16xf32>
        %get3A_584 = arith.constant 0 : i32
        %get3A_585 = arith.constant 0 : i32
        %get3A_586 = tpu.memref_slice %arg6[%scan3A_391, %get3A_584, %get3A_585] : memref<4x200x64xf32, #tpu.memory_space<vmem>> -> memref<1x200x64xf32, #tpu.memory_space<vmem>>
        %get3A_587 = tpu.memref_squeeze %get3A_586 : memref<1x200x64xf32, #tpu.memory_space<vmem>> -> memref<200x64xf32, #tpu.memory_space<vmem>>
        %get3A_588 = arith.index_cast %add3A_565 : i32 to index
        %get3A_589 = arith.constant 32 : index
        %get3A_590 = tpu.vector_load %get3A_587[%get3A_588, %get3A_589] {strides = array<i32>} : memref<200x64xf32, #tpu.memory_space<vmem>>, vector<1x16xf32>,
        %get3A_591 = vector.shape_cast %get3A_590 : vector<1x16xf32> to vector<16xf32>
        %add3A_592 = arith.addf %add3A_512, %get3A_591 : vector<16xf32>
        %get3A_593 = arith.constant 0 : i32
        %get3A_594 = arith.constant 0 : i32
        %get3A_595 = tpu.memref_slice %arg6[%scan3A_391, %get3A_593, %get3A_594] : memref<4x200x64xf32, #tpu.memory_space<vmem>> -> memref<1x200x64xf32, #tpu.memory_space<vmem>>
        %get3A_596 = tpu.memref_squeeze %get3A_595 : memref<1x200x64xf32, #tpu.memory_space<vmem>> -> memref<200x64xf32, #tpu.memory_space<vmem>>
        %get3A_597 = arith.index_cast %add3A_565 : i32 to index
        %get3A_598 = arith.constant 48 : index
        %get3A_599 = tpu.vector_load %get3A_596[%get3A_597, %get3A_598] {strides = array<i32>} : memref<200x64xf32, #tpu.memory_space<vmem>>, vector<1x16xf32>,
        %get3A_600 = vector.shape_cast %get3A_599 : vector<1x16xf32> to vector<16xf32>
        %add3A_601 = arith.addf %add3A_521, %get3A_600 : vector<16xf32>
        %mul3A_602 = arith.constant 8 : i32
        %mul3A_603 = arith.muli %scan3A_434, %mul3A_602 : i32
        %add3A_604 = arith.constant 4 : i32
        %add3A_605 = arith.addi %mul3A_603, %add3A_604 : i32
        %get3A_606 = arith.constant 0 : i32
        %get3A_607 = arith.constant 0 : i32
        %get3A_608 = tpu.memref_slice %arg6[%scan3A_391, %get3A_606, %get3A_607] : memref<4x200x64xf32, #tpu.memory_space<vmem>> -> memref<1x200x64xf32, #tpu.memory_space<vmem>>
        %get3A_609 = tpu.memref_squeeze %get3A_608 : memref<1x200x64xf32, #tpu.memory_space<vmem>> -> memref<200x64xf32, #tpu.memory_space<vmem>>
        %get3A_610 = arith.index_cast %add3A_605 : i32 to index
        %get3A_611 = arith.constant 0 : index
        %get3A_612 = tpu.vector_load %get3A_609[%get3A_610, %get3A_611] {strides = array<i32>} : memref<200x64xf32, #tpu.memory_space<vmem>>, vector<1x16xf32>,
        %get3A_613 = vector.shape_cast %get3A_612 : vector<1x16xf32> to vector<16xf32>
        %add3A_614 = arith.addf %add3A_534, %get3A_613 : vector<16xf32>
        %get3A_615 = arith.constant 0 : i32
        %get3A_616 = arith.constant 0 : i32
        %get3A_617 = tpu.memref_slice %arg6[%scan3A_391, %get3A_615, %get3A_616] : memref<4x200x64xf32, #tpu.memory_space<vmem>> -> memref<1x200x64xf32, #tpu.memory_space<vmem>>
        %get3A_618 = tpu.memref_squeeze %get3A_617 : memref<1x200x64xf32, #tpu.memory_space<vmem>> -> memref<200x64xf32, #tpu.memory_space<vmem>>
        %get3A_619 = arith.index_cast %add3A_605 : i32 to index
        %get3A_620 = arith.constant 16 : index
        %get3A_621 = tpu.vector_load %get3A_618[%get3A_619, %get3A_620] {strides = array<i32>} : memref<200x64xf32, #tpu.memory_space<vmem>>, vector<1x16xf32>,
        %get3A_622 = vector.shape_cast %get3A_621 : vector<1x16xf32> to vector<16xf32>
        %add3A_623 = arith.addf %add3A_543, %get3A_622 : vector<16xf32>
        %get3A_624 = arith.constant 0 : i32
        %get3A_625 = arith.constant 0 : i32
        %get3A_626 = tpu.memref_slice %arg6[%scan3A_391, %get3A_624, %get3A_625] : memref<4x200x64xf32, #tpu.memory_space<vmem>> -> memref<1x200x64xf32, #tpu.memory_space<vmem>>
        %get3A_627 = tpu.memref_squeeze %get3A_626 : memref<1x200x64xf32, #tpu.memory_space<vmem>> -> memref<200x64xf32, #tpu.memory_space<vmem>>
        %get3A_628 = arith.index_cast %add3A_605 : i32 to index
        %get3A_629 = arith.constant 32 : index
        %get3A_630 = tpu.vector_load %get3A_627[%get3A_628, %get3A_629] {strides = array<i32>} : memref<200x64xf32, #tpu.memory_space<vmem>>, vector<1x16xf32>,
        %get3A_631 = vector.shape_cast %get3A_630 : vector<1x16xf32> to vector<16xf32>
        %add3A_632 = arith.addf %add3A_552, %get3A_631 : vector<16xf32>
        %get3A_633 = arith.constant 0 : i32
        %get3A_634 = arith.constant 0 : i32
        %get3A_635 = tpu.memref_slice %arg6[%scan3A_391, %get3A_633, %get3A_634] : memref<4x200x64xf32, #tpu.memory_space<vmem>> -> memref<1x200x64xf32, #tpu.memory_space<vmem>>
        %get3A_636 = tpu.memref_squeeze %get3A_635 : memref<1x200x64xf32, #tpu.memory_space<vmem>> -> memref<200x64xf32, #tpu.memory_space<vmem>>
        %get3A_637 = arith.index_cast %add3A_605 : i32 to index
        %get3A_638 = arith.constant 48 : index
        %get3A_639 = tpu.vector_load %get3A_636[%get3A_637, %get3A_638] {strides = array<i32>} : memref<200x64xf32, #tpu.memory_space<vmem>>, vector<1x16xf32>,
        %get3A_640 = vector.shape_cast %get3A_639 : vector<1x16xf32> to vector<16xf32>
        %add3A_641 = arith.addf %add3A_561, %get3A_640 : vector<16xf32>
        %mul3A_642 = arith.constant 8 : i32
        %mul3A_643 = arith.muli %scan3A_434, %mul3A_642 : i32
        %add3A_644 = arith.constant 5 : i32
        %add3A_645 = arith.addi %mul3A_643, %add3A_644 : i32
        %get3A_646 = arith.constant 0 : i32
        %get3A_647 = arith.constant 0 : i32
        %get3A_648 = tpu.memref_slice %arg6[%scan3A_391, %get3A_646, %get3A_647] : memref<4x200x64xf32, #tpu.memory_space<vmem>> -> memref<1x200x64xf32, #tpu.memory_space<vmem>>
        %get3A_649 = tpu.memref_squeeze %get3A_648 : memref<1x200x64xf32, #tpu.memory_space<vmem>> -> memref<200x64xf32, #tpu.memory_space<vmem>>
        %get3A_650 = arith.index_cast %add3A_645 : i32 to index
        %get3A_651 = arith.constant 0 : index
        %get3A_652 = tpu.vector_load %get3A_649[%get3A_650, %get3A_651] {strides = array<i32>} : memref<200x64xf32, #tpu.memory_space<vmem>>, vector<1x16xf32>,
        %get3A_653 = vector.shape_cast %get3A_652 : vector<1x16xf32> to vector<16xf32>
        %add3A_654 = arith.addf %add3A_574, %get3A_653 : vector<16xf32>
        %get3A_655 = arith.constant 0 : i32
        %get3A_656 = arith.constant 0 : i32
        %get3A_657 = tpu.memref_slice %arg6[%scan3A_391, %get3A_655, %get3A_656] : memref<4x200x64xf32, #tpu.memory_space<vmem>> -> memref<1x200x64xf32, #tpu.memory_space<vmem>>
        %get3A_658 = tpu.memref_squeeze %get3A_657 : memref<1x200x64xf32, #tpu.memory_space<vmem>> -> memref<200x64xf32, #tpu.memory_space<vmem>>
        %get3A_659 = arith.index_cast %add3A_645 : i32 to index
        %get3A_660 = arith.constant 16 : index
        %get3A_661 = tpu.vector_load %get3A_658[%get3A_659, %get3A_660] {strides = array<i32>} : memref<200x64xf32, #tpu.memory_space<vmem>>, vector<1x16xf32>,
        %get3A_662 = vector.shape_cast %get3A_661 : vector<1x16xf32> to vector<16xf32>
        %add3A_663 = arith.addf %add3A_583, %get3A_662 : vector<16xf32>
        %get3A_664 = arith.constant 0 : i32
        %get3A_665 = arith.constant 0 : i32
        %get3A_666 = tpu.memref_slice %arg6[%scan3A_391, %get3A_664, %get3A_665] : memref<4x200x64xf32, #tpu.memory_space<vmem>> -> memref<1x200x64xf32, #tpu.memory_space<vmem>>
        %get3A_667 = tpu.memref_squeeze %get3A_666 : memref<1x200x64xf32, #tpu.memory_space<vmem>> -> memref<200x64xf32, #tpu.memory_space<vmem>>
        %get3A_668 = arith.index_cast %add3A_645 : i32 to index
        %get3A_669 = arith.constant 32 : index
        %get3A_670 = tpu.vector_load %get3A_667[%get3A_668, %get3A_669] {strides = array<i32>} : memref<200x64xf32, #tpu.memory_space<vmem>>, vector<1x16xf32>,
        %get3A_671 = vector.shape_cast %get3A_670 : vector<1x16xf32> to vector<16xf32>
        %add3A_672 = arith.addf %add3A_592, %get3A_671 : vector<16xf32>
        %get3A_673 = arith.constant 0 : i32
        %get3A_674 = arith.constant 0 : i32
        %get3A_675 = tpu.memref_slice %arg6[%scan3A_391, %get3A_673, %get3A_674] : memref<4x200x64xf32, #tpu.memory_space<vmem>> -> memref<1x200x64xf32, #tpu.memory_space<vmem>>
        %get3A_676 = tpu.memref_squeeze %get3A_675 : memref<1x200x64xf32, #tpu.memory_space<vmem>> -> memref<200x64xf32, #tpu.memory_space<vmem>>
        %get3A_677 = arith.index_cast %add3A_645 : i32 to index
        %get3A_678 = arith.constant 48 : index
        %get3A_679 = tpu.vector_load %get3A_676[%get3A_677, %get3A_678] {strides = array<i32>} : memref<200x64xf32, #tpu.memory_space<vmem>>, vector<1x16xf32>,
        %get3A_680 = vector.shape_cast %get3A_679 : vector<1x16xf32> to vector<16xf32>
        %add3A_681 = arith.addf %add3A_601, %get3A_680 : vector<16xf32>
        %mul3A_682 = arith.constant 8 : i32
        %mul3A_683 = arith.muli %scan3A_434, %mul3A_682 : i32
        %add3A_684 = arith.constant 6 : i32
        %add3A_685 = arith.addi %mul3A_683, %add3A_684 : i32
        %get3A_686 = arith.constant 0 : i32
        %get3A_687 = arith.constant 0 : i32
        %get3A_688 = tpu.memref_slice %arg6[%scan3A_391, %get3A_686, %get3A_687] : memref<4x200x64xf32, #tpu.memory_space<vmem>> -> memref<1x200x64xf32, #tpu.memory_space<vmem>>
        %get3A_689 = tpu.memref_squeeze %get3A_688 : memref<1x200x64xf32, #tpu.memory_space<vmem>> -> memref<200x64xf32, #tpu.memory_space<vmem>>
        %get3A_690 = arith.index_cast %add3A_685 : i32 to index
        %get3A_691 = arith.constant 0 : index
        %get3A_692 = tpu.vector_load %get3A_689[%get3A_690, %get3A_691] {strides = array<i32>} : memref<200x64xf32, #tpu.memory_space<vmem>>, vector<1x16xf32>,
        %get3A_693 = vector.shape_cast %get3A_692 : vector<1x16xf32> to vector<16xf32>
        %add3A_694 = arith.addf %add3A_614, %get3A_693 : vector<16xf32>
        %get3A_695 = arith.constant 0 : i32
        %get3A_696 = arith.constant 0 : i32
        %get3A_697 = tpu.memref_slice %arg6[%scan3A_391, %get3A_695, %get3A_696] : memref<4x200x64xf32, #tpu.memory_space<vmem>> -> memref<1x200x64xf32, #tpu.memory_space<vmem>>
        %get3A_698 = tpu.memref_squeeze %get3A_697 : memref<1x200x64xf32, #tpu.memory_space<vmem>> -> memref<200x64xf32, #tpu.memory_space<vmem>>
        %get3A_699 = arith.index_cast %add3A_685 : i32 to index
        %get3A_700 = arith.constant 16 : index
        %get3A_701 = tpu.vector_load %get3A_698[%get3A_699, %get3A_700] {strides = array<i32>} : memref<200x64xf32, #tpu.memory_space<vmem>>, vector<1x16xf32>,
        %get3A_702 = vector.shape_cast %get3A_701 : vector<1x16xf32> to vector<16xf32>
        %add3A_703 = arith.addf %add3A_623, %get3A_702 : vector<16xf32>
        %get3A_704 = arith.constant 0 : i32
        %get3A_705 = arith.constant 0 : i32
        %get3A_706 = tpu.memref_slice %arg6[%scan3A_391, %get3A_704, %get3A_705] : memref<4x200x64xf32, #tpu.memory_space<vmem>> -> memref<1x200x64xf32, #tpu.memory_space<vmem>>
        %get3A_707 = tpu.memref_squeeze %get3A_706 : memref<1x200x64xf32, #tpu.memory_space<vmem>> -> memref<200x64xf32, #tpu.memory_space<vmem>>
        %get3A_708 = arith.index_cast %add3A_685 : i32 to index
        %get3A_709 = arith.constant 32 : index
        %get3A_710 = tpu.vector_load %get3A_707[%get3A_708, %get3A_709] {strides = array<i32>} : memref<200x64xf32, #tpu.memory_space<vmem>>, vector<1x16xf32>,
        %get3A_711 = vector.shape_cast %get3A_710 : vector<1x16xf32> to vector<16xf32>
        %add3A_712 = arith.addf %add3A_632, %get3A_711 : vector<16xf32>
        %get3A_713 = arith.constant 0 : i32
        %get3A_714 = arith.constant 0 : i32
        %get3A_715 = tpu.memref_slice %arg6[%scan3A_391, %get3A_713, %get3A_714] : memref<4x200x64xf32, #tpu.memory_space<vmem>> -> memref<1x200x64xf32, #tpu.memory_space<vmem>>
        %get3A_716 = tpu.memref_squeeze %get3A_715 : memref<1x200x64xf32, #tpu.memory_space<vmem>> -> memref<200x64xf32, #tpu.memory_space<vmem>>
        %get3A_717 = arith.index_cast %add3A_685 : i32 to index
        %get3A_718 = arith.constant 48 : index
        %get3A_719 = tpu.vector_load %get3A_716[%get3A_717, %get3A_718] {strides = array<i32>} : memref<200x64xf32, #tpu.memory_space<vmem>>, vector<1x16xf32>,
        %get3A_720 = vector.shape_cast %get3A_719 : vector<1x16xf32> to vector<16xf32>
        %add3A_721 = arith.addf %add3A_641, %get3A_720 : vector<16xf32>
        %mul3A_722 = arith.constant 8 : i32
        %mul3A_723 = arith.muli %scan3A_434, %mul3A_722 : i32
        %add3A_724 = arith.constant 7 : i32
        %add3A_725 = arith.addi %mul3A_723, %add3A_724 : i32
        %get3A_726 = arith.constant 0 : i32
        %get3A_727 = arith.constant 0 : i32
        %get3A_728 = tpu.memref_slice %arg6[%scan3A_391, %get3A_726, %get3A_727] : memref<4x200x64xf32, #tpu.memory_space<vmem>> -> memref<1x200x64xf32, #tpu.memory_space<vmem>>
        %get3A_729 = tpu.memref_squeeze %get3A_728 : memref<1x200x64xf32, #tpu.memory_space<vmem>> -> memref<200x64xf32, #tpu.memory_space<vmem>>
        %get3A_730 = arith.index_cast %add3A_725 : i32 to index
        %get3A_731 = arith.constant 0 : index
        %get3A_732 = tpu.vector_load %get3A_729[%get3A_730, %get3A_731] {strides = array<i32>} : memref<200x64xf32, #tpu.memory_space<vmem>>, vector<1x16xf32>,
        %get3A_733 = vector.shape_cast %get3A_732 : vector<1x16xf32> to vector<16xf32>
        %add3A_734 = arith.addf %add3A_654, %get3A_733 : vector<16xf32>
        %get3A_735 = arith.constant 0 : i32
        %get3A_736 = arith.constant 0 : i32
        %get3A_737 = tpu.memref_slice %arg6[%scan3A_391, %get3A_735, %get3A_736] : memref<4x200x64xf32, #tpu.memory_space<vmem>> -> memref<1x200x64xf32, #tpu.memory_space<vmem>>
        %get3A_738 = tpu.memref_squeeze %get3A_737 : memref<1x200x64xf32, #tpu.memory_space<vmem>> -> memref<200x64xf32, #tpu.memory_space<vmem>>
        %get3A_739 = arith.index_cast %add3A_725 : i32 to index
        %get3A_740 = arith.constant 16 : index
        %get3A_741 = tpu.vector_load %get3A_738[%get3A_739, %get3A_740] {strides = array<i32>} : memref<200x64xf32, #tpu.memory_space<vmem>>, vector<1x16xf32>,
        %get3A_742 = vector.shape_cast %get3A_741 : vector<1x16xf32> to vector<16xf32>
        %add3A_743 = arith.addf %add3A_663, %get3A_742 : vector<16xf32>
        %get3A_744 = arith.constant 0 : i32
        %get3A_745 = arith.constant 0 : i32
        %get3A_746 = tpu.memref_slice %arg6[%scan3A_391, %get3A_744, %get3A_745] : memref<4x200x64xf32, #tpu.memory_space<vmem>> -> memref<1x200x64xf32, #tpu.memory_space<vmem>>
        %get3A_747 = tpu.memref_squeeze %get3A_746 : memref<1x200x64xf32, #tpu.memory_space<vmem>> -> memref<200x64xf32, #tpu.memory_space<vmem>>
        %get3A_748 = arith.index_cast %add3A_725 : i32 to index
        %get3A_749 = arith.constant 32 : index
        %get3A_750 = tpu.vector_load %get3A_747[%get3A_748, %get3A_749] {strides = array<i32>} : memref<200x64xf32, #tpu.memory_space<vmem>>, vector<1x16xf32>,
        %get3A_751 = vector.shape_cast %get3A_750 : vector<1x16xf32> to vector<16xf32>
        %add3A_752 = arith.addf %add3A_672, %get3A_751 : vector<16xf32>
        %get3A_753 = arith.constant 0 : i32
        %get3A_754 = arith.constant 0 : i32
        %get3A_755 = tpu.memref_slice %arg6[%scan3A_391, %get3A_753, %get3A_754] : memref<4x200x64xf32, #tpu.memory_space<vmem>> -> memref<1x200x64xf32, #tpu.memory_space<vmem>>
        %get3A_756 = tpu.memref_squeeze %get3A_755 : memref<1x200x64xf32, #tpu.memory_space<vmem>> -> memref<200x64xf32, #tpu.memory_space<vmem>>
        %get3A_757 = arith.index_cast %add3A_725 : i32 to index
        %get3A_758 = arith.constant 48 : index
        %get3A_759 = tpu.vector_load %get3A_756[%get3A_757, %get3A_758] {strides = array<i32>} : memref<200x64xf32, #tpu.memory_space<vmem>>, vector<1x16xf32>,
        %get3A_760 = vector.shape_cast %get3A_759 : vector<1x16xf32> to vector<16xf32>
        %add3A_761 = arith.addf %add3A_681, %get3A_760 : vector<16xf32>
        scf.yield %add3A_694, %add3A_703, %add3A_712, %add3A_721, %add3A_734, %add3A_743, %add3A_752, %add3A_761 : vector<16xf32>, vector<16xf32>, vector<16xf32>, vector<16xf32>, vector<16xf32>, vector<16xf32>, vector<16xf32>, vector<16xf32>
      }
      %scan3A_397 = arith.constant 25 : i32
      %add3A_398 = arith.addf %scan3A_396#0, %scan3A_396#4 : vector<16xf32>
      %mul3A_399 = arith.constant 5.000000e-03 : f32
      %mul3A_400 = vector.broadcast %mul3A_399 : f32 to vector<16xf32>
      %mul3A_401 = arith.mulf %add3A_398, %mul3A_400 : vector<16xf32>
      %swap3A_402 = arith.index_cast %add3A_365 : i32 to index
      %swap3A_403 = arith.constant 0 : index
      %swap3A_404 = tpu.vector_load %arg7[%swap3A_402, %swap3A_403] {strides = array<i32>} : memref<128x64xf32, #tpu.memory_space<vmem>>, vector<1x16xf32>,
      %swap3A_405 = vector.shape_cast %swap3A_404 : vector<1x16xf32> to vector<16xf32>
      %swap3A_406 = vector.shape_cast %mul3A_401 : vector<16xf32> to vector<1x16xf32>
      tpu.vector_store %arg7[%swap3A_402, %swap3A_403], %swap3A_406 {strides = array<i32>} : memref<128x64xf32, #tpu.memory_space<vmem>>, vector<1x16xf32>,
      %add3A_407 = arith.addf %scan3A_396#1, %scan3A_396#5 : vector<16xf32>
      %mul3A_408 = arith.constant 5.000000e-03 : f32
      %mul3A_409 = vector.broadcast %mul3A_408 : f32 to vector<16xf32>
      %mul3A_410 = arith.mulf %add3A_407, %mul3A_409 : vector<16xf32>
      %swap3A_411 = arith.index_cast %add3A_365 : i32 to index
      %swap3A_412 = arith.constant 16 : index
      %swap3A_413 = tpu.vector_load %arg7[%swap3A_411, %swap3A_412] {strides = array<i32>} : memref<128x64xf32, #tpu.memory_space<vmem>>, vector<1x16xf32>,
      %swap3A_414 = vector.shape_cast %swap3A_413 : vector<1x16xf32> to vector<16xf32>
      %swap3A_415 = vector.shape_cast %mul3A_410 : vector<16xf32> to vector<1x16xf32>
      tpu.vector_store %arg7[%swap3A_411, %swap3A_412], %swap3A_415 {strides = array<i32>} : memref<128x64xf32, #tpu.memory_space<vmem>>, vector<1x16xf32>,
      %add3A_416 = arith.addf %scan3A_396#2, %scan3A_396#6 : vector<16xf32>
      %mul3A_417 = arith.constant 5.000000e-03 : f32
      %mul3A_418 = vector.broadcast %mul3A_417 : f32 to vector<16xf32>
      %mul3A_419 = arith.mulf %add3A_416, %mul3A_418 : vector<16xf32>
      %swap3A_420 = arith.index_cast %add3A_365 : i32 to index
      %swap3A_421 = arith.constant 32 : index
      %swap3A_422 = tpu.vector_load %arg7[%swap3A_420, %swap3A_421] {strides = array<i32>} : memref<128x64xf32, #tpu.memory_space<vmem>>, vector<1x16xf32>,
      %swap3A_423 = vector.shape_cast %swap3A_422 : vector<1x16xf32> to vector<16xf32>
      %swap3A_424 = vector.shape_cast %mul3A_419 : vector<16xf32> to vector<1x16xf32>
      tpu.vector_store %arg7[%swap3A_420, %swap3A_421], %swap3A_424 {strides = array<i32>} : memref<128x64xf32, #tpu.memory_space<vmem>>, vector<1x16xf32>,
      %add3A_425 = arith.addf %scan3A_396#3, %scan3A_396#7 : vector<16xf32>
      %mul3A_426 = arith.constant 5.000000e-03 : f32
      %mul3A_427 = vector.broadcast %mul3A_426 : f32 to vector<16xf32>
      %mul3A_428 = arith.mulf %add3A_425, %mul3A_427 : vector<16xf32>
      %swap3A_429 = arith.index_cast %add3A_365 : i32 to index
      %swap3A_430 = arith.constant 48 : index
      %swap3A_431 = tpu.vector_load %arg7[%swap3A_429, %swap3A_430] {strides = array<i32>} : memref<128x64xf32, #tpu.memory_space<vmem>>, vector<1x16xf32>,
      %swap3A_432 = vector.shape_cast %swap3A_431 : vector<1x16xf32> to vector<16xf32>
      %swap3A_433 = vector.shape_cast %mul3A_428 : vector<16xf32> to vector<1x16xf32>
      tpu.vector_store %arg7[%swap3A_429, %swap3A_430], %swap3A_433 {strides = array<i32>} : memref<128x64xf32, #tpu.memory_space<vmem>>, vector<1x16xf32>,
    }
    %scan3A_150 = arith.constant 32 : i32
    "tpu.region"() ({
      %run_scoped3A = tpu.sem_alloc : memref<!tpu.dma_semaphore, #tpu.memory_space<semaphore_mem>>
      %dma_start3A_151 = arith.constant 0 : i32
      %dma_start3A_152 = tpu.memref_slice %arg4[%mul3A_2, %dma_start3A_151] : memref<4096x64xf32, #tpu.memory_space<hbm>> -> memref<128x64xf32, #tpu.memory_space<hbm>>
      %dma_start3A_153 = arith.constant 0 : i32
      %dma_start3A_154 = tpu.memref_slice %arg4[%mul3A_2, %dma_start3A_153] : memref<4096x64xf32, #tpu.memory_space<hbm>> -> memref<128x64xf32, #tpu.memory_space<hbm>>
      tpu.enqueue_dma source(%arg7 : memref<128x64xf32, #tpu.memory_space<vmem>>) target(%dma_start3A_154 : memref<128x64xf32, #tpu.memory_space<hbm>>) target_semaphore(%run_scoped3A : memref<!tpu.dma_semaphore, #tpu.memory_space<semaphore_mem>>)
      %dma_wait3A = arith.constant 0 : i32
      %dma_wait3A_155 = tpu.memref_slice %arg4[%mul3A_2, %dma_wait3A] : memref<4096x64xf32, #tpu.memory_space<hbm>> -> memref<128x64xf32, #tpu.memory_space<hbm>>
      %dma_wait3A_156 = arith.constant 0 : i32
      %dma_wait3A_157 = tpu.memref_slice %arg4[%mul3A_2, %dma_wait3A_156] : memref<4096x64xf32, #tpu.memory_space<hbm>> -> memref<128x64xf32, #tpu.memory_space<hbm>>
      tpu.wait_dma2 semaphore(%run_scoped3A : memref<!tpu.dma_semaphore, #tpu.memory_space<semaphore_mem>>) src(%arg7 : memref<128x64xf32, #tpu.memory_space<vmem>>) dst(%dma_wait3A_157 : memref<128x64xf32, #tpu.memory_space<hbm>>)
      tpu.yield
    }) : () -> ()
    return
  }
}

module attributes {stable_mosaic.version = 14 : i64} {
  func.func @_fc_body(%arg0: i32, %arg1: memref<512x64xf32, #tpu.memory_space<vmem>>, %arg2: memref<64x128xf32, #tpu.memory_space<vmem>>, %arg3: memref<8x128xf32, #tpu.memory_space<vmem>>, %arg4: memref<512x128xf32, #tpu.memory_space<vmem>>) attributes {dimension_semantics = [#tpu.dimension_semantics<arbitrary>], iteration_bounds = array<i64: 8>, scalar_prefetch = 0 : i64, scratch_operands = 0 : i64, tpu.core_type = #tpu.core_type<tc>, window_params = [{transform_indices = @transform_0, window_bounds = array<i64: 512, 64>}, {pipeline_mode = #tpu.pipeline_mode<synchronous>, transform_indices = @transform_1, window_bounds = array<i64: 64, 128>}, {pipeline_mode = #tpu.pipeline_mode<synchronous>, transform_indices = @transform_2, window_bounds = array<i64: 8, 128>}, {transform_indices = @transform_3, window_bounds = array<i64: 512, 128>}]} {
    %get3A = arith.constant 0 : index
    %get3A_0 = arith.constant 0 : index
    %get3A_1 = vector.load %arg1[%get3A, %get3A_0] : memref<512x64xf32, #tpu.memory_space<vmem>>, vector<512x64xf32>
    %get3A_2 = arith.constant 0 : index
    %get3A_3 = arith.constant 0 : index
    %get3A_4 = vector.load %arg2[%get3A_2, %get3A_3] : memref<64x128xf32, #tpu.memory_space<vmem>>, vector<64x128xf32>
    %dot_general3A = arith.constant dense<0.000000e+00> : vector<512x128xf32>
    %dot_general3A_5 = tpu.matmul %get3A_1, %get3A_4, %dot_general3A {dimension_numbers = #tpu.dot_dimension_numbers<[1], [0], [0], [1], [0, 0, 1, 1], [], []>, transpose_lhs_hint = false} : vector<512x64xf32>, vector<64x128xf32>, vector<512x128xf32> -> vector<512x128xf32>
    %get3A_6 = arith.constant 0 : index
    %get3A_7 = arith.constant 0 : index
    %get3A_8 = vector.load %arg3[%get3A_6, %get3A_7] : memref<8x128xf32, #tpu.memory_space<vmem>>, vector<1x128xf32>
    %add3A = vector.broadcast %get3A_8 : vector<1x128xf32> to vector<512x128xf32>
    %add3A_9 = arith.addf %dot_general3A_5, %add3A : vector<512x128xf32>
    %swap3A = arith.constant 0 : index
    %swap3A_10 = arith.constant 0 : index
    %swap3A_11 = vector.load %arg4[%swap3A, %swap3A_10] : memref<512x128xf32, #tpu.memory_space<vmem>>, vector<512x128xf32>
    tpu.vector_store %arg4[%swap3A, %swap3A_10], %add3A_9 {strides = array<i32>} : memref<512x128xf32, #tpu.memory_space<vmem>>, vector<512x128xf32>,
    return
  }
  func.func @transform_0(%arg0: i32) -> (i32, i32) {
    %c0_i32 = arith.constant 0 : i32
    %c0_i32_0 = arith.constant 0 : i32
    return %arg0, %c0_i32 : i32, i32
  }
  func.func @transform_1(%arg0: i32) -> (i32, i32) {
    %c0_i32 = arith.constant 0 : i32
    %c0_i32_0 = arith.constant 0 : i32
    %c0_i32_1 = arith.constant 0 : i32
    return %c0_i32, %c0_i32_0 : i32, i32
  }
  func.func @transform_2(%arg0: i32) -> (i32, i32) {
    %c0_i32 = arith.constant 0 : i32
    %c0_i32_0 = arith.constant 0 : i32
    %c0_i32_1 = arith.constant 0 : i32
    return %c0_i32, %c0_i32_0 : i32, i32
  }
  func.func @transform_3(%arg0: i32) -> (i32, i32) {
    %c0_i32 = arith.constant 0 : i32
    %c0_i32_0 = arith.constant 0 : i32
    return %arg0, %c0_i32 : i32, i32
  }
}

</mosaic_0001>

<sc_bundles>
// kernel: kernel.4.cloned.1.call-start
scs
__scs_entry_jumppad:
0x0: {  	(pc) =	sbr.rel $0x88, $3  }
0x1: {  	(tag) =	ssettag $0x0;
	lr =	simm.s32 $0x1  }
0x2: {  	[smem:$0x3F9D] =	sst lr;
	_ =	strace $0xD0000000  }
0x3: {  	_ = 	snop  }
0x4: {  	_ = 	snop  }
0x5: {  	_ = 	snop  }
0x6: {  	_ = 	snop  }
0x7: {  	_ = 	snop  }
__scs_overlays_trampoline_lowered:
0x8: {  	[smem:$0x3FAC] =	sst s0  }
0x9: {  	[smem:$0x3FAD] =	sst s1  }
0xa: {  	[smem:$0x3FAE] =	sst s2  }
0xb: {  	[smem:$0x3FAF] =	sst s3  }
0xc: {  	[smem:$0x3FB0] =	sst s4  }
0xd: {  	[smem:$0x3FB1] =	sst s5  }
0xe: {  	[smem:$0x3FB2] =	sst s6  }
0xf: {  	[smem:$0x3FB3] =	sst s7  }
0x10: {  	[smem:$0x3FB4] =	sst s8  }
0x11: {  	[smem:$0x3FB5] =	sst s9;
	s0 =	simm.s32 @!p0 $0x0  }
0x12: {  	s1 =	sld [smem:$0x3F9B];
	s0 =	simm.s32 @p0 $0x1  }
0x13: {  	[smem:$0x3FB6] =	sst s0;
	s0 =	simm.s32 @!p1 $0x0  }
0x14: {  	s2 =	sld [smem:$0x3F9A];
	s0 =	simm.s32 @p1 $0x1  }
0x15: {  	[smem:$0x3FB7] =	sst s0;
	s0 =	simm.s32 @!p2 $0x0  }
0x16: {  	s3 =	sld [smem:$0x3FDB];
	s0 =	simm.s32 @p2 $0x1  }
0x17: {  	s4 =	simm.s32 $0x1BF5;
	[smem:$0x3FB9] =	sst s0  }
0x18: {  	s0 =	sld [smem:$0x3F9C];
	_ =	swait.ge [sflag:s4], $0x0  }
0x19: {  	s7 =	sld [smem:$0x3F9D]  }
0x1a: {  	s8 =	sadd.s32 $0xFFFFE003, lr  }
0x1b: {  	s9 =	sadd.s32 $0xFFFFFEF7, lr;
	s5 =	simm.s32 $0xFFFFFFFF;
	p2 =	slt.u32 s8, $0xFFFFF086  }
0x1c: {  	p1 =	slt.u32 s9, $0xF7A;
	s5 =	simm.s32 @!p2 $0x0  }
0x1d: {  	s5 =	simm.s32 @p1 $0x1;
	p0 =	seq.s32 s7, s2  }
0x1e: {  	s7 =	smul.u32 @!p0 $0xF7A, s2;
	p2 =	seq.s32 @!p0 s5, $0x0  }
0x1f: {  	s9 =	smul.u32 $0xF7A, s1;
	s8 =	simm.s32 @!p0 $0x1BF5;
	p2 =	por !p2, p0  }
0x20: {  	[sflag:s8] =	ssyncset.s32 @!p0 $0xFFFFF086;
	s6 =	sadd.s32 @!p0 s3, s7;
	s7 =	simm.s32 @!p0 $0x108  }
0x21: {  	s3 =	sadd.s32 s3, s9;
	s6 =	sadd.s32 @!p0 $0x88, s6;
	s7 =	simm.s32 @p2 $0x1082  }
0x22: {  	[simem:s7], [sflag:s8] =	dma.local @!p0 [hbm:s6], $0xF7A  }
0x23: {  	s9 =	sor.u32 $0xD0000000, s2;
	s6 =	simm.s32 $0x108;
	_ =	swait.ge @!p0 [sflag:s8], $0x0  }
0x24: {  	s3 =	sadd.s32 $0x88, s3;
	s6 =	simm.s32 @!p1 $0x1082;
	[sflag:s4] =	ssyncset.s32 $0xFFFFF086  }
0x25: {  	[simem:s6], [sflag:s4] =	dma.local [hbm:s3], $0xF7A  }
0x26: {  	[smem:$0x3F9D] =	sst s1;
	(tag) =	ssettag s2;
	_ =	strace s9  }
0x27: {  	s1 =	sld [smem:$0x3FAD]  }
0x28: {  	s2 =	sld [smem:$0x3FAE]  }
0x29: {  	s4 =	sld [smem:$0x3FB0]  }
0x2a: {  	p0 =	seq.s32 s5, $0x0;
	s5 =	sld [smem:$0x3FB1]  }
0x2b: {  	s6 =	sld [smem:$0x3FB2]  }
0x2c: {  	s7 =	sld [smem:$0x3FB3]  }
0x2d: {  	s3 =	simm.s32 $0x108;
	s8 =	sld [smem:$0x3FB4]  }
0x2e: {  	s3 =	simm.s32 @!p0 $0x1082;
	s9 =	sld [smem:$0x3FB5]  }
0x2f: {  	lr =	sadd.s32 s0, s3;
	s0 =	sld [smem:$0x3FAC]  }
0x30: {  	s3 =	sld [smem:$0x3FAF]  }
0x31: {  	[smem:$0x3FB8] =	sst s10  }
0x32: {  	s10 =	sld [smem:$0x3FB6];
	_ =	sdelay $0x3  }
0x33: {  	p0 =	seq.s32 s10, $0x1;
	s10 =	sld [smem:$0x3FB8];
	_ =	sdelay $0x3  }
0x34: {  	[smem:$0x3FB8] =	sst s10  }
0x35: {  	s10 =	sld [smem:$0x3FB7];
	_ =	sdelay $0x3  }
0x36: {  	p1 =	seq.s32 s10, $0x1;
	s10 =	sld [smem:$0x3FB8];
	_ =	sdelay $0x3  }
0x37: {  	[smem:$0x3FB8] =	sst s10  }
0x38: {  	s10 =	sld [smem:$0x3FB9]  }
0x39: {  	_ = 	snop;
	(pc) =	sbr.ind lr, $3  }
0x3a: {  	_ = 	snop  }
0x3b: {  	_ = 	snop  }
0x3c: {  	p2 =	seq.s32 s10, $0x1;
	s10 =	sld [smem:$0x3FB8]  }
0x3d: {  	_ =	shalt  }
0x3e: {  	_ =	shalt  }
0x3f: {  	_ =	shalt  }
0x40: {  	_ =	shalt  }
0x41: {  	_ =	shalt  }
0x42: {  	_ =	shalt  }
0x43: {  	_ =	shalt  }
0x44: {  	_ =	shalt  }
0x45: {  	_ =	shalt  }
0x46: {  	_ =	shalt  }
0x47: {  	_ =	shalt  }
0x48: {  	_ =	shalt  }
0x49: {  	_ =	shalt  }
0x4a: {  	_ =	shalt  }
0x4b: {  	_ =	shalt  }
0x4c: {  	_ =	shalt  }
0x4d: {  	_ =	shalt  }
0x4e: {  	_ =	shalt  }
0x4f: {  	_ =	shalt  }
0x50: {  	_ =	shalt  }
0x51: {  	_ =	shalt  }
0x52: {  	_ =	shalt  }
0x53: {  	_ =	shalt  }
0x54: {  	_ =	shalt  }
0x55: {  	_ =	shalt  }
0x56: {  	_ =	shalt  }
0x57: {  	_ =	shalt  }
0x58: {  	_ =	shalt  }
0x59: {  	_ =	shalt  }
0x5a: {  	_ =	shalt  }
0x5b: {  	_ =	shalt  }
0x5c: {  	_ =	shalt  }
0x5d: {  	_ =	shalt  }
0x5e: {  	_ =	shalt  }
0x5f: {  	_ =	shalt  }
0x60: {  	_ =	shalt  }
0x61: {  	_ =	shalt  }
0x62: {  	_ =	shalt  }
0x63: {  	_ =	shalt  }
0x64: {  	_ =	shalt  }
0x65: {  	_ =	shalt  }
0x66: {  	_ =	shalt  }
0x67: {  	_ =	shalt  }
0x68: {  	_ =	shalt  }
0x69: {  	_ =	shalt  }
0x6a: {  	_ =	shalt  }
0x6b: {  	_ =	shalt  }
0x6c: {  	_ =	shalt  }
0x6d: {  	_ =	shalt  }
0x6e: {  	_ =	shalt  }
0x6f: {  	_ =	shalt  }
0x70: {  	_ =	shalt  }
0x71: {  	_ =	shalt  }
0x72: {  	_ =	shalt  }
0x73: {  	_ =	shalt  }
0x74: {  	_ =	shalt  }
0x75: {  	_ =	shalt  }
0x76: {  	_ =	shalt  }
0x77: {  	_ =	shalt  }
0x78: {  	_ =	shalt  }
0x79: {  	_ =	shalt  }
0x7a: {  	_ =	shalt  }
0x7b: {  	_ =	shalt  }
0x7c: {  	_ =	shalt  }
0x7d: {  	_ =	shalt  }
0x7e: {  	_ =	shalt  }
0x7f: {  	_ =	shalt  }
0x80: {  	_ =	shalt  }
0x81: {  	_ =	shalt  }
0x82: {  	_ =	shalt  }
0x83: {  	_ =	shalt  }
0x84: {  	_ =	shalt  }
0x85: {  	_ =	shalt  }
0x86: {  	_ =	shalt  }
0x87: {  	_ =	shalt  }
.Lfunc_end0:
.L_simem_size_0:
called_computation_lowered:
.L_overlay_start_0:
0x88: {  	s2 =	sld [smem:$0x3FD9]  }
0x89: {  	s3 =	sld [smem:$0x3FFE];
	_ =	sdelay $0x1  }
0x8a: {  	s1 =	srdreg.scid  }
0x8b: {  	s0 =	sand.u32 $0x1, s1  }
0x8c: {  	s17 =	sshll.u32 s0, $0xA;
	s2 =	sadd.s32 s3, s2  }
0x8d: {  	s2 =	sadd.s32 s2, s17  }
0x8e: {  	[smem:$0x3FC4] =	sst s2  }
0x8f: {  	_ = 	snop  }
0x90: {  	s2 =	sld [smem:$0x3FD0];
	(tm) =	ssettm $0x1  }
0x91: {  	s18 =	sld [smem:$0x3FFB];
	_ =	sdelay $0x3  }
0x92: {  	_ =	strace s18  }
0x93: {  	s3 =	sld [smem:$0x3FFC];
	_ =	sdelay $0x3  }
0x94: {  	_ =	strace s3  }
0x95: {  	s3 =	sld [smem:$0x3FFD];
	_ =	sdelay $0x3  }
0x96: {  	_ =	strace s3  }
0x97: {  	_ =	strace $0x8FFFFFFF  }
0x98: {  	s19 =	sld [smem:$0x3FDB];
	_ =	sdelay $0x1  }
0x99: {  	s4 =	simm.s32 $_scs_section_size  }
0x9a: {  	s5 =	simm.s32 $_size__tile_overlayer_lowered;
	s6 =	simm.s32 $_tile_overlayer_lowered  }
0x9b: {  	s22 =	simm.s32 $0x1BFF;
	s21 =	sshll.u32 s6, $0x1;
	s3 =	sadd.s32 s4, s19  }
0x9c: {  	s7 =	simm.s32 $0x0;
	s20 =	sshll.u32 s5, $0x1;
	s5 =	sadd.s32 s21, s3  }
0x9d: {  	[timem:s7], [sflag:s22] =	dma.local [hbm:s5], s20  }
0x9e: {  	_ =	swait.ge [sflag:s22], s20  }
0x9f: {  	s4 =	ssub.s32 $0x0, s20;
	[sflag:s22] =	ssyncset.done $0x0  }
0xa0: {  	[sflag:s22] =	ssyncadd.s32 s4;
	_ =	sdelay $0x1  }
0xa1: {  	s23 =	simm.s32 $0x1B8B  }
0xa2: {  	_ =	swait.ge [sflag:s23], $0x1  }
0xa3: {  	[sflag:s23] =	ssyncset.done $0x0  }
0xa4: {  	s25 =	simm.s32 $0x1B8E;
	s24 =	sld [smem:$0x3FFE];
	[sflag:s23] =	ssyncadd.s32 $0xFFFFFFFF  }
0xa5: {  	s26 =	simm.s32 $execute0_lowered;
	[smem:$0x3FD2] =	sst s25  }
0xa6: {  	s5 =	sshll.u32 s26, $0x1;
	_ =	strace $0x80000046;
	[dreg:$0x1] =	wrdreg $0xFFFFFFFF  }
0xa7: {  	s28 =	simm.s32 $_size_execute0_lowered;
	s3 =	sadd.s32 s3, s5;
	[dreg:$0x0] =	wrdreg $0x0  }
0xa8: {  	s5 =	sshll.u32 s28, $0x1;
	[dreg:$0x2] =	wrdreg s3  }
0xa9: {  	[dreg:$0x3] =	wrdreg s5  }
0xaa: {  	[dreg:$0x4] =	wrdreg $0xC0  }
0xab: {  	_ =	task [dreg:s7], $0x5FFFF  }
0xac: {  	[dreg:$0x1] =	wrdreg $0xFFFFFFFF  }
0xad: {  	[dreg:$0x0] =	wrdreg $0x60  }
0xae: {  	[dreg:$0x2] =	wrdreg s24  }
0xaf: {  	[dreg:$0x3] =	wrdreg s2  }
0xb0: {  	[dreg:$0x4] =	wrdreg $0x9  }
0xb1: {  	_ =	task.clear_ibuf [dreg:s7], $0x5FFFF;
	_ =	strace $0x90000046  }
0xb2: {  	s29 =	simm.s32 $0x9;
	_ =	strace $0x80000048  }
0xb3: {  	_ =	swait.ge [sflag:s29], $0x1  }
0xb4: {  	[sflag:s29] =	ssyncadd.s32 $0xFFFFFFFF  }
0xb5: {  	_ =	strace $0x90000048  }
0xb6: {  	_ =	sfence  }
0xb7: {  	s30 =	sld [smem:$0x0];
	_ =	sdelay $0x2  }
0xb8: {  	s31 =	sshll.u32 s1, $0xD;
	s1 =	sshrl.u32 s1, $0x2  }
0xb9: {  	s3 =	sand.u32 $0x4000, s31;
	s1 =	sadd.s32 s1, s30  }
0xba: {  	s0 =	sor.u32 s3, s0;
	s1 =	sshll.u32 s1, $0x11  }
0xbb: {  	s0 =	sor.u32 s1, s0  }
0xbc: {  	s0 =	sadd.s32 $0x8F2B, s0  }
0xbd: {  	[sflag:s0] =	ssyncadd.remote.s32 $0x1  }
0xbe: {  	_ =	sfence.sel $0xFFFF  }
0xbf: {  	[dreg:$0x0] =	wrdreg $0xFFFFFFFF;
	(pc) =	sbr.abs _section_cstart, $3  }
0xc0: {  	[dreg:$0x1] =	wrdreg $0xFFFFFFFF  }
0xc1: {  	_ =	task.clear_ibuf [dreg:s7], $0x2FFFF;
	_ =	strace $0x9FFFFFFF  }
0xc2: {  	(tm) =	ssettm $0x7FFFFFFF  }
0xc3: {  	_ =	shalt  }
tec
execute0_lowered:
.L_overlay_start_1:
0x0: {  	(tag) =	ssettag $0x1  }
0x1: {  	s0 =	srdreg.scid;
	s1 =	rddreg [dreg:$0x0]  }
0x2: {  	s2 =	stileid.u32;
	s5 =	rddreg [dreg:$0x1];
	s8 =	simm.s32 $0x80  }
0x3: {  	s10 =	simm.s32 $0x48;
	s13 =	simm.s32 $0x9600;
	s14 =	simm.s32 $0x148  }
0x4: {  	s15 =	simm.s32 $0xB600;
	s16 =	simm.s32 $0x190;
	s17 =	simm.s32 $0xC800  }
0x5: {  	s18 =	simm.s32 $0x210;
	s19 =	simm.s32 $0xE800;
	s20 =	simm.s32 $0x258  }
0x6: {  	s21 =	simm.s32 $0xFA00;
	s22 =	simm.s32 $0x2D8;
	s23 =	simm.s32 $0x11A00  }
0x7: {  	s24 =	simm.s32 $0x1;
	s25 =	simm.s32 $0x2;
	s26 =	simm.s32 $0x3  }
0x8: {  	s28 =	simm.s32 $0x4;
	s29 =	simm.s32 $0x12C00;
	s0 =	sand.u32 $0x1, s0  }
0x9: {  	s30 =	simm.s32 $0x0;
	s2 =	sshll.u32 s2, $0x8;
	s3 =	sshll.u32 s0, $0x7  }
0xa: {  	s0 =	ssub.s32 $0x2, s0;
	s4 =	sor.u32 s3, s2;
	s2 =	simm.s32 $0x0  }
0xb: {  	s31 =	sshrl.u32 s0, $0x1;
	s3 =	smul.u32 $0x19, s4;
	[smem:$0x7FF] =	sst s2  }
0xc: {  	s7 =	sshll.u32 s4, $0x3;
	s0 =	ssub.s32 s0, s31;
	_ =	strace $0x80000047  }
0xd: {  	s5 =	sadd.s32 s5, s7;
	s7 =	simm.s32 $0x5;
	s6 =	sadd.s32 s3, s1  }
0xe: {  	s3 =	sadd.s32 $0xF42A00, s1;
	s4 =	sadd.s32 $0x600, s6;
	s6 =	smax.u32 s0, $0x1  }
.LBB2_1:
0xf: {  	[tilespmem:s2], [sflag:$0x5] =	stream.linear.gather [hbm4b:s4+s2], $0x6400, $0x38;
	[tilespmem:$0x14C00] =	vst v63  }
0x10: {  	_ =	swait.ge [sflag:s7], $0x6400  }
0x11: {  	[sflag:s7] =	ssyncset.done $0x0  }
0x12: {  	s0 =	simm.s32 $0x6400;
	[sflag:s7] =	ssyncadd.s32 $0xFFFF9C00  }
0x13: {  	[tilespmem:s0], [sflag:$0x1] =	stream.indirect.gather [hbm4b:s3+s8], $0x40, s2, s8, $0xb8;
	[tilespmem:$0x14C00] =	vst v63  }
0x14: {  	s11 =	simm.s32 $0x8400  }
0x15: {  	[tilespmem:s11], [sflag:$0x1] =	stream.indirect.gather [hbm4b:s3+s10], $0x40, s8, s10, $0xb8;
	[tilespmem:$0x14C00] =	vst v63  }
0x16: {  	s12 =	simm.s32 $0xC8  }
0x17: {  	[tilespmem:s13], [sflag:$0x2] =	stream.indirect.gather [hbm4b:s3+s8], $0x40, s12, s8, $0xb8;
	[tilespmem:$0x14C00] =	vst v63  }
0x18: {  	_ = 	snop  }
0x19: {  	[tilespmem:s15], [sflag:$0x2] =	stream.indirect.gather [hbm4b:s3+s10], $0x40, s14, s10, $0xb8;
	[tilespmem:$0x14C00] =	vst v63  }
0x1a: {  	_ = 	snop  }
0x1b: {  	[tilespmem:s17], [sflag:$0x3] =	stream.indirect.gather [hbm4b:s3+s8], $0x40, s16, s8, $0xb8;
	[tilespmem:$0x14C00] =	vst v63  }
0x1c: {  	_ = 	snop  }
0x1d: {  	[tilespmem:s19], [sflag:$0x3] =	stream.indirect.gather [hbm4b:s3+s10], $0x40, s18, s10, $0xb8;
	[tilespmem:$0x14C00] =	vst v63  }
0x1e: {  	_ = 	snop  }
0x1f: {  	[tilespmem:s21], [sflag:$0x4] =	stream.indirect.gather [hbm4b:s3+s8], $0x40, s20, s8, $0xb8;
	[tilespmem:$0x14C00] =	vst v63  }
0x20: {  	s31 =	simm.s32 $0x0  }
0x21: {  	[tilespmem:s23], [sflag:$0x4] =	stream.indirect.gather [hbm4b:s3+s10], $0x40, s22, s10, $0xb8;
	[tilespmem:$0x14C00] =	vst v63  }
.LBB2_2:
0x22: {  	p0 =	seq.s32 s31, $0x1F  }
0x23: {  	s0 =	smul.u32 @!p0 $0xC80, s31  }
0x24: {  	_ =	swait.ge [sflag:s24], $0x3200  }
0x25: {  	[sflag:s24] =	ssyncset.done $0x0;
	s9 =	simm.s32 @!p0 $0x80;
	s0 =	sshra.s32 @!p0 s0, $0x2  }
0x26: {  	s11 =	simm.s32 @!p0 $0x6400;
	[sflag:s24] =	ssyncadd.s32 $0xFFFFCE00;
	s1 =	sadd.s32 @!p0 $0x320, s0  }
0x27: {  	[tilespmem:s11], [sflag:$0x1] =	stream.indirect.gather @!p0 [hbm4b:s3+s9], $0x40, s1, s9, $0xb8;
	[tilespmem:$0x14C00] =	vst v63  }
0x28: {  	s1 =	sadd.s32 @!p0 $0x3A0, s0;
	s9 =	simm.s32 @!p0 $0x48;
	s11 =	simm.s32 @!p0 $0x8400  }
0x29: {  	[tilespmem:s11], [sflag:$0x1] =	stream.indirect.gather @!p0 [hbm4b:s3+s9], $0x40, s1, s9, $0xb8;
	[tilespmem:$0x14C00] =	vst v63  }
0x2a: {  	s1 =	simm.s32 $0x0  }
0x2b: {  	v3 =	vld [tilespmem:s1+$0x6580]  }
0x2c: {  	v4 =	vld [tilespmem:s1+$0x6590]  }
0x2d: {  	v5 =	vld [tilespmem:s1+$0x65A0]  }
0x2e: {  	v6 =	vld [tilespmem:s1+$0x65B0]  }
0x2f: {  	v0 =	vld [tilespmem:s1+$0x65C0]  }
0x30: {  	v1 =	vld [tilespmem:s1+$0x65D0]  }
0x31: {  	v13 =	vld [tilespmem:s1+$0x6500]  }
0x32: {  	v15 =	vld [tilespmem:s1+$0x6510]  }
0x33: {  	v12 =	vld [tilespmem:s1+$0x6520]  }
0x34: {  	v14 =	vld [tilespmem:s1+$0x6530]  }
0x35: {  	v2 =	vld [tilespmem:s1+$0x6540]  }
0x36: {  	v9 =	vld [tilespmem:s1+$0x6480]  }
0x37: {  	v10 =	vld [tilespmem:s1+$0x6490]  }
0x38: {  	v11 =	vld [tilespmem:s1+$0x6400]  }
0x39: {  	v17 =	vld [tilespmem:s1+$0x6410]  }
0x3a: {  	v18 =	vld [tilespmem:s1+$0x6420]  }
0x3b: {  	v19 =	vld [tilespmem:s1+$0x6430]  }
0x3c: {  	v20 =	vld [tilespmem:s1+$0x64A0]  }
0x3d: {  	v24 =	vld [tilespmem:s1+$0x64B0]  }
0x3e: {  	v8 =	vimm.f32 $0.0e+00;
	v7 =	vld [tilespmem:s1+$0x6550]  }
0x3f: {  	v16 =	vld [tilespmem:s1+$0x64C0];
	v11 =	vadd.f32 v11, v8;
	v22 =	vadd.f32 v17, v8  }
0x40: {  	v17 =	vld [tilespmem:s1+$0x64D0];
	v23 =	vadd.f32 v18, v8;
	v25 =	vadd.f32 v19, v8  }
0x41: {  	v18 =	vld [tilespmem:s1+$0x6440];
	v21 =	vadd.f32 v9, v11;
	v22 =	vadd.f32 v10, v22  }
0x42: {  	v19 =	vld [tilespmem:s1+$0x6450];
	v23 =	vadd.f32 v20, v23;
	v24 =	vadd.f32 v24, v25  }
0x43: {  	s9 =	simm.s32 $0x800;
	v20 =	vld [tilespmem:s1+$0x6460];
	v11 =	vimm.f32 $0.0e+00;
	v10 =	vimm.f32 $0.0e+00;
	v9 =	vimm.f32 $0.0e+00  }
.LBB2_3:
0x44: {  	p1 =	sne.s32 s9, $0xC000;
	v25 =	vld [tilespmem:s1+$0x6470];
	v13 =	vadd.f32 v13, v21;
	v15 =	vadd.f32 v15, v22  }
0x45: {  	v21 =	vld [tilespmem:s1+$0x64E0];
	v12 =	vadd.f32 v12, v23;
	v14 =	vadd.f32 v14, v24  }
0x46: {  	v22 =	vld [tilespmem:s1+$0x64F0];
	v23 =	vadd.f32 v3, v13;
	v24 =	vadd.f32 v4, v15  }
0x47: {  	v13 =	vld [tilespmem:s1+$0x6560];
	v26 =	vadd.f32 v5, v12;
	v27 =	vadd.f32 v6, v14  }
0x48: {  	v3 =	vadd.f32 v18, v8;
	v4 =	vadd.f32 v19, v11;
	v6 =	vld [tilespmem:s1+$0x6570]  }
0x49: {  	v5 =	vadd.f32 v20, v10;
	v8 =	vadd.f32 v25, v9;
	v9 =	vld [tilespmem:s1+$0x65E0]  }
0x4a: {  	v10 =	vadd.f32 v16, v3;
	v11 =	vadd.f32 v17, v4;
	v12 =	vld [tilespmem:s1+$0x65F0];
	s1 =	sshra.s32 s9, $0x2  }
0x4b: {  	v14 =	vadd.f32 v21, v5;
	v3 =	vld [tilespmem:s1+$0x6580];
	v8 =	vadd.f32 v22, v8  }
0x4c: {  	v2 =	vadd.f32 v2, v10;
	v7 =	vadd.f32 v7, v11;
	v4 =	vld [tilespmem:s1+$0x6590]  }
0x4d: {  	v10 =	vadd.f32 v13, v14;
	v5 =	vld [tilespmem:s1+$0x65A0];
	v13 =	vadd.f32 v6, v8  }
0x4e: {  	v8 =	vadd.f32 v0, v2;
	v11 =	vadd.f32 v1, v7;
	v6 =	vld [tilespmem:s1+$0x65B0]  }
0x4f: {  	v10 =	vadd.f32 v9, v10;
	v0 =	vld [tilespmem:s1+$0x65C0];
	v9 =	vadd.f32 v12, v13  }
0x50: {  	v1 =	vld [tilespmem:s1+$0x65D0]  }
0x51: {  	v13 =	vld [tilespmem:s1+$0x6500]  }
0x52: {  	v15 =	vld [tilespmem:s1+$0x6510]  }
0x53: {  	v12 =	vld [tilespmem:s1+$0x6520]  }
0x54: {  	v14 =	vld [tilespmem:s1+$0x6530]  }
0x55: {  	v2 =	vld [tilespmem:s1+$0x6540]  }
0x56: {  	v7 =	vld [tilespmem:s1+$0x6550]  }
0x57: {  	v20 =	vld [tilespmem:s1+$0x6480]  }
0x58: {  	v22 =	vld [tilespmem:s1+$0x6490]  }
0x59: {  	v17 =	vld [tilespmem:s1+$0x6400]  }
0x5a: {  	v18 =	vld [tilespmem:s1+$0x6410]  }
0x5b: {  	v19 =	vld [tilespmem:s1+$0x6420]  }
0x5c: {  	v21 =	vld [tilespmem:s1+$0x6430]  }
0x5d: {  	v25 =	vld [tilespmem:s1+$0x64A0]  }
0x5e: {  	v28 =	vld [tilespmem:s1+$0x64B0]  }
.Ltmp0:
0x5f: {  	v16 =	vld [tilespmem:s1+$0x64C0];
	(pc) =	sbr.rel @p1 .LBB2_3-.Ltmp0, $4  }
0x60: {  	v23 =	vadd.f32 v17, v23;
	v24 =	vadd.f32 v18, v24;
	v17 =	vld [tilespmem:s1+$0x64D0]  }
0x61: {  	v26 =	vadd.f32 v19, v26;
	v27 =	vadd.f32 v21, v27;
	v18 =	vld [tilespmem:s1+$0x6440]  }
0x62: {  	v21 =	vadd.f32 v20, v23;
	v22 =	vadd.f32 v22, v24;
	v19 =	vld [tilespmem:s1+$0x6450]  }
0x63: {  	s9 =	sadd.s32 $0x800, s9;
	v23 =	vadd.f32 v25, v26;
	v20 =	vld [tilespmem:s1+$0x6460];
	v24 =	vadd.f32 v28, v27  }
0x64: {  	v13 =	vadd.f32 v13, v21;
	v15 =	vadd.f32 v15, v22  }
0x65: {  	v21 =	vld [tilespmem:s1+$0x6470];
	v12 =	vadd.f32 v12, v23;
	v14 =	vadd.f32 v14, v24  }
0x66: {  	v22 =	vld [tilespmem:s1+$0x64E0];
	v3 =	vadd.f32 v3, v13;
	v4 =	vadd.f32 v4, v15  }
0x67: {  	v13 =	vld [tilespmem:s1+$0x64F0];
	v8 =	vadd.f32 v18, v8;
	v5 =	vadd.f32 v5, v12  }
0x68: {  	v12 =	vld [tilespmem:s1+$0x6560];
	v6 =	vadd.f32 v6, v14;
	v11 =	vadd.f32 v19, v11  }
0x69: {  	v14 =	vld [tilespmem:s1+$0x6570];
	v10 =	vadd.f32 v20, v10;
	v8 =	vadd.f32 v16, v8  }
0x6a: {  	v15 =	vld [tilespmem:s1+$0x65E0];
	v9 =	vadd.f32 v21, v9;
	v11 =	vadd.f32 v17, v11  }
0x6b: {  	v16 =	vld [tilespmem:s1+$0x65F0];
	v10 =	vadd.f32 v22, v10;
	v2 =	vadd.f32 v2, v8  }
0x6c: {  	v8 =	vadd.f32 v13, v9;
	v7 =	vadd.f32 v7, v11  }
0x6d: {  	v9 =	vadd.f32 v12, v10;
	v0 =	vadd.f32 v0, v2  }
0x6e: {  	v2 =	vadd.f32 v14, v8;
	v1 =	vadd.f32 v1, v7  }
0x6f: {  	v7 =	vadd.f32 v15, v9;
	v0 =	vadd.f32 v0, v3  }
0x70: {  	v2 =	vadd.f32 v16, v2;
	v1 =	vadd.f32 v1, v4  }
0x71: {  	s12 =	sshll.u32 s31, $0x8;
	v0 =	vmul.f32 $4.999999890e-03, v0;
	v3 =	vadd.f32 v7, v5  }
0x72: {  	s1 =	sand.u32 $0x3FFFFF00, s12;
	v1 =	vmul.f32 $4.999999890e-03, v1;
	v2 =	vadd.f32 v2, v6  }
0x73: {  	[tilespmem:s1+$0x12C00] =	vst v0;
	v0 =	vmul.f32 $4.999999890e-03, v3  }
0x74: {  	[tilespmem:s1+$0x12C10] =	vst v1;
	v1 =	vmul.f32 $4.999999890e-03, v2  }
0x75: {  	[tilespmem:s1+$0x12C20] =	vst v0  }
0x76: {  	[tilespmem:s1+$0x12C30] =	vst v1  }
0x77: {  	_ =	swait.ge [sflag:s25], $0x3200  }
0x78: {  	s9 =	sadd.s32 @!p0 $0x3E8, s0;
	[sflag:s25] =	ssyncset.done $0x0  }
0x79: {  	s11 =	simm.s32 @!p0 $0x80;
	s12 =	simm.s32 @!p0 $0x9600;
	[sflag:s25] =	ssyncadd.s32 $0xFFFFCE00  }
0x7a: {  	[tilespmem:s12], [sflag:$0x2] =	stream.indirect.gather @!p0 [hbm4b:s3+s11], $0x40, s9, s11, $0xb8;
	[tilespmem:$0x14C00] =	vst v63  }
0x7b: {  	s9 =	sadd.s32 @!p0 $0x468, s0;
	s11 =	simm.s32 @!p0 $0x48;
	s12 =	simm.s32 @!p0 $0xB600  }
0x7c: {  	[tilespmem:s12], [sflag:$0x2] =	stream.indirect.gather @!p0 [hbm4b:s3+s11], $0x40, s9, s11, $0xb8;
	[tilespmem:$0x14C00] =	vst v63  }
0x7d: {  	s9 =	simm.s32 $0x0  }
0x7e: {  	v3 =	vld [tilespmem:s9+$0x9780]  }
0x7f: {  	v4 =	vld [tilespmem:s9+$0x9790]  }
0x80: {  	v5 =	vld [tilespmem:s9+$0x97A0]  }
0x81: {  	v6 =	vld [tilespmem:s9+$0x97B0]  }
0x82: {  	v0 =	vld [tilespmem:s9+$0x97C0]  }
0x83: {  	v1 =	vld [tilespmem:s9+$0x97D0]  }
0x84: {  	v13 =	vld [tilespmem:s9+$0x9700]  }
0x85: {  	v15 =	vld [tilespmem:s9+$0x9710]  }
0x86: {  	v12 =	vld [tilespmem:s9+$0x9720]  }
0x87: {  	v14 =	vld [tilespmem:s9+$0x9730]  }
0x88: {  	v2 =	vld [tilespmem:s9+$0x9740]  }
0x89: {  	v9 =	vld [tilespmem:s9+$0x9680]  }
0x8a: {  	v10 =	vld [tilespmem:s9+$0x9690]  }
0x8b: {  	v11 =	vld [tilespmem:s9+$0x9600]  }
0x8c: {  	v17 =	vld [tilespmem:s9+$0x9610]  }
0x8d: {  	v18 =	vld [tilespmem:s9+$0x9620]  }
0x8e: {  	v19 =	vld [tilespmem:s9+$0x9630]  }
0x8f: {  	v20 =	vld [tilespmem:s9+$0x96A0]  }
0x90: {  	v24 =	vld [tilespmem:s9+$0x96B0]  }
0x91: {  	v8 =	vimm.f32 $0.0e+00;
	v7 =	vld [tilespmem:s9+$0x9750]  }
0x92: {  	v16 =	vld [tilespmem:s9+$0x96C0];
	v11 =	vadd.f32 v11, v8;
	v22 =	vadd.f32 v17, v8  }
0x93: {  	v17 =	vld [tilespmem:s9+$0x96D0];
	v23 =	vadd.f32 v18, v8;
	v25 =	vadd.f32 v19, v8  }
0x94: {  	v18 =	vld [tilespmem:s9+$0x9640];
	v21 =	vadd.f32 v9, v11;
	v22 =	vadd.f32 v10, v22  }
0x95: {  	v19 =	vld [tilespmem:s9+$0x9650];
	v23 =	vadd.f32 v20, v23;
	v24 =	vadd.f32 v24, v25  }
0x96: {  	s11 =	simm.s32 $0x800;
	v20 =	vld [tilespmem:s9+$0x9660];
	v11 =	vimm.f32 $0.0e+00;
	v10 =	vimm.f32 $0.0e+00;
	v9 =	vimm.f32 $0.0e+00  }
.LBB2_5:
0x97: {  	p1 =	sne.s32 s11, $0xC000;
	v25 =	vld [tilespmem:s9+$0x9670];
	v13 =	vadd.f32 v13, v21;
	v15 =	vadd.f32 v15, v22  }
0x98: {  	v21 =	vld [tilespmem:s9+$0x96E0];
	v12 =	vadd.f32 v12, v23;
	v14 =	vadd.f32 v14, v24  }
0x99: {  	v22 =	vld [tilespmem:s9+$0x96F0];
	v23 =	vadd.f32 v3, v13;
	v24 =	vadd.f32 v4, v15  }
0x9a: {  	v13 =	vld [tilespmem:s9+$0x9760];
	v26 =	vadd.f32 v5, v12;
	v27 =	vadd.f32 v6, v14  }
0x9b: {  	v3 =	vadd.f32 v18, v8;
	v4 =	vadd.f32 v19, v11;
	v6 =	vld [tilespmem:s9+$0x9770]  }
0x9c: {  	v5 =	vadd.f32 v20, v10;
	v8 =	vadd.f32 v25, v9;
	v9 =	vld [tilespmem:s9+$0x97E0]  }
0x9d: {  	v10 =	vadd.f32 v16, v3;
	v11 =	vadd.f32 v17, v4;
	v12 =	vld [tilespmem:s9+$0x97F0];
	s9 =	sshra.s32 s11, $0x2  }
0x9e: {  	v14 =	vadd.f32 v21, v5;
	v3 =	vld [tilespmem:s9+$0x9780];
	v8 =	vadd.f32 v22, v8  }
0x9f: {  	v2 =	vadd.f32 v2, v10;
	v7 =	vadd.f32 v7, v11;
	v4 =	vld [tilespmem:s9+$0x9790]  }
0xa0: {  	v10 =	vadd.f32 v13, v14;
	v5 =	vld [tilespmem:s9+$0x97A0];
	v13 =	vadd.f32 v6, v8  }
0xa1: {  	v8 =	vadd.f32 v0, v2;
	v11 =	vadd.f32 v1, v7;
	v6 =	vld [tilespmem:s9+$0x97B0]  }
0xa2: {  	v10 =	vadd.f32 v9, v10;
	v0 =	vld [tilespmem:s9+$0x97C0];
	v9 =	vadd.f32 v12, v13  }
0xa3: {  	v1 =	vld [tilespmem:s9+$0x97D0]  }
0xa4: {  	v13 =	vld [tilespmem:s9+$0x9700]  }
0xa5: {  	v15 =	vld [tilespmem:s9+$0x9710]  }
0xa6: {  	v12 =	vld [tilespmem:s9+$0x9720]  }
0xa7: {  	v14 =	vld [tilespmem:s9+$0x9730]  }
0xa8: {  	v2 =	vld [tilespmem:s9+$0x9740]  }
0xa9: {  	v7 =	vld [tilespmem:s9+$0x9750]  }
0xaa: {  	v20 =	vld [tilespmem:s9+$0x9680]  }
0xab: {  	v22 =	vld [tilespmem:s9+$0x9690]  }
0xac: {  	v17 =	vld [tilespmem:s9+$0x9600]  }
0xad: {  	v18 =	vld [tilespmem:s9+$0x9610]  }
0xae: {  	v19 =	vld [tilespmem:s9+$0x9620]  }
0xaf: {  	v21 =	vld [tilespmem:s9+$0x9630]  }
0xb0: {  	v25 =	vld [tilespmem:s9+$0x96A0]  }
0xb1: {  	v28 =	vld [tilespmem:s9+$0x96B0]  }
.Ltmp1:
0xb2: {  	v16 =	vld [tilespmem:s9+$0x96C0];
	(pc) =	sbr.rel @p1 .LBB2_5-.Ltmp1, $4  }
0xb3: {  	v23 =	vadd.f32 v17, v23;
	v24 =	vadd.f32 v18, v24;
	v17 =	vld [tilespmem:s9+$0x96D0]  }
0xb4: {  	v26 =	vadd.f32 v19, v26;
	v27 =	vadd.f32 v21, v27;
	v18 =	vld [tilespmem:s9+$0x9640]  }
0xb5: {  	v21 =	vadd.f32 v20, v23;
	v22 =	vadd.f32 v22, v24;
	v19 =	vld [tilespmem:s9+$0x9650]  }
0xb6: {  	s11 =	sadd.s32 $0x800, s11;
	v23 =	vadd.f32 v25, v26;
	v20 =	vld [tilespmem:s9+$0x9660];
	v24 =	vadd.f32 v28, v27  }
0xb7: {  	v13 =	vadd.f32 v13, v21;
	v15 =	vadd.f32 v15, v22  }
0xb8: {  	v21 =	vld [tilespmem:s9+$0x9670];
	v12 =	vadd.f32 v12, v23;
	v14 =	vadd.f32 v14, v24  }
0xb9: {  	v22 =	vld [tilespmem:s9+$0x96E0];
	v3 =	vadd.f32 v3, v13;
	v4 =	vadd.f32 v4, v15  }
0xba: {  	v13 =	vld [tilespmem:s9+$0x96F0];
	v8 =	vadd.f32 v18, v8;
	v5 =	vadd.f32 v5, v12  }
0xbb: {  	v12 =	vld [tilespmem:s9+$0x9760];
	v6 =	vadd.f32 v6, v14;
	v11 =	vadd.f32 v19, v11  }
0xbc: {  	v14 =	vld [tilespmem:s9+$0x9770];
	v10 =	vadd.f32 v20, v10;
	v8 =	vadd.f32 v16, v8  }
0xbd: {  	v15 =	vld [tilespmem:s9+$0x97E0];
	v9 =	vadd.f32 v21, v9;
	v11 =	vadd.f32 v17, v11  }
0xbe: {  	v16 =	vld [tilespmem:s9+$0x97F0];
	v10 =	vadd.f32 v22, v10;
	v2 =	vadd.f32 v2, v8  }
0xbf: {  	v8 =	vadd.f32 v13, v9;
	v7 =	vadd.f32 v7, v11  }
0xc0: {  	v9 =	vadd.f32 v12, v10;
	v0 =	vadd.f32 v0, v2  }
0xc1: {  	v2 =	vadd.f32 v14, v8;
	v1 =	vadd.f32 v1, v7  }
0xc2: {  	v7 =	vadd.f32 v15, v9;
	v0 =	vadd.f32 v0, v3  }
0xc3: {  	v2 =	vadd.f32 v16, v2;
	v1 =	vadd.f32 v1, v4  }
0xc4: {  	v0 =	vmul.f32 $4.999999890e-03, v0;
	v3 =	vadd.f32 v7, v5  }
0xc5: {  	v1 =	vmul.f32 $4.999999890e-03, v1;
	v2 =	vadd.f32 v2, v6  }
0xc6: {  	[tilespmem:s1+$0x12C40] =	vst v0;
	v0 =	vmul.f32 $4.999999890e-03, v3  }
0xc7: {  	[tilespmem:s1+$0x12C50] =	vst v1;
	v1 =	vmul.f32 $4.999999890e-03, v2  }
0xc8: {  	[tilespmem:s1+$0x12C60] =	vst v0  }
0xc9: {  	[tilespmem:s1+$0x12C70] =	vst v1  }
0xca: {  	_ =	swait.ge [sflag:s26], $0x3200  }
0xcb: {  	s11 =	simm.s32 @!p0 $0x80;
	[sflag:s26] =	ssyncset.done $0x0  }
0xcc: {  	s12 =	simm.s32 @!p0 $0xC800;
	s9 =	sadd.s32 @!p0 $0x4B0, s0;
	[sflag:s26] =	ssyncadd.s32 $0xFFFFCE00  }
0xcd: {  	[tilespmem:s12], [sflag:$0x3] =	stream.indirect.gather @!p0 [hbm4b:s3+s11], $0x40, s9, s11, $0xb8;
	[tilespmem:$0x14C00] =	vst v63  }
0xce: {  	s9 =	sadd.s32 @!p0 $0x530, s0;
	s11 =	simm.s32 @!p0 $0x48;
	s12 =	simm.s32 @!p0 $0xE800  }
0xcf: {  	[tilespmem:s12], [sflag:$0x3] =	stream.indirect.gather @!p0 [hbm4b:s3+s11], $0x40, s9, s11, $0xb8;
	[tilespmem:$0x14C00] =	vst v63  }
0xd0: {  	s9 =	simm.s32 $0x0  }
0xd1: {  	v3 =	vld [tilespmem:s9+$0xC980]  }
0xd2: {  	v4 =	vld [tilespmem:s9+$0xC990]  }
0xd3: {  	v5 =	vld [tilespmem:s9+$0xC9A0]  }
0xd4: {  	v6 =	vld [tilespmem:s9+$0xC9B0]  }
0xd5: {  	v0 =	vld [tilespmem:s9+$0xC9C0]  }
0xd6: {  	v1 =	vld [tilespmem:s9+$0xC9D0]  }
0xd7: {  	v13 =	vld [tilespmem:s9+$0xC900]  }
0xd8: {  	v15 =	vld [tilespmem:s9+$0xC910]  }
0xd9: {  	v12 =	vld [tilespmem:s9+$0xC920]  }
0xda: {  	v14 =	vld [tilespmem:s9+$0xC930]  }
0xdb: {  	v2 =	vld [tilespmem:s9+$0xC940]  }
0xdc: {  	v9 =	vld [tilespmem:s9+$0xC880]  }
0xdd: {  	v10 =	vld [tilespmem:s9+$0xC890]  }
0xde: {  	v11 =	vld [tilespmem:s9+$0xC800]  }
0xdf: {  	v17 =	vld [tilespmem:s9+$0xC810]  }
0xe0: {  	v18 =	vld [tilespmem:s9+$0xC820]  }
0xe1: {  	v19 =	vld [tilespmem:s9+$0xC830]  }
0xe2: {  	v20 =	vld [tilespmem:s9+$0xC8A0]  }
0xe3: {  	v24 =	vld [tilespmem:s9+$0xC8B0]  }
0xe4: {  	v8 =	vimm.f32 $0.0e+00;
	v7 =	vld [tilespmem:s9+$0xC950]  }
0xe5: {  	v16 =	vld [tilespmem:s9+$0xC8C0];
	v11 =	vadd.f32 v11, v8;
	v22 =	vadd.f32 v17, v8  }
0xe6: {  	v17 =	vld [tilespmem:s9+$0xC8D0];
	v23 =	vadd.f32 v18, v8;
	v25 =	vadd.f32 v19, v8  }
0xe7: {  	v18 =	vld [tilespmem:s9+$0xC840];
	v21 =	vadd.f32 v9, v11;
	v22 =	vadd.f32 v10, v22  }
0xe8: {  	v19 =	vld [tilespmem:s9+$0xC850];
	v23 =	vadd.f32 v20, v23;
	v24 =	vadd.f32 v24, v25  }
0xe9: {  	s11 =	simm.s32 $0x800;
	v20 =	vld [tilespmem:s9+$0xC860];
	v11 =	vimm.f32 $0.0e+00;
	v10 =	vimm.f32 $0.0e+00;
	v9 =	vimm.f32 $0.0e+00  }
.LBB2_7:
0xea: {  	p1 =	sne.s32 s11, $0xC000;
	v25 =	vld [tilespmem:s9+$0xC870];
	v13 =	vadd.f32 v13, v21;
	v15 =	vadd.f32 v15, v22  }
0xeb: {  	v21 =	vld [tilespmem:s9+$0xC8E0];
	v12 =	vadd.f32 v12, v23;
	v14 =	vadd.f32 v14, v24  }
0xec: {  	v22 =	vld [tilespmem:s9+$0xC8F0];
	v23 =	vadd.f32 v3, v13;
	v24 =	vadd.f32 v4, v15  }
0xed: {  	v13 =	vld [tilespmem:s9+$0xC960];
	v26 =	vadd.f32 v5, v12;
	v27 =	vadd.f32 v6, v14  }
0xee: {  	v3 =	vadd.f32 v18, v8;
	v4 =	vadd.f32 v19, v11;
	v6 =	vld [tilespmem:s9+$0xC970]  }
0xef: {  	v5 =	vadd.f32 v20, v10;
	v8 =	vadd.f32 v25, v9;
	v9 =	vld [tilespmem:s9+$0xC9E0]  }
0xf0: {  	v10 =	vadd.f32 v16, v3;
	v11 =	vadd.f32 v17, v4;
	v12 =	vld [tilespmem:s9+$0xC9F0];
	s9 =	sshra.s32 s11, $0x2  }
0xf1: {  	v14 =	vadd.f32 v21, v5;
	v3 =	vld [tilespmem:s9+$0xC980];
	v8 =	vadd.f32 v22, v8  }
0xf2: {  	v2 =	vadd.f32 v2, v10;
	v7 =	vadd.f32 v7, v11;
	v4 =	vld [tilespmem:s9+$0xC990]  }
0xf3: {  	v10 =	vadd.f32 v13, v14;
	v5 =	vld [tilespmem:s9+$0xC9A0];
	v13 =	vadd.f32 v6, v8  }
0xf4: {  	v8 =	vadd.f32 v0, v2;
	v11 =	vadd.f32 v1, v7;
	v6 =	vld [tilespmem:s9+$0xC9B0]  }
0xf5: {  	v10 =	vadd.f32 v9, v10;
	v0 =	vld [tilespmem:s9+$0xC9C0];
	v9 =	vadd.f32 v12, v13  }
0xf6: {  	v1 =	vld [tilespmem:s9+$0xC9D0]  }
0xf7: {  	v13 =	vld [tilespmem:s9+$0xC900]  }
0xf8: {  	v15 =	vld [tilespmem:s9+$0xC910]  }
0xf9: {  	v12 =	vld [tilespmem:s9+$0xC920]  }
0xfa: {  	v14 =	vld [tilespmem:s9+$0xC930]  }
0xfb: {  	v2 =	vld [tilespmem:s9+$0xC940]  }
0xfc: {  	v7 =	vld [tilespmem:s9+$0xC950]  }
0xfd: {  	v20 =	vld [tilespmem:s9+$0xC880]  }
0xfe: {  	v22 =	vld [tilespmem:s9+$0xC890]  }
0xff: {  	v17 =	vld [tilespmem:s9+$0xC800]  }
0x100: {  	v18 =	vld [tilespmem:s9+$0xC810]  }
0x101: {  	v19 =	vld [tilespmem:s9+$0xC820]  }
0x102: {  	v21 =	vld [tilespmem:s9+$0xC830]  }
0x103: {  	v25 =	vld [tilespmem:s9+$0xC8A0]  }
0x104: {  	v28 =	vld [tilespmem:s9+$0xC8B0]  }
.Ltmp2:
0x105: {  	v16 =	vld [tilespmem:s9+$0xC8C0];
	(pc) =	sbr.rel @p1 .LBB2_7-.Ltmp2, $4  }
0x106: {  	v23 =	vadd.f32 v17, v23;
	v24 =	vadd.f32 v18, v24;
	v17 =	vld [tilespmem:s9+$0xC8D0]  }
0x107: {  	v26 =	vadd.f32 v19, v26;
	v27 =	vadd.f32 v21, v27;
	v18 =	vld [tilespmem:s9+$0xC840]  }
0x108: {  	v21 =	vadd.f32 v20, v23;
	v22 =	vadd.f32 v22, v24;
	v19 =	vld [tilespmem:s9+$0xC850]  }
0x109: {  	s11 =	sadd.s32 $0x800, s11;
	v23 =	vadd.f32 v25, v26;
	v20 =	vld [tilespmem:s9+$0xC860];
	v24 =	vadd.f32 v28, v27  }
0x10a: {  	v13 =	vadd.f32 v13, v21;
	v15 =	vadd.f32 v15, v22  }
0x10b: {  	v21 =	vld [tilespmem:s9+$0xC870];
	v12 =	vadd.f32 v12, v23;
	v14 =	vadd.f32 v14, v24  }
0x10c: {  	v22 =	vld [tilespmem:s9+$0xC8E0];
	v3 =	vadd.f32 v3, v13;
	v4 =	vadd.f32 v4, v15  }
0x10d: {  	v13 =	vld [tilespmem:s9+$0xC8F0];
	v8 =	vadd.f32 v18, v8;
	v5 =	vadd.f32 v5, v12  }
0x10e: {  	v12 =	vld [tilespmem:s9+$0xC960];
	v6 =	vadd.f32 v6, v14;
	v11 =	vadd.f32 v19, v11  }
0x10f: {  	v14 =	vld [tilespmem:s9+$0xC970];
	v10 =	vadd.f32 v20, v10;
	v8 =	vadd.f32 v16, v8  }
0x110: {  	v15 =	vld [tilespmem:s9+$0xC9E0];
	v9 =	vadd.f32 v21, v9;
	v11 =	vadd.f32 v17, v11  }
0x111: {  	v16 =	vld [tilespmem:s9+$0xC9F0];
	v10 =	vadd.f32 v22, v10;
	v2 =	vadd.f32 v2, v8  }
0x112: {  	v8 =	vadd.f32 v13, v9;
	v7 =	vadd.f32 v7, v11  }
0x113: {  	v9 =	vadd.f32 v12, v10;
	v0 =	vadd.f32 v0, v2  }
0x114: {  	v2 =	vadd.f32 v14, v8;
	v1 =	vadd.f32 v1, v7  }
0x115: {  	v7 =	vadd.f32 v15, v9;
	v0 =	vadd.f32 v0, v3  }
0x116: {  	v2 =	vadd.f32 v16, v2;
	v1 =	vadd.f32 v1, v4  }
0x117: {  	v0 =	vmul.f32 $4.999999890e-03, v0;
	v3 =	vadd.f32 v7, v5  }
0x118: {  	v1 =	vmul.f32 $4.999999890e-03, v1;
	v2 =	vadd.f32 v2, v6  }
0x119: {  	[tilespmem:s1+$0x12C80] =	vst v0;
	v0 =	vmul.f32 $4.999999890e-03, v3  }
0x11a: {  	[tilespmem:s1+$0x12C90] =	vst v1;
	v1 =	vmul.f32 $4.999999890e-03, v2  }
0x11b: {  	[tilespmem:s1+$0x12CA0] =	vst v0  }
0x11c: {  	[tilespmem:s1+$0x12CB0] =	vst v1  }
0x11d: {  	_ =	swait.ge [sflag:s28], $0x3200  }
0x11e: {  	s11 =	simm.s32 @!p0 $0x80;
	[sflag:s28] =	ssyncset.done $0x0  }
0x11f: {  	s12 =	simm.s32 @!p0 $0xFA00;
	s9 =	sadd.s32 @!p0 $0x578, s0;
	[sflag:s28] =	ssyncadd.s32 $0xFFFFCE00  }
0x120: {  	[tilespmem:s12], [sflag:$0x4] =	stream.indirect.gather @!p0 [hbm4b:s3+s11], $0x40, s9, s11, $0xb8;
	[tilespmem:$0x14C00] =	vst v63  }
0x121: {  	s0 =	sadd.s32 @!p0 $0x5F8, s0;
	s9 =	simm.s32 @!p0 $0x48;
	s11 =	simm.s32 @!p0 $0x11A00  }
0x122: {  	[tilespmem:s11], [sflag:$0x4] =	stream.indirect.gather @!p0 [hbm4b:s3+s9], $0x40, s0, s9, $0xb8;
	[tilespmem:$0x14C00] =	vst v63  }
0x123: {  	s0 =	simm.s32 $0x0  }
0x124: {  	v3 =	vld [tilespmem:s0+$0xFB80]  }
0x125: {  	v4 =	vld [tilespmem:s0+$0xFB90]  }
0x126: {  	v5 =	vld [tilespmem:s0+$0xFBA0]  }
0x127: {  	v6 =	vld [tilespmem:s0+$0xFBB0]  }
0x128: {  	v0 =	vld [tilespmem:s0+$0xFBC0]  }
0x129: {  	v1 =	vld [tilespmem:s0+$0xFBD0]  }
0x12a: {  	v13 =	vld [tilespmem:s0+$0xFB00]  }
0x12b: {  	v15 =	vld [tilespmem:s0+$0xFB10]  }
0x12c: {  	v12 =	vld [tilespmem:s0+$0xFB20]  }
0x12d: {  	v14 =	vld [tilespmem:s0+$0xFB30]  }
0x12e: {  	v2 =	vld [tilespmem:s0+$0xFB40]  }
0x12f: {  	v9 =	vld [tilespmem:s0+$0xFA80]  }
0x130: {  	v10 =	vld [tilespmem:s0+$0xFA90]  }
0x131: {  	v11 =	vld [tilespmem:s0+$0xFA00]  }
0x132: {  	v17 =	vld [tilespmem:s0+$0xFA10]  }
0x133: {  	v18 =	vld [tilespmem:s0+$0xFA20]  }
0x134: {  	v19 =	vld [tilespmem:s0+$0xFA30]  }
0x135: {  	v20 =	vld [tilespmem:s0+$0xFAA0]  }
0x136: {  	v24 =	vld [tilespmem:s0+$0xFAB0]  }
0x137: {  	v8 =	vimm.f32 $0.0e+00;
	v7 =	vld [tilespmem:s0+$0xFB50]  }
0x138: {  	v16 =	vld [tilespmem:s0+$0xFAC0];
	v11 =	vadd.f32 v11, v8;
	v22 =	vadd.f32 v17, v8  }
0x139: {  	v17 =	vld [tilespmem:s0+$0xFAD0];
	v23 =	vadd.f32 v18, v8;
	v25 =	vadd.f32 v19, v8  }
0x13a: {  	v18 =	vld [tilespmem:s0+$0xFA40];
	v21 =	vadd.f32 v9, v11;
	v22 =	vadd.f32 v10, v22  }
0x13b: {  	v19 =	vld [tilespmem:s0+$0xFA50];
	v23 =	vadd.f32 v20, v23;
	v24 =	vadd.f32 v24, v25  }
0x13c: {  	s9 =	simm.s32 $0x800;
	v20 =	vld [tilespmem:s0+$0xFA60];
	v11 =	vimm.f32 $0.0e+00;
	v10 =	vimm.f32 $0.0e+00;
	v9 =	vimm.f32 $0.0e+00  }
.LBB2_9:
0x13d: {  	p0 =	sne.s32 s9, $0xC000;
	v25 =	vld [tilespmem:s0+$0xFA70];
	v13 =	vadd.f32 v13, v21;
	v15 =	vadd.f32 v15, v22  }
0x13e: {  	v21 =	vld [tilespmem:s0+$0xFAE0];
	v12 =	vadd.f32 v12, v23;
	v14 =	vadd.f32 v14, v24  }
0x13f: {  	v22 =	vld [tilespmem:s0+$0xFAF0];
	v23 =	vadd.f32 v3, v13;
	v24 =	vadd.f32 v4, v15  }
0x140: {  	v13 =	vld [tilespmem:s0+$0xFB60];
	v26 =	vadd.f32 v5, v12;
	v27 =	vadd.f32 v6, v14  }
0x141: {  	v3 =	vadd.f32 v18, v8;
	v4 =	vadd.f32 v19, v11;
	v6 =	vld [tilespmem:s0+$0xFB70]  }
0x142: {  	v5 =	vadd.f32 v20, v10;
	v8 =	vadd.f32 v25, v9;
	v9 =	vld [tilespmem:s0+$0xFBE0]  }
0x143: {  	v10 =	vadd.f32 v16, v3;
	v11 =	vadd.f32 v17, v4;
	v12 =	vld [tilespmem:s0+$0xFBF0];
	s0 =	sshra.s32 s9, $0x2  }
0x144: {  	v14 =	vadd.f32 v21, v5;
	v3 =	vld [tilespmem:s0+$0xFB80];
	v8 =	vadd.f32 v22, v8  }
0x145: {  	v2 =	vadd.f32 v2, v10;
	v7 =	vadd.f32 v7, v11;
	v4 =	vld [tilespmem:s0+$0xFB90]  }
0x146: {  	v10 =	vadd.f32 v13, v14;
	v5 =	vld [tilespmem:s0+$0xFBA0];
	v13 =	vadd.f32 v6, v8  }
0x147: {  	v8 =	vadd.f32 v0, v2;
	v11 =	vadd.f32 v1, v7;
	v6 =	vld [tilespmem:s0+$0xFBB0]  }
0x148: {  	v10 =	vadd.f32 v9, v10;
	v0 =	vld [tilespmem:s0+$0xFBC0];
	v9 =	vadd.f32 v12, v13  }
0x149: {  	v1 =	vld [tilespmem:s0+$0xFBD0]  }
0x14a: {  	v13 =	vld [tilespmem:s0+$0xFB00]  }
0x14b: {  	v15 =	vld [tilespmem:s0+$0xFB10]  }
0x14c: {  	v12 =	vld [tilespmem:s0+$0xFB20]  }
0x14d: {  	v14 =	vld [tilespmem:s0+$0xFB30]  }
0x14e: {  	v2 =	vld [tilespmem:s0+$0xFB40]  }
0x14f: {  	v7 =	vld [tilespmem:s0+$0xFB50]  }
0x150: {  	v20 =	vld [tilespmem:s0+$0xFA80]  }
0x151: {  	v22 =	vld [tilespmem:s0+$0xFA90]  }
0x152: {  	v17 =	vld [tilespmem:s0+$0xFA00]  }
0x153: {  	v18 =	vld [tilespmem:s0+$0xFA10]  }
0x154: {  	v19 =	vld [tilespmem:s0+$0xFA20]  }
0x155: {  	v21 =	vld [tilespmem:s0+$0xFA30]  }
0x156: {  	v25 =	vld [tilespmem:s0+$0xFAA0]  }
0x157: {  	v28 =	vld [tilespmem:s0+$0xFAB0]  }
.Ltmp3:
0x158: {  	v16 =	vld [tilespmem:s0+$0xFAC0];
	(pc) =	sbr.rel @p0 .LBB2_9-.Ltmp3, $4  }
0x159: {  	v23 =	vadd.f32 v17, v23;
	v24 =	vadd.f32 v18, v24;
	v17 =	vld [tilespmem:s0+$0xFAD0]  }
0x15a: {  	v26 =	vadd.f32 v19, v26;
	v27 =	vadd.f32 v21, v27;
	v18 =	vld [tilespmem:s0+$0xFA40]  }
0x15b: {  	v21 =	vadd.f32 v20, v23;
	v22 =	vadd.f32 v22, v24;
	v19 =	vld [tilespmem:s0+$0xFA50]  }
0x15c: {  	s9 =	sadd.s32 $0x800, s9;
	v23 =	vadd.f32 v25, v26;
	v20 =	vld [tilespmem:s0+$0xFA60];
	v24 =	vadd.f32 v28, v27  }
0x15d: {  	v13 =	vadd.f32 v13, v21;
	v15 =	vadd.f32 v15, v22  }
0x15e: {  	v50 =	vld [tilespmem:s0+$0xFA70];
	v12 =	vadd.f32 v12, v23;
	v14 =	vadd.f32 v14, v24  }
0x15f: {  	v51 =	vld [tilespmem:s0+$0xFAE0];
	v3 =	vadd.f32 v3, v13;
	v4 =	vadd.f32 v4, v15  }
0x160: {  	v52 =	vld [tilespmem:s0+$0xFAF0];
	v8 =	vadd.f32 v18, v8;
	v5 =	vadd.f32 v5, v12  }
0x161: {  	v53 =	vld [tilespmem:s0+$0xFB60];
	v6 =	vadd.f32 v6, v14;
	v11 =	vadd.f32 v19, v11  }
0x162: {  	v54 =	vld [tilespmem:s0+$0xFB70];
	v10 =	vadd.f32 v20, v10;
	v8 =	vadd.f32 v16, v8  }
0x163: {  	v55 =	vld [tilespmem:s0+$0xFBE0];
	v9 =	vadd.f32 v50, v9;
	v11 =	vadd.f32 v17, v11  }
0x164: {  	v56 =	vld [tilespmem:s0+$0xFBF0];
	v10 =	vadd.f32 v51, v10;
	v2 =	vadd.f32 v2, v8  }
0x165: {  	v57 =	vadd.f32 v52, v9;
	v7 =	vadd.f32 v7, v11  }
0x166: {  	v58 =	vadd.f32 v53, v10;
	v0 =	vadd.f32 v0, v2  }
0x167: {  	v59 =	vadd.f32 v54, v57;
	v1 =	vadd.f32 v1, v7  }
0x168: {  	v60 =	vadd.f32 v55, v58;
	v0 =	vadd.f32 v0, v3  }
0x169: {  	s31 =	sadd.s32 $0x1, s31;
	v2 =	vadd.f32 v56, v59;
	v1 =	vadd.f32 v1, v4  }
0x16a: {  	p0 =	sne.s32 s31, $0x20;
	v0 =	vmul.f32 $4.999999890e-03, v0;
	v61 =	vadd.f32 v60, v5  }
.Ltmp4:
0x16b: {  	v1 =	vmul.f32 $4.999999890e-03, v1;
	v2 =	vadd.f32 v2, v6;
	(pc) =	sbr.rel @p0 .LBB2_2-.Ltmp4, $4  }
0x16c: {  	[tilespmem:s1+$0x12CC0] =	vst v0;
	v62 =	vmul.f32 $4.999999890e-03, v61  }
0x16d: {  	[tilespmem:s1+$0x12CD0] =	vst v1;
	v63 =	vmul.f32 $4.999999890e-03, v2  }
0x16e: {  	[tilespmem:s1+$0x12CE0] =	vst v62  }
0x16f: {  	[tilespmem:s1+$0x12CF0] =	vst v63  }
0x170: {  	s30 =	sadd.s32 $0x1, s30  }
0x171: {  	p0 =	sne.s32 s30, s6  }
.Ltmp5:
0x172: {  	_ = 	snop;
	(pc) =	sbr.rel @p0 .LBB2_1-.Ltmp5, $4  }
0x173: {  	[hbm4b:s5+s2] =	stream.linear.scatter [tilespmem:s29], [sflag:$0x5], $0x2000, $0x38;
	[tilespmem:$0x14C00] =	vst v63  }
0x174: {  	_ =	swait.ge [sflag:s7], $0x2000  }
0x175: {  	[sflag:s7] =	ssyncset.done $0x0  }
0x176: {  	[sflag:s7] =	ssyncadd.s32 $0xFFFFE000  }
0x177: {  	_ =	sfence.sel $0x180000  }
0x178: {  	[bflag:$0x0] =	sbarrier.arrive $0xFFFF  }
0x179: {  	_ =	strace $0x90000047  }
0x17a: {  	s0 =	stileid.u32;
	[bflag:$0x2] =	sbarrier.arrive $0xFFFF  }
0x17b: {  	p0 =	sne.s32 s0, $0x0;
	s0 =	rddreg [dreg:$0x2]  }
0x17c: {  	s0 =	sadd.s32 @!p0 $0x100000, s0  }
0x17d: {  	[sflag:s0] =	ssyncadd.tile.s32 @!p0 $0x1;
	_ =	shalt  }
.Lfunc_end2:
_tile_overlayer_lowered:
.L_overlay_start_2:
0x17e: {  	(tag) =	ssettag $0x2  }
0x17f: {  	s0 =	rddreg [dreg:$0x0];
	s2 =	stileid.u32  }
0x180: {  	s1 =	rddreg [dreg:$0x1];
	p0 =	sne.s32 s2, $0x0  }
0x181: {  	s3 =	rddreg [dreg:$0x2];
	[bflag:$0x3] =	sbarrier.arrive $0xFFFF;
	s2 =	simm.s32 @!p0 $0x1C05  }
0x182: {  	[timem:s3], [sflag:s2] =	dma.local @!p0 [hbm:s0], s1  }
0x183: {  	s0 =	simm.s32 @!p0 $0x5  }
0x184: {  	_ =	swait.ge @!p0 [sflag:s0], s1  }
0x185: {  	s1 =	ssub.s32 @!p0 $0x0, s1;
	[sflag:s0] =	ssyncset.done @!p0 $0x0  }
0x186: {  	[sflag:s0] =	ssyncadd.s32 @!p0 s1  }
0x187: {  	[bflag:$0x3] =	sbarrier.arrive $0xFFFF  }
0x188: {  	_ =	shalt  }

</sc_bundles>
